<compile_context>
chip_gen: v7x
topology: tpu7x:2x2x1
jax: 0.10.2.dev20260603
libtpu: 0.0.44.dev20260713+nightly
codegen_flags: <defaults>
</compile_context>

<pallas_src>
import functools
import math

import jax
import jax.numpy as jnp
from jax import lax
from jax.experimental import pallas as pl
from jax.experimental.pallas import tpu as pltpu
from jax.experimental.pallas import tpu_sc as plsc

C_IN = 64
NSAMPLE = 16
VOXEL = 0.25

_QB = 512
_MB = 4096
_PB = _MB // NSAMPLE

_HIGH = lax.Precision.HIGHEST


def _mm(x, wt, precision=None):
    return lax.dot_general(x, wt, (((1,), (0,)), ((), ())),
                           precision=precision,
                           preferred_element_type=jnp.float32)


def _leaky(x):
    return jnp.where(x > 0, x, 0.1 * x)




def _knn_body(qmat_ref, bmat_ref, out_ref):
    q = qmat_ref[0]
    bm = bmat_ref[0]
    s = jnp.dot(q, bm, preferred_element_type=jnp.float32)
    qq = (q[:, 0:1] * q[:, 0:1] + q[:, 1:2] * q[:, 1:2]) + q[:, 2:3] * q[:, 2:3]
    bb = bm[3:4, :]
    d = (qq - 2.0 * s) + bb
    iota = lax.broadcasted_iota(jnp.int32, d.shape, 1)
    big = jnp.int32(2 ** 30)
    for r in range(NSAMPLE):
        m = jnp.min(d, axis=1, keepdims=True)
        sel = jnp.min(jnp.where(d <= m, iota, big), axis=1, keepdims=True)
        out_ref[0, :, r:r + 1] = sel
        d = jnp.where(iota == sel, jnp.float32(jnp.inf), d)


def _knn_pallas(x1, x2):
    B, N, _ = x1.shape
    q_all = jnp.concatenate([x1, x2], axis=0)
    b_all = jnp.concatenate([x2, x1], axis=0)
    zeros1 = jnp.zeros((2 * B, N, 1), jnp.float32)
    zeros4 = jnp.zeros((2 * B, N, 4), jnp.float32)
    qmat = jnp.concatenate([q_all, zeros1, zeros4], axis=-1)
    bb = jnp.sum(b_all * b_all, axis=-1, keepdims=True)
    bmat = jnp.concatenate([b_all, bb, zeros4], axis=-1).transpose(0, 2, 1)

    return pl.pallas_call(
        _knn_body,
        grid=(2 * B, N // _QB),
        in_specs=[
            pl.BlockSpec((1, _QB, 8), lambda g, i: (g, i, 0)),
            pl.BlockSpec((1, 8, N), lambda g, i: (g, 0, 0)),
        ],
        out_specs=pl.BlockSpec((1, _QB, NSAMPLE), lambda g, i: (g, i, 0)),
        out_shape=jax.ShapeDtypeStruct((2 * B, N, NSAMPLE), jnp.int32),
    )(qmat, bmat)




def _gather_rows(table, idx, chunk):
    T, D = table.shape
    Mtot = idx.shape[0]
    NC, NS = 2, 16
    NW = NC * NS
    per_w = Mtot // NW
    n_iter = per_w // chunk
    mesh = plsc.VectorSubcoreMesh(core_axis_name="c", subcore_axis_name="s")

    @functools.partial(
        pl.kernel, mesh=mesh,
        out_type=jax.ShapeDtypeStruct((Mtot, D), jnp.float32),
        scratch_types=[
            pltpu.VMEM((chunk,), jnp.int32),
            pltpu.VMEM((chunk, D), jnp.float32),
            pltpu.SemaphoreType.DMA,
        ],
    )
    def k(table_hbm, idx_hbm, out_hbm, idx_v, rows_v, sem):
        wid = lax.axis_index("s") * NC + lax.axis_index("c")
        base = wid * per_w

        def body(j, carry):
            off = base + j * chunk
            pltpu.sync_copy(idx_hbm.at[pl.ds(off, chunk)], idx_v)
            pltpu.async_copy(table_hbm.at[idx_v], rows_v, sem).wait()
            pltpu.sync_copy(rows_v, out_hbm.at[pl.ds(off, chunk)])
            return carry

        lax.fori_loop(0, n_iter, body, 0)

    return k(table, idx)




def _p1_body(nx_ref, xq_ref, w_ref, b_ref, pd_ref, s_ref, q_ref):
    i = pl.program_id(1)
    xq = xq_ref[...]
    xq_rep = jnp.broadcast_to(xq[:, None, :], (_PB, NSAMPLE, 16)).reshape(_MB, 16)
    pd = nx_ref[:, 0:16] - xq_rep
    pd_ref[...] = pd
    h0 = _mm(pd, w_ref[...]) + b_ref[...]

    @pl.when(i == 0)
    def _():
        s_ref[...] = jnp.zeros_like(s_ref)
        q_ref[...] = jnp.zeros_like(q_ref)

    s_ref[...] += jnp.sum(h0, axis=0, keepdims=True)[None]
    q_ref[...] += jnp.sum(h0 * h0, axis=0, keepdims=True)[None]


def _p2_body(pd_ref, cst_ref, wie1_ref, bie1_ref, wie2_ref, bie2_ref,
             pec_ref, bpec_ref, d24_ref, wpm1_ref, bpm1_ref,
             h3_ref, s_ref, q_ref):
    i = pl.program_id(1)
    pd = pd_ref[...]
    h0 = _mm(pd, wie1_ref[...]) + bie1_ref[...]
    a0 = cst_ref[0, 0:1, 0:64]
    c0 = cst_ref[0, 1:2, 0:64]
    h1 = jax.nn.relu(h0 * a0 + c0)
    h2 = _mm(h1, wie2_ref[...]) + bie2_ref[...]

    r = VOXEL
    dis_voxel = jnp.round(pd / r)
    pe_raw = (pd - dis_voxel * r) / r
    e = pe_raw / (1.0 + 1e-06) * (2.0 * math.pi)
    cols = [jnp.broadcast_to(e[:, c:c + 1], (_MB, 8)) for c in range(3)]
    e24 = jnp.concatenate(cols, axis=1)
    q24 = e24 / d24_ref[...]
    lane = lax.broadcasted_iota(jnp.int32, (_MB, 24), 1)
    feats = jnp.where(lane % 2 == 0, jnp.sin(q24), jnp.cos(q24))
    pos = _mm(feats, pec_ref[...]) + bpec_ref[...]

    h3 = h2 + pos
    h3_ref[...] = h3
    g1 = _mm(h3, wpm1_ref[...]) + bpm1_ref[...]

    @pl.when(i == 0)
    def _():
        s_ref[...] = jnp.zeros_like(s_ref)
        q_ref[...] = jnp.zeros_like(q_ref)

    s_ref[...] += jnp.sum(g1, axis=0, keepdims=True)[None]
    q_ref[...] += jnp.sum(g1 * g1, axis=0, keepdims=True)[None]


def _h4_from_h3(h3, cst_ref, wpm1_ref, bpm1_ref):
    g1 = _mm(h3, wpm1_ref[...]) + bpm1_ref[...]
    a1 = cst_ref[0, 0:1, 0:64]
    c1 = cst_ref[0, 1:2, 0:64]
    return jax.nn.relu(g1 * a1 + c1)


def _p3_body(h3_ref, cst_ref, wpm1_ref, bpm1_ref, s_ref, m_ref):
    i = pl.program_id(1)
    h4 = _h4_from_h3(h3_ref[...], cst_ref, wpm1_ref, bpm1_ref)

    @pl.when(i == 0)
    def _():
        s_ref[...] = jnp.zeros_like(s_ref)
        m_ref[...] = jnp.zeros_like(m_ref)

    s_ref[...] += jnp.sum(h4, axis=0, keepdims=True)[None]
    mom = lax.dot_general(h4, h4, (((0,), (0,)), ((), ())),
                          precision=_HIGH, preferred_element_type=jnp.float32)
    m_ref[...] += mom[None]


def _h5_from_h3(h3, cst_ref, wpm1_ref, bpm1_ref, wpm2_ref, bpm2_ref):
    h4 = _h4_from_h3(h3, cst_ref, wpm1_ref, bpm1_ref)
    g2 = _mm(h4, wpm2_ref[...]) + bpm2_ref[...]
    a2 = cst_ref[0, 2:3, 0:64]
    c2 = cst_ref[0, 3:4, 0:64]
    return jax.nn.relu(g2 * a2 + c2)


def _p4_body(h3_ref, cst_ref, wpm1_ref, bpm1_ref, wpm2_ref, bpm2_ref,
             s_ref, m_ref):
    i = pl.program_id(1)
    h5 = _h5_from_h3(h3_ref[...], cst_ref, wpm1_ref, bpm1_ref, wpm2_ref, bpm2_ref)

    @pl.when(i == 0)
    def _():
        s_ref[...] = jnp.zeros_like(s_ref)
        m_ref[...] = jnp.zeros_like(m_ref)

    s_ref[...] += jnp.sum(h5, axis=0, keepdims=True)[None]
    mom = lax.dot_general(h5, h5, (((0,), (0,)), ((), ())),
                          precision=_HIGH, preferred_element_type=jnp.float32)
    m_ref[...] += mom[None]


def _attn_from_h3(h3, cst_ref, wpm1_ref, bpm1_ref, wpm2_ref, bpm2_ref,
                  wpm3_ref, bpm3_ref):
    h5 = _h5_from_h3(h3, cst_ref, wpm1_ref, bpm1_ref, wpm2_ref, bpm2_ref)
    g3 = _mm(h5, wpm3_ref[...]) + bpm3_ref[...]
    a3 = cst_ref[0, 4:5, 0:32]
    c3 = cst_ref[0, 5:6, 0:32]
    h6 = g3 * a3 + c3
    w4 = cst_ref[0, 6:7, 0:32]
    b4 = cst_ref[0, 7:8, 0:1]
    a4 = cst_ref[0, 7:8, 1:2]
    c4 = cst_ref[0, 7:8, 2:3]
    g4 = jnp.sum(h6 * w4, axis=1, keepdims=True) + b4
    h7 = g4 * a4 + c4
    att = h7.reshape(_PB, NSAMPLE)
    mx = jnp.max(att, axis=1, keepdims=True)
    ex = jnp.exp(att - mx)
    return ex / jnp.sum(ex, axis=1, keepdims=True)


def _feat_mlp(fq, gfb, wq_ref, wg_ref, b1_ref, w2_ref, b2_ref, w3_ref, b3_ref):
    uq = _mm(fq, wq_ref[...])
    urep = jnp.broadcast_to(uq[:, None, :], (_PB, NSAMPLE, 64)).reshape(_MB, 64)
    t1 = _leaky(urep + _mm(gfb[:, 64:128], wg_ref[...]) + b1_ref[...])
    t2 = _leaky(_mm(t1, w2_ref[...]) + b2_ref[...])
    return _leaky(_mm(t2, w3_ref[...]) + b3_ref[...])


def _wsum(att, x, d):
    return jnp.sum(att[:, :, None] * x.reshape(_PB, NSAMPLE, d), axis=1)


def _p5a_body(h3_ref, cst_ref, wpm1_ref, bpm1_ref, wpm2_ref, bpm2_ref,
              wpm3_ref, bpm3_ref, fq_ref, gfb_ref,
              wq_ref, wg_ref, b1_ref, w2_ref, b2_ref, w3_ref, b3_ref,
              cost_ref):
    att = _attn_from_h3(h3_ref[...], cst_ref, wpm1_ref, bpm1_ref,
                        wpm2_ref, bpm2_ref, wpm3_ref, bpm3_ref)
    c = _feat_mlp(fq_ref[...], gfb_ref[...], wq_ref, wg_ref, b1_ref,
                  w2_ref, b2_ref, w3_ref, b3_ref)
    cost_ref[...] = _wsum(att, c, 128)


def _p5b_body(h3_ref, cst_ref, wpm1_ref, bpm1_ref, wpm2_ref, bpm2_ref,
              wpm3_ref, bpm3_ref, fq_ref, gfb_ref,
              wq_ref, wg_ref, b1_ref, w2_ref, b2_ref, w3_ref, b3_ref,
              pd_ref, gc2_ref, w3a_ref, w3b_ref, b31_ref, w32_ref, b32_ref,
              w33_ref, b33_ref,
              w4a_ref, w4b_ref, b41_ref, w42_ref, b42_ref, w43_ref, b43_ref,
              c4_ref, flow_ref):
    att = _attn_from_h3(h3_ref[...], cst_ref, wpm1_ref, bpm1_ref,
                        wpm2_ref, bpm2_ref, wpm3_ref, bpm3_ref)
    c1 = _feat_mlp(fq_ref[...], gfb_ref[...], wq_ref, wg_ref, b1_ref,
                   w2_ref, b2_ref, w3_ref, b3_ref)
    cost1 = _wsum(att, c1, 128)

    pd = pd_ref[...]
    t = _leaky(_mm(gc2_ref[...], w3a_ref[...]) + _mm(pd, w3b_ref[...]) + b31_ref[...])
    t2 = _leaky(_mm(t, w32_ref[...]) + b32_ref[...])
    c3 = _leaky(_mm(t2, w33_ref[...]) + b33_ref[...])
    cost21 = _wsum(att, c3, 128)

    flow_ref[...] = _wsum(att, pd, 16)

    m1 = _leaky(_mm(cost1, w4a_ref[...]) + _mm(cost21, w4b_ref[...]) + b41_ref[...])
    m2 = _leaky(_mm(m1, w42_ref[...]) + b42_ref[...])
    c4_ref[...] = _leaky(_mm(m2, w43_ref[...]) + b43_ref[...])




def _row(v, width=128):
    v = jnp.asarray(v, jnp.float32).reshape(1, -1)
    return jnp.pad(v, ((0, 0), (0, width - v.shape[1])))


def _bn_ac(mean, var, g, b, eps):
    a = g / jnp.sqrt(var + eps)
    return a, b - mean * a


def _stats_from_sums(s, q, count):
    mean = s / count
    var = q / count - mean * mean
    return mean, var


def _lin_stats(mean_x, mom_x, w, b):
    mean_y = mean_x @ w.T + b
    wm = w @ mom_x
    e2 = jnp.sum(wm * w, axis=1) + 2.0 * b * (w @ mean_x) + b * b
    return mean_y, e2 - mean_y * mean_y


def kernel(xyz1, xyz2, points1, points2, params):
    B = xyz1.shape[0]
    N = xyz1.shape[2]
    K = NSAMPLE
    M_per_g = N * K
    n_mb = M_per_g // _MB
    Mdir = jnp.float32(B * N * K)

    x1 = xyz1.transpose(0, 2, 1)
    x2 = xyz2.transpose(0, 2, 1)
    f1 = points1.transpose(0, 2, 1)
    f2 = points2.transpose(0, 2, 1)

    idx_all = _knn_pallas(x1, x2)

    pad13 = jnp.zeros((2 * B * N, 13), jnp.float32)
    base_coords = jnp.concatenate(
        [x2.reshape(B * N, 3), x1.reshape(B * N, 3)], axis=0)
    base_feats = jnp.concatenate(
        [f2.reshape(B * N, C_IN), f1.reshape(B * N, C_IN)], axis=0)
    t_base = jnp.concatenate(
        [base_coords, jnp.zeros((2 * B * N, 61), jnp.float32), base_feats],
        axis=1)

    offs = (jnp.arange(2 * B, dtype=jnp.int32) * N)[:, None, None]
    idx_flat = (idx_all + offs).reshape(-1)

    gall = _gather_rows(t_base, idx_flat, 512)

    q_pad = jnp.concatenate(
        [jnp.concatenate([x1.reshape(B * N, 3), x2.reshape(B * N, 3)], axis=0),
         pad13], axis=1)
    fq = jnp.concatenate([f1.reshape(B * N, C_IN), f2.reshape(B * N, C_IN)],
                         axis=0)

    wp = params["wn2"]
    Mall = 2 * B * N * K

    wie1_p = jnp.pad(wp["ie1"]["W"].T, ((0, 13), (0, 128 - 64)))
    p1 = pl.pallas_call(
        _p1_body,
        grid=(2 * B, n_mb),
        in_specs=[
            pl.BlockSpec((_MB, 128), lambda g, i: (g * n_mb + i, 0)),
            pl.BlockSpec((_PB, 16), lambda g, i: (g * n_mb + i, 0)),
            pl.BlockSpec((16, 128), lambda g, i: (0, 0)),
            pl.BlockSpec((1, 128), lambda g, i: (0, 0)),
        ],
        out_specs=[
            pl.BlockSpec((_MB, 16), lambda g, i: (g * n_mb + i, 0)),
            pl.BlockSpec((1, 1, 128), lambda g, i: (g, 0, 0)),
            pl.BlockSpec((1, 1, 128), lambda g, i: (g, 0, 0)),
        ],
        out_shape=[
            jax.ShapeDtypeStruct((Mall, 16), jnp.float32),
            jax.ShapeDtypeStruct((2 * B, 1, 128), jnp.float32),
            jax.ShapeDtypeStruct((2 * B, 1, 128), jnp.float32),
        ],
    )(gall, q_pad, wie1_p, _row(wp["ie1"]["b"]))
    pd_all, s0, q0 = p1
    s0 = s0[:, 0, :64].reshape(2, B, 64).sum(1)
    q0 = q0[:, 0, :64].reshape(2, B, 64).sum(1)
    mean0, var0 = _stats_from_sums(s0, q0, Mdir)
    a0, c0 = _bn_ac(mean0, var0, wp["ie_bn"]["g"], wp["ie_bn"]["b"], 1e-05)

    def _cst2(a_list):
        rows = []
        for d in range(2):
            rr = [_row(r[d]) if r.ndim == 2 else _row(r) for r in a_list]
            while len(rr) < 8:
                rr.append(jnp.zeros((1, 128), jnp.float32))
            rows.append(jnp.concatenate(rr, axis=0)[None])
        return jnp.concatenate(rows, axis=0)

    cst_p2 = _cst2([a0, c0])

    d24 = jnp.array([[1.0, 1.0, 10.0, 10.0, 100.0, 100.0, 1000.0, 1000.0] * 3],
                    jnp.float32)
    wie1_t = jnp.pad(wp["ie1"]["W"].T, ((0, 13), (0, 0)))
    wpm1_p = jnp.pad(wp["pm1"]["W"].T, ((0, 0), (0, 64)))
    p2 = pl.pallas_call(
        _p2_body,
        grid=(2 * B, n_mb),
        in_specs=[
            pl.BlockSpec((_MB, 16), lambda g, i: (g * n_mb + i, 0)),
            pl.BlockSpec((1, 8, 128), lambda g, i: (g // 2, 0, 0)),
            pl.BlockSpec((16, 64), lambda g, i: (0, 0)),
            pl.BlockSpec((1, 64), lambda g, i: (0, 0)),
            pl.BlockSpec((64, 64), lambda g, i: (0, 0)),
            pl.BlockSpec((1, 64), lambda g, i: (0, 0)),
            pl.BlockSpec((24, 64), lambda g, i: (0, 0)),
            pl.BlockSpec((1, 64), lambda g, i: (0, 0)),
            pl.BlockSpec((1, 24), lambda g, i: (0, 0)),
            pl.BlockSpec((64, 128), lambda g, i: (0, 0)),
            pl.BlockSpec((1, 128), lambda g, i: (0, 0)),
        ],
        out_specs=[
            pl.BlockSpec((_MB, 64), lambda g, i: (g * n_mb + i, 0)),
            pl.BlockSpec((1, 1, 128), lambda g, i: (g, 0, 0)),
            pl.BlockSpec((1, 1, 128), lambda g, i: (g, 0, 0)),
        ],
        out_shape=[
            jax.ShapeDtypeStruct((Mall, 64), jnp.float32),
            jax.ShapeDtypeStruct((2 * B, 1, 128), jnp.float32),
            jax.ShapeDtypeStruct((2 * B, 1, 128), jnp.float32),
        ],
    )(pd_all, cst_p2, wie1_t, _row(wp["ie1"]["b"], 64),
      wp["ie2"]["W"].T, _row(wp["ie2"]["b"], 64),
      wp["pec"]["W"].T, _row(wp["pec"]["b"], 64), d24,
      wpm1_p, _row(wp["pm1"]["b"]))
    h3_all, s1, q1 = p2
    s1 = s1[:, 0, :64].reshape(2, B, 64).sum(1)
    q1 = q1[:, 0, :64].reshape(2, B, 64).sum(1)
    mean1, var1 = _stats_from_sums(s1, q1, Mdir)
    a1, c1 = _bn_ac(mean1, var1, wp["pm1_bn"]["g"], wp["pm1_bn"]["b"], 0.001)

    cst_p3 = _cst2([a1, c1])
    wpm1_t = wp["pm1"]["W"].T
    bpm1 = _row(wp["pm1"]["b"], 64)

    p3 = pl.pallas_call(
        _p3_body,
        grid=(2 * B, n_mb),
        in_specs=[
            pl.BlockSpec((_MB, 64), lambda g, i: (g * n_mb + i, 0)),
            pl.BlockSpec((1, 8, 128), lambda g, i: (g // 2, 0, 0)),
            pl.BlockSpec((64, 64), lambda g, i: (0, 0)),
            pl.BlockSpec((1, 64), lambda g, i: (0, 0)),
        ],
        out_specs=[
            pl.BlockSpec((1, 1, 64), lambda g, i: (g, 0, 0)),
            pl.BlockSpec((1, 64, 64), lambda g, i: (g, 0, 0)),
        ],
        out_shape=[
            jax.ShapeDtypeStruct((2 * B, 1, 64), jnp.float32),
            jax.ShapeDtypeStruct((2 * B, 64, 64), jnp.float32),
        ],
    )(h3_all, cst_p3, wpm1_t, bpm1)
    s4, m4 = p3
    mean_h4 = s4[:, 0, :].reshape(2, B, 64).sum(1) / Mdir
    mom_h4 = m4.reshape(2, B, 64, 64).sum(1) / Mdir
    mean2 = jnp.stack([_lin_stats(mean_h4[d], mom_h4[d], wp["pm2"]["W"],
                                  wp["pm2"]["b"])[0] for d in range(2)])
    var2 = jnp.stack([_lin_stats(mean_h4[d], mom_h4[d], wp["pm2"]["W"],
                                 wp["pm2"]["b"])[1] for d in range(2)])
    a2, c2 = _bn_ac(mean2, var2, wp["pm2_bn"]["g"], wp["pm2_bn"]["b"], 0.001)

    cst_p4 = _cst2([a1, c1, a2, c2])
    wpm2_t = wp["pm2"]["W"].T
    bpm2 = _row(wp["pm2"]["b"], 64)

    p4 = pl.pallas_call(
        _p4_body,
        grid=(2 * B, n_mb),
        in_specs=[
            pl.BlockSpec((_MB, 64), lambda g, i: (g * n_mb + i, 0)),
            pl.BlockSpec((1, 8, 128), lambda g, i: (g // 2, 0, 0)),
            pl.BlockSpec((64, 64), lambda g, i: (0, 0)),
            pl.BlockSpec((1, 64), lambda g, i: (0, 0)),
            pl.BlockSpec((64, 64), lambda g, i: (0, 0)),
            pl.BlockSpec((1, 64), lambda g, i: (0, 0)),
        ],
        out_specs=[
            pl.BlockSpec((1, 1, 64), lambda g, i: (g, 0, 0)),
            pl.BlockSpec((1, 64, 64), lambda g, i: (g, 0, 0)),
        ],
        out_shape=[
            jax.ShapeDtypeStruct((2 * B, 1, 64), jnp.float32),
            jax.ShapeDtypeStruct((2 * B, 64, 64), jnp.float32),
        ],
    )(h3_all, cst_p4, wpm1_t, bpm1, wpm2_t, bpm2)
    s5, m5 = p4
    mean_h5 = s5[:, 0, :].reshape(2, B, 64).sum(1) / Mdir
    mom_h5 = m5.reshape(2, B, 64, 64).sum(1) / Mdir

    a3l, c3l, w4r, sc_rows = [], [], [], []
    for d in range(2):
        m3, v3 = _lin_stats(mean_h5[d], mom_h5[d], wp["pm3"]["W"], wp["pm3"]["b"])
        a3, c3 = _bn_ac(m3, v3, wp["pm3_bn"]["g"], wp["pm3_bn"]["b"], 0.001)
        w4row = wp["pm4"]["W"][0]
        w_eff = wp["pm3"]["W"].T @ (a3 * w4row)
        b_eff = (wp["pm3"]["b"] * (a3 * w4row)).sum() + (c3 * w4row).sum() \
            + wp["pm4"]["b"][0]
        mean4l = mean_h5[d] @ w_eff + b_eff
        e4 = w_eff @ mom_h5[d] @ w_eff + 2.0 * b_eff * (mean_h5[d] @ w_eff) \
            + b_eff * b_eff
        var4l = e4 - mean4l * mean4l
        a4 = wp["pm4_bn"]["g"][0] / jnp.sqrt(var4l + 0.001)
        c4bn = wp["pm4_bn"]["b"][0] - mean4l * a4
        a3l.append(a3)
        c3l.append(c3)
        w4r.append(w4row)
        sc_rows.append(jnp.stack([wp["pm4"]["b"][0], a4, c4bn]))

    def _cst_dir(d):
        rows = [_row(a1[d]), _row(c1[d]), _row(a2[d]), _row(c2[d]),
                _row(a3l[d]), _row(c3l[d]), _row(w4r[d]), _row(sc_rows[d])]
        return jnp.concatenate(rows, axis=0)[None]

    cst5 = jnp.concatenate([_cst_dir(0), _cst_dir(1)], axis=0)

    wpm3_t = wp["pm3"]["W"].T
    bpm3 = _row(wp["pm3"]["b"], 32)

    def _mlp_w(ml):
        w1, w2, w3 = ml
        return (w1["W"][:, :64].T, w1["W"][:, 64:].T, _row(w1["b"], 64),
                w2["W"].T, _row(w2["b"], 64), w3["W"].T, _row(w3["b"], 128))

    nb2 = B * M_per_g // _MB

    def attn_specs(off):
        return [
            pl.BlockSpec((_MB, 64), lambda i, o=off: (o + i, 0)),
            pl.BlockSpec((1, 8, 128), lambda i: (0, 0, 0)),
            pl.BlockSpec((64, 64), lambda i: (0, 0)),
            pl.BlockSpec((1, 64), lambda i: (0, 0)),
            pl.BlockSpec((64, 64), lambda i: (0, 0)),
            pl.BlockSpec((1, 64), lambda i: (0, 0)),
            pl.BlockSpec((64, 32), lambda i: (0, 0)),
            pl.BlockSpec((1, 32), lambda i: (0, 0)),
            pl.BlockSpec((_PB, 64), lambda i, o=off: (o + i, 0)),
            pl.BlockSpec((_MB, 128), lambda i, o=off: (o + i, 0)),
            pl.BlockSpec((64, 64), lambda i: (0, 0)),
            pl.BlockSpec((64, 64), lambda i: (0, 0)),
            pl.BlockSpec((1, 64), lambda i: (0, 0)),
            pl.BlockSpec((64, 64), lambda i: (0, 0)),
            pl.BlockSpec((1, 64), lambda i: (0, 0)),
            pl.BlockSpec((64, 128), lambda i: (0, 0)),
            pl.BlockSpec((1, 128), lambda i: (0, 0)),
        ]

    cost2 = pl.pallas_call(
        _p5a_body,
        grid=(nb2,),
        in_specs=attn_specs(nb2),
        out_specs=pl.BlockSpec((_PB, 128), lambda i: (i, 0)),
        out_shape=jax.ShapeDtypeStruct((B * N, 128), jnp.float32),
    )(h3_all, cst5[1:2], wpm1_t, bpm1, wpm2_t, bpm2, wpm3_t, bpm3,
      fq, gall, *_mlp_w(params["mlp2"]))

    idx12_flat = idx_flat[:B * N * K]
    gc2 = _gather_rows(cost2, idx12_flat, 512)

    w3 = params["mlp3"]
    w4 = params["mlp4"]
    w3b_p = jnp.pad(w3[0]["W"][:, 128:].T, ((0, 13), (0, 0)))
    c4_rows, flow_pad = pl.pallas_call(
        _p5b_body,
        grid=(nb2,),
        in_specs=attn_specs(0) + [
            pl.BlockSpec((_MB, 16), lambda i: (i, 0)),
            pl.BlockSpec((_MB, 128), lambda i: (i, 0)),
            pl.BlockSpec((128, 64), lambda i: (0, 0)),
            pl.BlockSpec((16, 64), lambda i: (0, 0)),
            pl.BlockSpec((1, 64), lambda i: (0, 0)),
            pl.BlockSpec((64, 64), lambda i: (0, 0)),
            pl.BlockSpec((1, 64), lambda i: (0, 0)),
            pl.BlockSpec((64, 128), lambda i: (0, 0)),
            pl.BlockSpec((1, 128), lambda i: (0, 0)),
            pl.BlockSpec((128, 64), lambda i: (0, 0)),
            pl.BlockSpec((128, 64), lambda i: (0, 0)),
            pl.BlockSpec((1, 64), lambda i: (0, 0)),
            pl.BlockSpec((64, 64), lambda i: (0, 0)),
            pl.BlockSpec((1, 64), lambda i: (0, 0)),
            pl.BlockSpec((64, 128), lambda i: (0, 0)),
            pl.BlockSpec((1, 128), lambda i: (0, 0)),
        ],
        out_specs=[
            pl.BlockSpec((_PB, 128), lambda i: (i, 0)),
            pl.BlockSpec((_PB, 16), lambda i: (i, 0)),
        ],
        out_shape=[
            jax.ShapeDtypeStruct((B * N, 128), jnp.float32),
            jax.ShapeDtypeStruct((B * N, 16), jnp.float32),
        ],
    )(h3_all, cst5[0:1], wpm1_t, bpm1, wpm2_t, bpm2, wpm3_t, bpm3,
      fq, gall, *_mlp_w(params["mlp1"]),
      pd_all, gc2,
      w3[0]["W"][:, :128].T, w3b_p, _row(w3[0]["b"], 64),
      w3[1]["W"].T, _row(w3[1]["b"], 64), w3[2]["W"].T, _row(w3[2]["b"], 128),
      w4[0]["W"][:, :128].T, w4[0]["W"][:, 128:].T, _row(w4[0]["b"], 64),
      w4[1]["W"].T, _row(w4[1]["b"], 64), w4[2]["W"].T, _row(w4[2]["b"], 128))

    c4 = c4_rows.reshape(B, N, 128).transpose(0, 2, 1)
    flow = flow_pad[:, :3].reshape(B, N, 3).transpose(0, 2, 1)
    return c4, flow

# --- scband reference (transcript-rebuilt; emitter-appended) ---
"""Pipeline reference for scband-point-conv-trans-flow-v3-9354438770931 (READ-ONLY COPY).

The authoritative reference and input builder live on the scoring server;
editing this copy changes nothing except your own understanding.
"""

import jax, jax.numpy as jnp
import numpy as np
import math

C_IN = 64
MLP = [64, 64, 128]
NSAMPLE = 16
VOXEL = 0.25
B, N1, N2 = 2, 4096, 4096


def _lin(k, din, dout):
    return {"W": jax.random.normal(k, (dout, din), jnp.float32) / np.sqrt(din), "b": jnp.zeros((dout,), jnp.float32)}


def _bnp(c):
    return {"g": jnp.ones((c,), jnp.float32), "b": jnp.zeros((c,), jnp.float32)}


def _mlp_params(keys, din, dims):
    layers = []
    for k, d in zip(keys, dims):
        layers.append(_lin(k, din, d))
        din = d
    return layers


def make_params(key):
    ks = list(jax.random.split(key, 32))
    p = {}
    p["mlp1"] = _mlp_params(ks[0:3], 2 * C_IN, MLP)
    p["mlp2"] = _mlp_params(ks[3:6], 2 * C_IN, MLP)
    p["mlp3"] = _mlp_params(ks[6:9], MLP[-1] + 3, MLP)
    p["mlp4"] = _mlp_params(ks[9:12], 2 * MLP[-1], MLP)
    oc = 64
    p["wn2"] = {
        "ie1": _lin(ks[12], 3, oc), "ie_bn": _bnp(oc), "ie2": _lin(ks[13], oc, oc),
        "pec": _lin(ks[14], 24, oc),
        "pm1": _lin(ks[15], oc, oc), "pm1_bn": _bnp(oc),
        "pm2": _lin(ks[16], oc, oc), "pm2_bn": _bnp(oc),
        "pm3": _lin(ks[17], oc, oc // 2), "pm3_bn": _bnp(oc // 2),
        "pm4": _lin(ks[18], oc // 2, 1), "pm4_bn": _bnp(1),
    }
    return p


def setup_inputs(seed: int = 0):
    key = jax.random.key(seed)
    k1, k2, k3, k4, kp = jax.random.split(key, 5)
    return {
        "xyz1": jax.random.normal(k1, (B, 3, N1), jnp.float32),
        "xyz2": jax.random.normal(k2, (B, 3, N2), jnp.float32),
        "points1": jax.random.normal(k3, (B, C_IN, N1), jnp.float32),
        "points2": jax.random.normal(k4, (B, C_IN, N2), jnp.float32),
        "params": make_params(kp),
    }


def _dense(x, l):
    return x @ l["W"].T + l["b"]


def _bn(x, p, eps=1e-05):
    m = jnp.mean(x, axis=(0, 1), keepdims=True)
    v = jnp.var(x, axis=(0, 1), keepdims=True)
    return (x - m) / jnp.sqrt(v + eps) * p["g"] + p["b"]


def _leaky(x):
    return jnp.where(x > 0, x, 0.1 * x)


def _knn(q, base, k):
    d = jnp.sum(q * q, -1)[:, :, None] - 2.0 * jnp.einsum("bnc,bmc->bnm", q, base) + jnp.sum(base * base, -1)[:, None, :]
    _, idx = jax.lax.top_k(-d, k)
    return idx


def _gather(pts, idx):
    return jax.vmap(lambda p, i: p[i])(pts, idx)


def _posenc(pe_raw, pec):
    scale = 2.0 * math.pi
    e = pe_raw / (1.0 + 1e-06) * scale
    i = jnp.arange(8, dtype=jnp.float32)
    dim_t = 10000.0 ** (2.0 * jnp.floor(i / 2.0) / 8.0)
    outs = []
    for c in range(3):
        p = e[:, c:c + 1] / dim_t
        p = jnp.stack([jnp.sin(p[:, 0::2]), jnp.cos(p[:, 1::2])], axis=2).reshape(p.shape[0], -1)
        outs.append(p)
    pos = jnp.concatenate(outs, axis=1)
    return _dense(pos, pec)


def _intra_patch(pos_diff, wp):
    Bq, Nq, S, _ = pos_diff.shape
    pd = pos_diff.reshape(-1, S, 3)
    r = VOXEL
    dis_voxel = jnp.round(pd / r)
    h = _dense(pd, wp["ie1"])
    h = jax.nn.relu(_bn(h, wp["ie_bn"]))
    h = _dense(h, wp["ie2"])
    pe_raw = ((pd - dis_voxel * r) / r).reshape(-1, 3)
    h = h + _posenc(pe_raw, wp["pec"]).reshape(pd.shape[0], S, -1)
    h = jax.nn.relu(_bn(_dense(h, wp["pm1"]), wp["pm1_bn"], 0.001))
    h = jax.nn.relu(_bn(_dense(h, wp["pm2"]), wp["pm2_bn"], 0.001))
    h = _bn(_dense(h, wp["pm3"]), wp["pm3_bn"], 0.001)
    h = _bn(_dense(h, wp["pm4"]), wp["pm4_bn"], 0.001)
    attn = jax.nn.softmax(h[:, :, 0], axis=-1)
    return attn.reshape(Bq, Nq, S)


def _run_mlp(x, layers):
    for l in layers:
        x = _leaky(_dense(x, l))
    return x


def _forward(xyz1, xyz2, points1, points2, params):
    x1 = xyz1.transpose(0, 2, 1)
    x2 = xyz2.transpose(0, 2, 1)
    f1 = points1.transpose(0, 2, 1)
    f2 = points2.transpose(0, 2, 1)
    K = NSAMPLE
    idx12 = _knn(x1, x2, K)
    nx2 = _gather(x2, idx12)
    dir12 = nx2 - x1[:, :, None, :]
    gf2 = _gather(f2, idx12)
    gf1 = jnp.broadcast_to(f1[:, :, None, :], gf2.shape)
    c1 = _run_mlp(jnp.concatenate([gf1, gf2], -1), params["mlp1"])
    attn1 = _intra_patch(dir12, params["wn2"])
    cost1 = jnp.sum(attn1[..., None] * c1, axis=2)

    idx21 = _knn(x2, x1, K)
    nx1 = _gather(x1, idx21)
    dir21 = nx1 - x2[:, :, None, :]
    gf1b = _gather(f1, idx21)
    gf2b = jnp.broadcast_to(f2[:, :, None, :], gf1b.shape)
    c2 = _run_mlp(jnp.concatenate([gf2b, gf1b], -1), params["mlp2"])
    attn2 = _intra_patch(dir21, params["wn2"])
    cost2 = jnp.sum(attn2[..., None] * c2, axis=2)

    gc2 = _gather(cost2, idx12)
    c3 = _run_mlp(jnp.concatenate([gc2, dir12], -1), params["mlp3"])
    cost21 = jnp.sum(attn1[..., None] * c3, axis=2)

    c4 = _run_mlp(jnp.concatenate([cost1, cost21], -1), params["mlp4"])
    flow = jnp.sum(attn1[..., None] * dir12, axis=2)
    return c4.transpose(0, 2, 1), flow.transpose(0, 2, 1)


def reference(xyz1, xyz2, points1, points2, params):
    return _forward(xyz1, xyz2, points1, points2, params)

if __name__ == "__main__":
    import jax
    _d = setup_inputs()
    print(jax.jit(kernel)(*tuple(_d.values())))

</pallas_src>

<mosaic_0001>
#map = affine_map<(d0, d1) -> (0, 0)>
#map1 = affine_map<(d0, d1) -> (0)>
module attributes {stable_mosaic.version = 14 : i64} {
  func.func @k(%arg0: i32, %arg1: i32, %arg2: memref<8192x128xf32, #tpu.memory_space<hbm>>, %arg3: memref<131072xi32, #tpu.memory_space<hbm>>, %arg4: memref<131072x128xf32, #tpu.memory_space<hbm>>, %arg5: memref<512xi32, #tpu.memory_space<vmem>>, %arg6: memref<512x128xf32, #tpu.memory_space<vmem>>, %arg7: memref<!tpu.dma_semaphore, #tpu.memory_space<semaphore_mem>>) attributes {dimension_semantics = [#tpu.dimension_semantics<core_parallel>, #tpu.dimension_semantics<subcore_parallel>], iteration_bounds = array<i64: 2, 16>, scalar_prefetch = 0 : i64, scratch_operands = 3 : i64, tpu.core_type = #tpu.core_type<sc_vector_subcore>, window_params = [{transform_indices = #map}, {transform_indices = #map1}, {transform_indices = #map}]} {
    %mul3A = arith.constant 2 : i32
    %mul3A_0 = arith.muli %arg1, %mul3A : i32
    %add3A = arith.addi %mul3A_0, %arg0 : i32
    %mul3A_1 = arith.constant 4096 : i32
    %mul3A_2 = arith.muli %add3A, %mul3A_1 : i32
    %scan3A = arith.constant 0 : i32
    %scan3A_3 = arith.constant 0 : i32
    %scan3A_4 = arith.constant 8 : i32
    %scan3A_5 = arith.addi %scan3A_3, %scan3A_4 : i32
    %scan3A_6 = arith.constant 1 : i32
    scf.for %scan3A_8 = %scan3A_3 to %scan3A_5 step %scan3A_6  : i32 {
      %mul3A_9 = arith.constant 512 : i32
      %mul3A_10 = arith.muli %scan3A_8, %mul3A_9 : i32
      %add3A_11 = arith.addi %mul3A_2, %mul3A_10 : i32
      "tpu.region"() ({
        %run_scoped3A = tpu.sem_alloc : memref<!tpu.dma_semaphore, #tpu.memory_space<semaphore_mem>>
        %dma_start3A_16 = tpu.memref_slice %arg3[%add3A_11] : memref<131072xi32, #tpu.memory_space<hbm>> -> memref<512xi32, #tpu.memory_space<hbm>>
        %dma_start3A_17 = tpu.memref_slice %arg3[%add3A_11] : memref<131072xi32, #tpu.memory_space<hbm>> -> memref<512xi32, #tpu.memory_space<hbm>>
        tpu.enqueue_dma source(%dma_start3A_17 : memref<512xi32, #tpu.memory_space<hbm>>) target(%arg5 : memref<512xi32, #tpu.memory_space<vmem>>) target_semaphore(%run_scoped3A : memref<!tpu.dma_semaphore, #tpu.memory_space<semaphore_mem>>)
        %dma_wait3A_18 = tpu.memref_slice %arg3[%add3A_11] : memref<131072xi32, #tpu.memory_space<hbm>> -> memref<512xi32, #tpu.memory_space<hbm>>
        %dma_wait3A_19 = tpu.memref_slice %arg3[%add3A_11] : memref<131072xi32, #tpu.memory_space<hbm>> -> memref<512xi32, #tpu.memory_space<hbm>>
        tpu.wait_dma2 semaphore(%run_scoped3A : memref<!tpu.dma_semaphore, #tpu.memory_space<semaphore_mem>>) src(%dma_wait3A_19 : memref<512xi32, #tpu.memory_space<hbm>>) dst(%arg5 : memref<512xi32, #tpu.memory_space<vmem>>)
        tpu.yield
      }) : () -> ()
      %dma_start3A = arith.constant 0 : i32
      %dma_start3A_12 = arith.constant 0 : i32
      %dma_start3A_13 = tpu.memref_slice %arg2[%dma_start3A, %dma_start3A_12] : memref<8192x128xf32, #tpu.memory_space<hbm>> -> memref<8192x128xf32, #tpu.memory_space<hbm>>
      tpu.enqueue_indirect_dma source(%dma_start3A_13 : memref<8192x128xf32, #tpu.memory_space<hbm>>) target(%arg6 : memref<512x128xf32, #tpu.memory_space<vmem>>) offsets(%arg5 : memref<512xi32, #tpu.memory_space<vmem>>) semaphore(%arg7 : memref<!tpu.dma_semaphore, #tpu.memory_space<semaphore_mem>>)
      %dma_wait3A = arith.constant 0 : i32
      %dma_wait3A_14 = arith.constant 0 : i32
      %dma_wait3A_15 = tpu.memref_slice %arg2[%dma_wait3A, %dma_wait3A_14] : memref<8192x128xf32, #tpu.memory_space<hbm>> -> memref<8192x128xf32, #tpu.memory_space<hbm>>
      tpu.wait_indirect_dma semaphore(%arg7 : memref<!tpu.dma_semaphore, #tpu.memory_space<semaphore_mem>>) src(%dma_wait3A_15 : memref<8192x128xf32, #tpu.memory_space<hbm>>) dst(%arg6 : memref<512x128xf32, #tpu.memory_space<vmem>>)
      "tpu.region"() ({
        %run_scoped3A = tpu.sem_alloc : memref<!tpu.dma_semaphore, #tpu.memory_space<semaphore_mem>>
        %dma_start3A_16 = arith.constant 0 : i32
        %dma_start3A_17 = tpu.memref_slice %arg4[%add3A_11, %dma_start3A_16] : memref<131072x128xf32, #tpu.memory_space<hbm>> -> memref<512x128xf32, #tpu.memory_space<hbm>>
        %dma_start3A_18 = arith.constant 0 : i32
        %dma_start3A_19 = tpu.memref_slice %arg4[%add3A_11, %dma_start3A_18] : memref<131072x128xf32, #tpu.memory_space<hbm>> -> memref<512x128xf32, #tpu.memory_space<hbm>>
        tpu.enqueue_dma source(%arg6 : memref<512x128xf32, #tpu.memory_space<vmem>>) target(%dma_start3A_19 : memref<512x128xf32, #tpu.memory_space<hbm>>) target_semaphore(%run_scoped3A : memref<!tpu.dma_semaphore, #tpu.memory_space<semaphore_mem>>)
        %dma_wait3A_20 = arith.constant 0 : i32
        %dma_wait3A_21 = tpu.memref_slice %arg4[%add3A_11, %dma_wait3A_20] : memref<131072x128xf32, #tpu.memory_space<hbm>> -> memref<512x128xf32, #tpu.memory_space<hbm>>
        %dma_wait3A_22 = arith.constant 0 : i32
        %dma_wait3A_23 = tpu.memref_slice %arg4[%add3A_11, %dma_wait3A_22] : memref<131072x128xf32, #tpu.memory_space<hbm>> -> memref<512x128xf32, #tpu.memory_space<hbm>>
        tpu.wait_dma2 semaphore(%run_scoped3A : memref<!tpu.dma_semaphore, #tpu.memory_space<semaphore_mem>>) src(%arg6 : memref<512x128xf32, #tpu.memory_space<vmem>>) dst(%dma_wait3A_23 : memref<512x128xf32, #tpu.memory_space<hbm>>)
        tpu.yield
      }) : () -> ()
    }
    %scan3A_7 = arith.constant 8 : i32
    return
  }
}

#map = affine_map<(d0, d1) -> (0, 0)>
#map1 = affine_map<(d0, d1) -> (0)>
module attributes {stable_mosaic.version = 14 : i64} {
  func.func @k(%arg0: i32, %arg1: i32, %arg2: memref<16384x128xf32, #tpu.memory_space<hbm>>, %arg3: memref<262144xi32, #tpu.memory_space<hbm>>, %arg4: memref<262144x128xf32, #tpu.memory_space<hbm>>, %arg5: memref<512xi32, #tpu.memory_space<vmem>>, %arg6: memref<512x128xf32, #tpu.memory_space<vmem>>, %arg7: memref<!tpu.dma_semaphore, #tpu.memory_space<semaphore_mem>>) attributes {dimension_semantics = [#tpu.dimension_semantics<core_parallel>, #tpu.dimension_semantics<subcore_parallel>], iteration_bounds = array<i64: 2, 16>, scalar_prefetch = 0 : i64, scratch_operands = 3 : i64, tpu.core_type = #tpu.core_type<sc_vector_subcore>, window_params = [{transform_indices = #map}, {transform_indices = #map1}, {transform_indices = #map}]} {
    %mul3A = arith.constant 2 : i32
    %mul3A_0 = arith.muli %arg1, %mul3A : i32
    %add3A = arith.addi %mul3A_0, %arg0 : i32
    %mul3A_1 = arith.constant 8192 : i32
    %mul3A_2 = arith.muli %add3A, %mul3A_1 : i32
    %scan3A = arith.constant 0 : i32
    %scan3A_3 = arith.constant 0 : i32
    %scan3A_4 = arith.constant 16 : i32
    %scan3A_5 = arith.addi %scan3A_3, %scan3A_4 : i32
    %scan3A_6 = arith.constant 1 : i32
    scf.for %scan3A_8 = %scan3A_3 to %scan3A_5 step %scan3A_6  : i32 {
      %mul3A_9 = arith.constant 512 : i32
      %mul3A_10 = arith.muli %scan3A_8, %mul3A_9 : i32
      %add3A_11 = arith.addi %mul3A_2, %mul3A_10 : i32
      "tpu.region"() ({
        %run_scoped3A = tpu.sem_alloc : memref<!tpu.dma_semaphore, #tpu.memory_space<semaphore_mem>>
        %dma_start3A_16 = tpu.memref_slice %arg3[%add3A_11] : memref<262144xi32, #tpu.memory_space<hbm>> -> memref<512xi32, #tpu.memory_space<hbm>>
        %dma_start3A_17 = tpu.memref_slice %arg3[%add3A_11] : memref<262144xi32, #tpu.memory_space<hbm>> -> memref<512xi32, #tpu.memory_space<hbm>>
        tpu.enqueue_dma source(%dma_start3A_17 : memref<512xi32, #tpu.memory_space<hbm>>) target(%arg5 : memref<512xi32, #tpu.memory_space<vmem>>) target_semaphore(%run_scoped3A : memref<!tpu.dma_semaphore, #tpu.memory_space<semaphore_mem>>)
        %dma_wait3A_18 = tpu.memref_slice %arg3[%add3A_11] : memref<262144xi32, #tpu.memory_space<hbm>> -> memref<512xi32, #tpu.memory_space<hbm>>
        %dma_wait3A_19 = tpu.memref_slice %arg3[%add3A_11] : memref<262144xi32, #tpu.memory_space<hbm>> -> memref<512xi32, #tpu.memory_space<hbm>>
        tpu.wait_dma2 semaphore(%run_scoped3A : memref<!tpu.dma_semaphore, #tpu.memory_space<semaphore_mem>>) src(%dma_wait3A_19 : memref<512xi32, #tpu.memory_space<hbm>>) dst(%arg5 : memref<512xi32, #tpu.memory_space<vmem>>)
        tpu.yield
      }) : () -> ()
      %dma_start3A = arith.constant 0 : i32
      %dma_start3A_12 = arith.constant 0 : i32
      %dma_start3A_13 = tpu.memref_slice %arg2[%dma_start3A, %dma_start3A_12] : memref<16384x128xf32, #tpu.memory_space<hbm>> -> memref<16384x128xf32, #tpu.memory_space<hbm>>
      tpu.enqueue_indirect_dma source(%dma_start3A_13 : memref<16384x128xf32, #tpu.memory_space<hbm>>) target(%arg6 : memref<512x128xf32, #tpu.memory_space<vmem>>) offsets(%arg5 : memref<512xi32, #tpu.memory_space<vmem>>) semaphore(%arg7 : memref<!tpu.dma_semaphore, #tpu.memory_space<semaphore_mem>>)
      %dma_wait3A = arith.constant 0 : i32
      %dma_wait3A_14 = arith.constant 0 : i32
      %dma_wait3A_15 = tpu.memref_slice %arg2[%dma_wait3A, %dma_wait3A_14] : memref<16384x128xf32, #tpu.memory_space<hbm>> -> memref<16384x128xf32, #tpu.memory_space<hbm>>
      tpu.wait_indirect_dma semaphore(%arg7 : memref<!tpu.dma_semaphore, #tpu.memory_space<semaphore_mem>>) src(%dma_wait3A_15 : memref<16384x128xf32, #tpu.memory_space<hbm>>) dst(%arg6 : memref<512x128xf32, #tpu.memory_space<vmem>>)
      "tpu.region"() ({
        %run_scoped3A = tpu.sem_alloc : memref<!tpu.dma_semaphore, #tpu.memory_space<semaphore_mem>>
        %dma_start3A_16 = arith.constant 0 : i32
        %dma_start3A_17 = tpu.memref_slice %arg4[%add3A_11, %dma_start3A_16] : memref<262144x128xf32, #tpu.memory_space<hbm>> -> memref<512x128xf32, #tpu.memory_space<hbm>>
        %dma_start3A_18 = arith.constant 0 : i32
        %dma_start3A_19 = tpu.memref_slice %arg4[%add3A_11, %dma_start3A_18] : memref<262144x128xf32, #tpu.memory_space<hbm>> -> memref<512x128xf32, #tpu.memory_space<hbm>>
        tpu.enqueue_dma source(%arg6 : memref<512x128xf32, #tpu.memory_space<vmem>>) target(%dma_start3A_19 : memref<512x128xf32, #tpu.memory_space<hbm>>) target_semaphore(%run_scoped3A : memref<!tpu.dma_semaphore, #tpu.memory_space<semaphore_mem>>)
        %dma_wait3A_20 = arith.constant 0 : i32
        %dma_wait3A_21 = tpu.memref_slice %arg4[%add3A_11, %dma_wait3A_20] : memref<262144x128xf32, #tpu.memory_space<hbm>> -> memref<512x128xf32, #tpu.memory_space<hbm>>
        %dma_wait3A_22 = arith.constant 0 : i32
        %dma_wait3A_23 = tpu.memref_slice %arg4[%add3A_11, %dma_wait3A_22] : memref<262144x128xf32, #tpu.memory_space<hbm>> -> memref<512x128xf32, #tpu.memory_space<hbm>>
        tpu.wait_dma2 semaphore(%run_scoped3A : memref<!tpu.dma_semaphore, #tpu.memory_space<semaphore_mem>>) src(%arg6 : memref<512x128xf32, #tpu.memory_space<vmem>>) dst(%dma_wait3A_23 : memref<512x128xf32, #tpu.memory_space<hbm>>)
        tpu.yield
      }) : () -> ()
    }
    %scan3A_7 = arith.constant 16 : i32
    return
  }
}

module attributes {stable_mosaic.version = 14 : i64} {
  func.func @_knn_body(%arg0: i32, %arg1: i32, %arg2: memref<1x512x8xf32, #tpu.memory_space<vmem>>, %arg3: memref<1x8x4096xf32, #tpu.memory_space<vmem>>, %arg4: memref<1x512x16xi32, #tpu.memory_space<vmem>>) attributes {dimension_semantics = [#tpu.dimension_semantics<arbitrary>, #tpu.dimension_semantics<arbitrary>], iteration_bounds = array<i64: 4, 8>, scalar_prefetch = 0 : i64, scratch_operands = 0 : i64, tpu.core_type = #tpu.core_type<tc>, window_params = [{transform_indices = @transform_0, window_bounds = array<i64: 1, 512, 8>}, {transform_indices = @transform_1, window_bounds = array<i64: 1, 8, 4096>}, {transform_indices = @transform_2, window_bounds = array<i64: 1, 512, 16>}]} {
    %get3A = arith.constant 0 : index
    %get3A_0 = arith.constant 0 : index
    %get3A_1 = arith.constant 0 : index
    %get3A_2 = vector.load %arg2[%get3A, %get3A_0, %get3A_1] : memref<1x512x8xf32, #tpu.memory_space<vmem>>, vector<1x512x8xf32>
    %get3A_3 = vector.shape_cast %get3A_2 : vector<1x512x8xf32> to vector<512x8xf32>
    %get3A_4 = arith.constant 0 : index
    %get3A_5 = arith.constant 0 : index
    %get3A_6 = arith.constant 0 : index
    %get3A_7 = vector.load %arg3[%get3A_4, %get3A_5, %get3A_6] : memref<1x8x4096xf32, #tpu.memory_space<vmem>>, vector<1x8x4096xf32>
    %get3A_8 = vector.shape_cast %get3A_7 : vector<1x8x4096xf32> to vector<8x4096xf32>
    %dot_general3A = arith.constant dense<0.000000e+00> : vector<512x4096xf32>
    %dot_general3A_9 = tpu.matmul %get3A_3, %get3A_8, %dot_general3A {dimension_numbers = #tpu.dot_dimension_numbers<[1], [0], [0], [1], [0, 0, 1, 1], [], []>, transpose_lhs_hint = false} : vector<512x8xf32>, vector<8x4096xf32>, vector<512x4096xf32> -> vector<512x4096xf32>
    %slice3A = vector.extract_strided_slice %get3A_3 {offsets = [0, 0], sizes = [512, 1], strides = [1, 1]} : vector<512x8xf32> to vector<512x1xf32>
    %slice3A_10 = vector.extract_strided_slice %get3A_3 {offsets = [0, 0], sizes = [512, 1], strides = [1, 1]} : vector<512x8xf32> to vector<512x1xf32>
    %mul3A = arith.mulf %slice3A, %slice3A_10 : vector<512x1xf32>
    %slice3A_11 = vector.extract_strided_slice %get3A_3 {offsets = [0, 1], sizes = [512, 1], strides = [1, 1]} : vector<512x8xf32> to vector<512x1xf32>
    %slice3A_12 = vector.extract_strided_slice %get3A_3 {offsets = [0, 1], sizes = [512, 1], strides = [1, 1]} : vector<512x8xf32> to vector<512x1xf32>
    %mul3A_13 = arith.mulf %slice3A_11, %slice3A_12 : vector<512x1xf32>
    %add3A = arith.addf %mul3A, %mul3A_13 : vector<512x1xf32>
    %slice3A_14 = vector.extract_strided_slice %get3A_3 {offsets = [0, 2], sizes = [512, 1], strides = [1, 1]} : vector<512x8xf32> to vector<512x1xf32>
    %slice3A_15 = vector.extract_strided_slice %get3A_3 {offsets = [0, 2], sizes = [512, 1], strides = [1, 1]} : vector<512x8xf32> to vector<512x1xf32>
    %mul3A_16 = arith.mulf %slice3A_14, %slice3A_15 : vector<512x1xf32>
    %add3A_17 = arith.addf %add3A, %mul3A_16 : vector<512x1xf32>
    %slice3A_18 = vector.extract_strided_slice %get3A_8 {offsets = [3, 0], sizes = [1, 4096], strides = [1, 1]} : vector<8x4096xf32> to vector<1x4096xf32>
    %mul3A_19 = arith.constant 2.000000e+00 : f32
    %mul3A_20 = vector.broadcast %mul3A_19 : f32 to vector<512x4096xf32>
    %mul3A_21 = arith.mulf %mul3A_20, %dot_general3A_9 : vector<512x4096xf32>
    %sub3A = vector.broadcast %add3A_17 : vector<512x1xf32> to vector<512x4096xf32>
    %sub3A_22 = arith.subf %sub3A, %mul3A_21 : vector<512x4096xf32>
    %add3A_23 = vector.broadcast %slice3A_18 : vector<1x4096xf32> to vector<512x4096xf32>
    %add3A_24 = arith.addf %sub3A_22, %add3A_23 : vector<512x4096xf32>
    %iota3A = tpu.iota {dimensions = array<i32: 1>} : vector<512x4096xi32>
    %reduce_min3A = arith.constant dense<0x7F800000> : vector<512xf32>
    %reduce_min3A_25 = vector.multi_reduction <minimumf>, %add3A_24, %reduce_min3A [1] : vector<512x4096xf32> to vector<512xf32>
    %broadcast_in_dim3A = vector.shape_cast %reduce_min3A_25 : vector<512xf32> to vector<512x1xf32>
    %le3A = vector.broadcast %broadcast_in_dim3A : vector<512x1xf32> to vector<512x4096xf32>
    %le3A_26 = arith.cmpf ole, %add3A_24, %le3A : vector<512x4096xf32>
    %jit3A = arith.constant 1073741824 : i32
    %broadcast_in_dim3A_27 = vector.broadcast %jit3A : i32 to vector<512x4096xi32>
    %select_n3A = arith.select %le3A_26, %iota3A, %broadcast_in_dim3A_27 : vector<512x4096xi1>, vector<512x4096xi32>
    %reduce_min3A_28 = arith.constant dense<2147483647> : vector<512xi32>
    %reduce_min3A_29 = vector.multi_reduction <minsi>, %select_n3A, %reduce_min3A_28 [1] : vector<512x4096xi32> to vector<512xi32>
    %broadcast_in_dim3A_30 = vector.shape_cast %reduce_min3A_29 : vector<512xi32> to vector<512x1xi32>
    %swap3A = arith.constant 0 : index
    %swap3A_31 = arith.constant 0 : index
    %swap3A_32 = arith.constant 0 : index
    %swap3A_33 = vector.load %arg4[%swap3A, %swap3A_31, %swap3A_32] : memref<1x512x16xi32, #tpu.memory_space<vmem>>, vector<1x512x1xi32>
    %swap3A_34 = vector.shape_cast %swap3A_33 : vector<1x512x1xi32> to vector<512x1xi32>
    %swap3A_35 = vector.shape_cast %broadcast_in_dim3A_30 : vector<512x1xi32> to vector<1x512x1xi32>
    tpu.vector_store %arg4[%swap3A, %swap3A_31, %swap3A_32], %swap3A_35 {strides = array<i32>} : memref<1x512x16xi32, #tpu.memory_space<vmem>>, vector<1x512x1xi32>,
    %eq3A = vector.broadcast %broadcast_in_dim3A_30 : vector<512x1xi32> to vector<512x4096xi32>
    %eq3A_36 = arith.cmpi eq, %iota3A, %eq3A : vector<512x4096xi32>
    %jit3A_37 = arith.constant 0x7F800000 : f32
    %broadcast_in_dim3A_38 = vector.broadcast %jit3A_37 : f32 to vector<512x4096xf32>
    %select_n3A_39 = arith.select %eq3A_36, %broadcast_in_dim3A_38, %add3A_24 : vector<512x4096xi1>, vector<512x4096xf32>
    %reduce_min3A_40 = arith.constant dense<0x7F800000> : vector<512xf32>
    %reduce_min3A_41 = vector.multi_reduction <minimumf>, %select_n3A_39, %reduce_min3A_40 [1] : vector<512x4096xf32> to vector<512xf32>
    %broadcast_in_dim3A_42 = vector.shape_cast %reduce_min3A_41 : vector<512xf32> to vector<512x1xf32>
    %le3A_43 = vector.broadcast %broadcast_in_dim3A_42 : vector<512x1xf32> to vector<512x4096xf32>
    %le3A_44 = arith.cmpf ole, %select_n3A_39, %le3A_43 : vector<512x4096xf32>
    %jit3A_45 = arith.constant 1073741824 : i32
    %broadcast_in_dim3A_46 = vector.broadcast %jit3A_45 : i32 to vector<512x4096xi32>
    %select_n3A_47 = arith.select %le3A_44, %iota3A, %broadcast_in_dim3A_46 : vector<512x4096xi1>, vector<512x4096xi32>
    %reduce_min3A_48 = arith.constant dense<2147483647> : vector<512xi32>
    %reduce_min3A_49 = vector.multi_reduction <minsi>, %select_n3A_47, %reduce_min3A_48 [1] : vector<512x4096xi32> to vector<512xi32>
    %broadcast_in_dim3A_50 = vector.shape_cast %reduce_min3A_49 : vector<512xi32> to vector<512x1xi32>
    %swap3A_51 = arith.constant 0 : index
    %swap3A_52 = arith.constant 0 : index
    %swap3A_53 = arith.constant 1 : index
    %swap3A_54 = vector.load %arg4[%swap3A_51, %swap3A_52, %swap3A_53] : memref<1x512x16xi32, #tpu.memory_space<vmem>>, vector<1x512x1xi32>
    %swap3A_55 = vector.shape_cast %swap3A_54 : vector<1x512x1xi32> to vector<512x1xi32>
    %swap3A_56 = vector.shape_cast %broadcast_in_dim3A_50 : vector<512x1xi32> to vector<1x512x1xi32>
    tpu.vector_store %arg4[%swap3A_51, %swap3A_52, %swap3A_53], %swap3A_56 {strides = array<i32>} : memref<1x512x16xi32, #tpu.memory_space<vmem>>, vector<1x512x1xi32>,
    %eq3A_57 = vector.broadcast %broadcast_in_dim3A_50 : vector<512x1xi32> to vector<512x4096xi32>
    %eq3A_58 = arith.cmpi eq, %iota3A, %eq3A_57 : vector<512x4096xi32>
    %jit3A_59 = arith.constant 0x7F800000 : f32
    %broadcast_in_dim3A_60 = vector.broadcast %jit3A_59 : f32 to vector<512x4096xf32>
    %select_n3A_61 = arith.select %eq3A_58, %broadcast_in_dim3A_60, %select_n3A_39 : vector<512x4096xi1>, vector<512x4096xf32>
    %reduce_min3A_62 = arith.constant dense<0x7F800000> : vector<512xf32>
    %reduce_min3A_63 = vector.multi_reduction <minimumf>, %select_n3A_61, %reduce_min3A_62 [1] : vector<512x4096xf32> to vector<512xf32>
    %broadcast_in_dim3A_64 = vector.shape_cast %reduce_min3A_63 : vector<512xf32> to vector<512x1xf32>
    %le3A_65 = vector.broadcast %broadcast_in_dim3A_64 : vector<512x1xf32> to vector<512x4096xf32>
    %le3A_66 = arith.cmpf ole, %select_n3A_61, %le3A_65 : vector<512x4096xf32>
    %jit3A_67 = arith.constant 1073741824 : i32
    %broadcast_in_dim3A_68 = vector.broadcast %jit3A_67 : i32 to vector<512x4096xi32>
    %select_n3A_69 = arith.select %le3A_66, %iota3A, %broadcast_in_dim3A_68 : vector<512x4096xi1>, vector<512x4096xi32>
    %reduce_min3A_70 = arith.constant dense<2147483647> : vector<512xi32>
    %reduce_min3A_71 = vector.multi_reduction <minsi>, %select_n3A_69, %reduce_min3A_70 [1] : vector<512x4096xi32> to vector<512xi32>
    %broadcast_in_dim3A_72 = vector.shape_cast %reduce_min3A_71 : vector<512xi32> to vector<512x1xi32>
    %swap3A_73 = arith.constant 0 : index
    %swap3A_74 = arith.constant 0 : index
    %swap3A_75 = arith.constant 2 : index
    %swap3A_76 = vector.load %arg4[%swap3A_73, %swap3A_74, %swap3A_75] : memref<1x512x16xi32, #tpu.memory_space<vmem>>, vector<1x512x1xi32>
    %swap3A_77 = vector.shape_cast %swap3A_76 : vector<1x512x1xi32> to vector<512x1xi32>
    %swap3A_78 = vector.shape_cast %broadcast_in_dim3A_72 : vector<512x1xi32> to vector<1x512x1xi32>
    tpu.vector_store %arg4[%swap3A_73, %swap3A_74, %swap3A_75], %swap3A_78 {strides = array<i32>} : memref<1x512x16xi32, #tpu.memory_space<vmem>>, vector<1x512x1xi32>,
    %eq3A_79 = vector.broadcast %broadcast_in_dim3A_72 : vector<512x1xi32> to vector<512x4096xi32>
    %eq3A_80 = arith.cmpi eq, %iota3A, %eq3A_79 : vector<512x4096xi32>
    %jit3A_81 = arith.constant 0x7F800000 : f32
    %broadcast_in_dim3A_82 = vector.broadcast %jit3A_81 : f32 to vector<512x4096xf32>
    %select_n3A_83 = arith.select %eq3A_80, %broadcast_in_dim3A_82, %select_n3A_61 : vector<512x4096xi1>, vector<512x4096xf32>
    %reduce_min3A_84 = arith.constant dense<0x7F800000> : vector<512xf32>
    %reduce_min3A_85 = vector.multi_reduction <minimumf>, %select_n3A_83, %reduce_min3A_84 [1] : vector<512x4096xf32> to vector<512xf32>
    %broadcast_in_dim3A_86 = vector.shape_cast %reduce_min3A_85 : vector<512xf32> to vector<512x1xf32>
    %le3A_87 = vector.broadcast %broadcast_in_dim3A_86 : vector<512x1xf32> to vector<512x4096xf32>
    %le3A_88 = arith.cmpf ole, %select_n3A_83, %le3A_87 : vector<512x4096xf32>
    %jit3A_89 = arith.constant 1073741824 : i32
    %broadcast_in_dim3A_90 = vector.broadcast %jit3A_89 : i32 to vector<512x4096xi32>
    %select_n3A_91 = arith.select %le3A_88, %iota3A, %broadcast_in_dim3A_90 : vector<512x4096xi1>, vector<512x4096xi32>
    %reduce_min3A_92 = arith.constant dense<2147483647> : vector<512xi32>
    %reduce_min3A_93 = vector.multi_reduction <minsi>, %select_n3A_91, %reduce_min3A_92 [1] : vector<512x4096xi32> to vector<512xi32>
    %broadcast_in_dim3A_94 = vector.shape_cast %reduce_min3A_93 : vector<512xi32> to vector<512x1xi32>
    %swap3A_95 = arith.constant 0 : index
    %swap3A_96 = arith.constant 0 : index
    %swap3A_97 = arith.constant 3 : index
    %swap3A_98 = vector.load %arg4[%swap3A_95, %swap3A_96, %swap3A_97] : memref<1x512x16xi32, #tpu.memory_space<vmem>>, vector<1x512x1xi32>
    %swap3A_99 = vector.shape_cast %swap3A_98 : vector<1x512x1xi32> to vector<512x1xi32>
    %swap3A_100 = vector.shape_cast %broadcast_in_dim3A_94 : vector<512x1xi32> to vector<1x512x1xi32>
    tpu.vector_store %arg4[%swap3A_95, %swap3A_96, %swap3A_97], %swap3A_100 {strides = array<i32>} : memref<1x512x16xi32, #tpu.memory_space<vmem>>, vector<1x512x1xi32>,
    %eq3A_101 = vector.broadcast %broadcast_in_dim3A_94 : vector<512x1xi32> to vector<512x4096xi32>
    %eq3A_102 = arith.cmpi eq, %iota3A, %eq3A_101 : vector<512x4096xi32>
    %jit3A_103 = arith.constant 0x7F800000 : f32
    %broadcast_in_dim3A_104 = vector.broadcast %jit3A_103 : f32 to vector<512x4096xf32>
    %select_n3A_105 = arith.select %eq3A_102, %broadcast_in_dim3A_104, %select_n3A_83 : vector<512x4096xi1>, vector<512x4096xf32>
    %reduce_min3A_106 = arith.constant dense<0x7F800000> : vector<512xf32>
    %reduce_min3A_107 = vector.multi_reduction <minimumf>, %select_n3A_105, %reduce_min3A_106 [1] : vector<512x4096xf32> to vector<512xf32>
    %broadcast_in_dim3A_108 = vector.shape_cast %reduce_min3A_107 : vector<512xf32> to vector<512x1xf32>
    %le3A_109 = vector.broadcast %broadcast_in_dim3A_108 : vector<512x1xf32> to vector<512x4096xf32>
    %le3A_110 = arith.cmpf ole, %select_n3A_105, %le3A_109 : vector<512x4096xf32>
    %jit3A_111 = arith.constant 1073741824 : i32
    %broadcast_in_dim3A_112 = vector.broadcast %jit3A_111 : i32 to vector<512x4096xi32>
    %select_n3A_113 = arith.select %le3A_110, %iota3A, %broadcast_in_dim3A_112 : vector<512x4096xi1>, vector<512x4096xi32>
    %reduce_min3A_114 = arith.constant dense<2147483647> : vector<512xi32>
    %reduce_min3A_115 = vector.multi_reduction <minsi>, %select_n3A_113, %reduce_min3A_114 [1] : vector<512x4096xi32> to vector<512xi32>
    %broadcast_in_dim3A_116 = vector.shape_cast %reduce_min3A_115 : vector<512xi32> to vector<512x1xi32>
    %swap3A_117 = arith.constant 0 : index
    %swap3A_118 = arith.constant 0 : index
    %swap3A_119 = arith.constant 4 : index
    %swap3A_120 = vector.load %arg4[%swap3A_117, %swap3A_118, %swap3A_119] : memref<1x512x16xi32, #tpu.memory_space<vmem>>, vector<1x512x1xi32>
    %swap3A_121 = vector.shape_cast %swap3A_120 : vector<1x512x1xi32> to vector<512x1xi32>
    %swap3A_122 = vector.shape_cast %broadcast_in_dim3A_116 : vector<512x1xi32> to vector<1x512x1xi32>
    tpu.vector_store %arg4[%swap3A_117, %swap3A_118, %swap3A_119], %swap3A_122 {strides = array<i32>} : memref<1x512x16xi32, #tpu.memory_space<vmem>>, vector<1x512x1xi32>,
    %eq3A_123 = vector.broadcast %broadcast_in_dim3A_116 : vector<512x1xi32> to vector<512x4096xi32>
    %eq3A_124 = arith.cmpi eq, %iota3A, %eq3A_123 : vector<512x4096xi32>
    %jit3A_125 = arith.constant 0x7F800000 : f32
    %broadcast_in_dim3A_126 = vector.broadcast %jit3A_125 : f32 to vector<512x4096xf32>
    %select_n3A_127 = arith.select %eq3A_124, %broadcast_in_dim3A_126, %select_n3A_105 : vector<512x4096xi1>, vector<512x4096xf32>
    %reduce_min3A_128 = arith.constant dense<0x7F800000> : vector<512xf32>
    %reduce_min3A_129 = vector.multi_reduction <minimumf>, %select_n3A_127, %reduce_min3A_128 [1] : vector<512x4096xf32> to vector<512xf32>
    %broadcast_in_dim3A_130 = vector.shape_cast %reduce_min3A_129 : vector<512xf32> to vector<512x1xf32>
    %le3A_131 = vector.broadcast %broadcast_in_dim3A_130 : vector<512x1xf32> to vector<512x4096xf32>
    %le3A_132 = arith.cmpf ole, %select_n3A_127, %le3A_131 : vector<512x4096xf32>
    %jit3A_133 = arith.constant 1073741824 : i32
    %broadcast_in_dim3A_134 = vector.broadcast %jit3A_133 : i32 to vector<512x4096xi32>
    %select_n3A_135 = arith.select %le3A_132, %iota3A, %broadcast_in_dim3A_134 : vector<512x4096xi1>, vector<512x4096xi32>
    %reduce_min3A_136 = arith.constant dense<2147483647> : vector<512xi32>
    %reduce_min3A_137 = vector.multi_reduction <minsi>, %select_n3A_135, %reduce_min3A_136 [1] : vector<512x4096xi32> to vector<512xi32>
    %broadcast_in_dim3A_138 = vector.shape_cast %reduce_min3A_137 : vector<512xi32> to vector<512x1xi32>
    %swap3A_139 = arith.constant 0 : index
    %swap3A_140 = arith.constant 0 : index
    %swap3A_141 = arith.constant 5 : index
    %swap3A_142 = vector.load %arg4[%swap3A_139, %swap3A_140, %swap3A_141] : memref<1x512x16xi32, #tpu.memory_space<vmem>>, vector<1x512x1xi32>
    %swap3A_143 = vector.shape_cast %swap3A_142 : vector<1x512x1xi32> to vector<512x1xi32>
    %swap3A_144 = vector.shape_cast %broadcast_in_dim3A_138 : vector<512x1xi32> to vector<1x512x1xi32>
    tpu.vector_store %arg4[%swap3A_139, %swap3A_140, %swap3A_141], %swap3A_144 {strides = array<i32>} : memref<1x512x16xi32, #tpu.memory_space<vmem>>, vector<1x512x1xi32>,
    %eq3A_145 = vector.broadcast %broadcast_in_dim3A_138 : vector<512x1xi32> to vector<512x4096xi32>
    %eq3A_146 = arith.cmpi eq, %iota3A, %eq3A_145 : vector<512x4096xi32>
    %jit3A_147 = arith.constant 0x7F800000 : f32
    %broadcast_in_dim3A_148 = vector.broadcast %jit3A_147 : f32 to vector<512x4096xf32>
    %select_n3A_149 = arith.select %eq3A_146, %broadcast_in_dim3A_148, %select_n3A_127 : vector<512x4096xi1>, vector<512x4096xf32>
    %reduce_min3A_150 = arith.constant dense<0x7F800000> : vector<512xf32>
    %reduce_min3A_151 = vector.multi_reduction <minimumf>, %select_n3A_149, %reduce_min3A_150 [1] : vector<512x4096xf32> to vector<512xf32>
    %broadcast_in_dim3A_152 = vector.shape_cast %reduce_min3A_151 : vector<512xf32> to vector<512x1xf32>
    %le3A_153 = vector.broadcast %broadcast_in_dim3A_152 : vector<512x1xf32> to vector<512x4096xf32>
    %le3A_154 = arith.cmpf ole, %select_n3A_149, %le3A_153 : vector<512x4096xf32>
    %jit3A_155 = arith.constant 1073741824 : i32
    %broadcast_in_dim3A_156 = vector.broadcast %jit3A_155 : i32 to vector<512x4096xi32>
    %select_n3A_157 = arith.select %le3A_154, %iota3A, %broadcast_in_dim3A_156 : vector<512x4096xi1>, vector<512x4096xi32>
    %reduce_min3A_158 = arith.constant dense<2147483647> : vector<512xi32>
    %reduce_min3A_159 = vector.multi_reduction <minsi>, %select_n3A_157, %reduce_min3A_158 [1] : vector<512x4096xi32> to vector<512xi32>
    %broadcast_in_dim3A_160 = vector.shape_cast %reduce_min3A_159 : vector<512xi32> to vector<512x1xi32>
    %swap3A_161 = arith.constant 0 : index
    %swap3A_162 = arith.constant 0 : index
    %swap3A_163 = arith.constant 6 : index
    %swap3A_164 = vector.load %arg4[%swap3A_161, %swap3A_162, %swap3A_163] : memref<1x512x16xi32, #tpu.memory_space<vmem>>, vector<1x512x1xi32>
    %swap3A_165 = vector.shape_cast %swap3A_164 : vector<1x512x1xi32> to vector<512x1xi32>
    %swap3A_166 = vector.shape_cast %broadcast_in_dim3A_160 : vector<512x1xi32> to vector<1x512x1xi32>
    tpu.vector_store %arg4[%swap3A_161, %swap3A_162, %swap3A_163], %swap3A_166 {strides = array<i32>} : memref<1x512x16xi32, #tpu.memory_space<vmem>>, vector<1x512x1xi32>,
    %eq3A_167 = vector.broadcast %broadcast_in_dim3A_160 : vector<512x1xi32> to vector<512x4096xi32>
    %eq3A_168 = arith.cmpi eq, %iota3A, %eq3A_167 : vector<512x4096xi32>
    %jit3A_169 = arith.constant 0x7F800000 : f32
    %broadcast_in_dim3A_170 = vector.broadcast %jit3A_169 : f32 to vector<512x4096xf32>
    %select_n3A_171 = arith.select %eq3A_168, %broadcast_in_dim3A_170, %select_n3A_149 : vector<512x4096xi1>, vector<512x4096xf32>
    %reduce_min3A_172 = arith.constant dense<0x7F800000> : vector<512xf32>
    %reduce_min3A_173 = vector.multi_reduction <minimumf>, %select_n3A_171, %reduce_min3A_172 [1] : vector<512x4096xf32> to vector<512xf32>
    %broadcast_in_dim3A_174 = vector.shape_cast %reduce_min3A_173 : vector<512xf32> to vector<512x1xf32>
    %le3A_175 = vector.broadcast %broadcast_in_dim3A_174 : vector<512x1xf32> to vector<512x4096xf32>
    %le3A_176 = arith.cmpf ole, %select_n3A_171, %le3A_175 : vector<512x4096xf32>
    %jit3A_177 = arith.constant 1073741824 : i32
    %broadcast_in_dim3A_178 = vector.broadcast %jit3A_177 : i32 to vector<512x4096xi32>
    %select_n3A_179 = arith.select %le3A_176, %iota3A, %broadcast_in_dim3A_178 : vector<512x4096xi1>, vector<512x4096xi32>
    %reduce_min3A_180 = arith.constant dense<2147483647> : vector<512xi32>
    %reduce_min3A_181 = vector.multi_reduction <minsi>, %select_n3A_179, %reduce_min3A_180 [1] : vector<512x4096xi32> to vector<512xi32>
    %broadcast_in_dim3A_182 = vector.shape_cast %reduce_min3A_181 : vector<512xi32> to vector<512x1xi32>
    %swap3A_183 = arith.constant 0 : index
    %swap3A_184 = arith.constant 0 : index
    %swap3A_185 = arith.constant 7 : index
    %swap3A_186 = vector.load %arg4[%swap3A_183, %swap3A_184, %swap3A_185] : memref<1x512x16xi32, #tpu.memory_space<vmem>>, vector<1x512x1xi32>
    %swap3A_187 = vector.shape_cast %swap3A_186 : vector<1x512x1xi32> to vector<512x1xi32>
    %swap3A_188 = vector.shape_cast %broadcast_in_dim3A_182 : vector<512x1xi32> to vector<1x512x1xi32>
    tpu.vector_store %arg4[%swap3A_183, %swap3A_184, %swap3A_185], %swap3A_188 {strides = array<i32>} : memref<1x512x16xi32, #tpu.memory_space<vmem>>, vector<1x512x1xi32>,
    %eq3A_189 = vector.broadcast %broadcast_in_dim3A_182 : vector<512x1xi32> to vector<512x4096xi32>
    %eq3A_190 = arith.cmpi eq, %iota3A, %eq3A_189 : vector<512x4096xi32>
    %jit3A_191 = arith.constant 0x7F800000 : f32
    %broadcast_in_dim3A_192 = vector.broadcast %jit3A_191 : f32 to vector<512x4096xf32>
    %select_n3A_193 = arith.select %eq3A_190, %broadcast_in_dim3A_192, %select_n3A_171 : vector<512x4096xi1>, vector<512x4096xf32>
    %reduce_min3A_194 = arith.constant dense<0x7F800000> : vector<512xf32>
    %reduce_min3A_195 = vector.multi_reduction <minimumf>, %select_n3A_193, %reduce_min3A_194 [1] : vector<512x4096xf32> to vector<512xf32>
    %broadcast_in_dim3A_196 = vector.shape_cast %reduce_min3A_195 : vector<512xf32> to vector<512x1xf32>
    %le3A_197 = vector.broadcast %broadcast_in_dim3A_196 : vector<512x1xf32> to vector<512x4096xf32>
    %le3A_198 = arith.cmpf ole, %select_n3A_193, %le3A_197 : vector<512x4096xf32>
    %jit3A_199 = arith.constant 1073741824 : i32
    %broadcast_in_dim3A_200 = vector.broadcast %jit3A_199 : i32 to vector<512x4096xi32>
    %select_n3A_201 = arith.select %le3A_198, %iota3A, %broadcast_in_dim3A_200 : vector<512x4096xi1>, vector<512x4096xi32>
    %reduce_min3A_202 = arith.constant dense<2147483647> : vector<512xi32>
    %reduce_min3A_203 = vector.multi_reduction <minsi>, %select_n3A_201, %reduce_min3A_202 [1] : vector<512x4096xi32> to vector<512xi32>
    %broadcast_in_dim3A_204 = vector.shape_cast %reduce_min3A_203 : vector<512xi32> to vector<512x1xi32>
    %swap3A_205 = arith.constant 0 : index
    %swap3A_206 = arith.constant 0 : index
    %swap3A_207 = arith.constant 8 : index
    %swap3A_208 = vector.load %arg4[%swap3A_205, %swap3A_206, %swap3A_207] : memref<1x512x16xi32, #tpu.memory_space<vmem>>, vector<1x512x1xi32>
    %swap3A_209 = vector.shape_cast %swap3A_208 : vector<1x512x1xi32> to vector<512x1xi32>
    %swap3A_210 = vector.shape_cast %broadcast_in_dim3A_204 : vector<512x1xi32> to vector<1x512x1xi32>
    tpu.vector_store %arg4[%swap3A_205, %swap3A_206, %swap3A_207], %swap3A_210 {strides = array<i32>} : memref<1x512x16xi32, #tpu.memory_space<vmem>>, vector<1x512x1xi32>,
    %eq3A_211 = vector.broadcast %broadcast_in_dim3A_204 : vector<512x1xi32> to vector<512x4096xi32>
    %eq3A_212 = arith.cmpi eq, %iota3A, %eq3A_211 : vector<512x4096xi32>
    %jit3A_213 = arith.constant 0x7F800000 : f32
    %broadcast_in_dim3A_214 = vector.broadcast %jit3A_213 : f32 to vector<512x4096xf32>
    %select_n3A_215 = arith.select %eq3A_212, %broadcast_in_dim3A_214, %select_n3A_193 : vector<512x4096xi1>, vector<512x4096xf32>
    %reduce_min3A_216 = arith.constant dense<0x7F800000> : vector<512xf32>
    %reduce_min3A_217 = vector.multi_reduction <minimumf>, %select_n3A_215, %reduce_min3A_216 [1] : vector<512x4096xf32> to vector<512xf32>
    %broadcast_in_dim3A_218 = vector.shape_cast %reduce_min3A_217 : vector<512xf32> to vector<512x1xf32>
    %le3A_219 = vector.broadcast %broadcast_in_dim3A_218 : vector<512x1xf32> to vector<512x4096xf32>
    %le3A_220 = arith.cmpf ole, %select_n3A_215, %le3A_219 : vector<512x4096xf32>
    %jit3A_221 = arith.constant 1073741824 : i32
    %broadcast_in_dim3A_222 = vector.broadcast %jit3A_221 : i32 to vector<512x4096xi32>
    %select_n3A_223 = arith.select %le3A_220, %iota3A, %broadcast_in_dim3A_222 : vector<512x4096xi1>, vector<512x4096xi32>
    %reduce_min3A_224 = arith.constant dense<2147483647> : vector<512xi32>
    %reduce_min3A_225 = vector.multi_reduction <minsi>, %select_n3A_223, %reduce_min3A_224 [1] : vector<512x4096xi32> to vector<512xi32>
    %broadcast_in_dim3A_226 = vector.shape_cast %reduce_min3A_225 : vector<512xi32> to vector<512x1xi32>
    %swap3A_227 = arith.constant 0 : index
    %swap3A_228 = arith.constant 0 : index
    %swap3A_229 = arith.constant 9 : index
    %swap3A_230 = vector.load %arg4[%swap3A_227, %swap3A_228, %swap3A_229] : memref<1x512x16xi32, #tpu.memory_space<vmem>>, vector<1x512x1xi32>
    %swap3A_231 = vector.shape_cast %swap3A_230 : vector<1x512x1xi32> to vector<512x1xi32>
    %swap3A_232 = vector.shape_cast %broadcast_in_dim3A_226 : vector<512x1xi32> to vector<1x512x1xi32>
    tpu.vector_store %arg4[%swap3A_227, %swap3A_228, %swap3A_229], %swap3A_232 {strides = array<i32>} : memref<1x512x16xi32, #tpu.memory_space<vmem>>, vector<1x512x1xi32>,
    %eq3A_233 = vector.broadcast %broadcast_in_dim3A_226 : vector<512x1xi32> to vector<512x4096xi32>
    %eq3A_234 = arith.cmpi eq, %iota3A, %eq3A_233 : vector<512x4096xi32>
    %jit3A_235 = arith.constant 0x7F800000 : f32
    %broadcast_in_dim3A_236 = vector.broadcast %jit3A_235 : f32 to vector<512x4096xf32>
    %select_n3A_237 = arith.select %eq3A_234, %broadcast_in_dim3A_236, %select_n3A_215 : vector<512x4096xi1>, vector<512x4096xf32>
    %reduce_min3A_238 = arith.constant dense<0x7F800000> : vector<512xf32>
    %reduce_min3A_239 = vector.multi_reduction <minimumf>, %select_n3A_237, %reduce_min3A_238 [1] : vector<512x4096xf32> to vector<512xf32>
    %broadcast_in_dim3A_240 = vector.shape_cast %reduce_min3A_239 : vector<512xf32> to vector<512x1xf32>
    %le3A_241 = vector.broadcast %broadcast_in_dim3A_240 : vector<512x1xf32> to vector<512x4096xf32>
    %le3A_242 = arith.cmpf ole, %select_n3A_237, %le3A_241 : vector<512x4096xf32>
    %jit3A_243 = arith.constant 1073741824 : i32
    %broadcast_in_dim3A_244 = vector.broadcast %jit3A_243 : i32 to vector<512x4096xi32>
    %select_n3A_245 = arith.select %le3A_242, %iota3A, %broadcast_in_dim3A_244 : vector<512x4096xi1>, vector<512x4096xi32>
    %reduce_min3A_246 = arith.constant dense<2147483647> : vector<512xi32>
    %reduce_min3A_247 = vector.multi_reduction <minsi>, %select_n3A_245, %reduce_min3A_246 [1] : vector<512x4096xi32> to vector<512xi32>
    %broadcast_in_dim3A_248 = vector.shape_cast %reduce_min3A_247 : vector<512xi32> to vector<512x1xi32>
    %swap3A_249 = arith.constant 0 : index
    %swap3A_250 = arith.constant 0 : index
    %swap3A_251 = arith.constant 10 : index
    %swap3A_252 = vector.load %arg4[%swap3A_249, %swap3A_250, %swap3A_251] : memref<1x512x16xi32, #tpu.memory_space<vmem>>, vector<1x512x1xi32>
    %swap3A_253 = vector.shape_cast %swap3A_252 : vector<1x512x1xi32> to vector<512x1xi32>
    %swap3A_254 = vector.shape_cast %broadcast_in_dim3A_248 : vector<512x1xi32> to vector<1x512x1xi32>
    tpu.vector_store %arg4[%swap3A_249, %swap3A_250, %swap3A_251], %swap3A_254 {strides = array<i32>} : memref<1x512x16xi32, #tpu.memory_space<vmem>>, vector<1x512x1xi32>,
    %eq3A_255 = vector.broadcast %broadcast_in_dim3A_248 : vector<512x1xi32> to vector<512x4096xi32>
    %eq3A_256 = arith.cmpi eq, %iota3A, %eq3A_255 : vector<512x4096xi32>
    %jit3A_257 = arith.constant 0x7F800000 : f32
    %broadcast_in_dim3A_258 = vector.broadcast %jit3A_257 : f32 to vector<512x4096xf32>
    %select_n3A_259 = arith.select %eq3A_256, %broadcast_in_dim3A_258, %select_n3A_237 : vector<512x4096xi1>, vector<512x4096xf32>
    %reduce_min3A_260 = arith.constant dense<0x7F800000> : vector<512xf32>
    %reduce_min3A_261 = vector.multi_reduction <minimumf>, %select_n3A_259, %reduce_min3A_260 [1] : vector<512x4096xf32> to vector<512xf32>
    %broadcast_in_dim3A_262 = vector.shape_cast %reduce_min3A_261 : vector<512xf32> to vector<512x1xf32>
    %le3A_263 = vector.broadcast %broadcast_in_dim3A_262 : vector<512x1xf32> to vector<512x4096xf32>
    %le3A_264 = arith.cmpf ole, %select_n3A_259, %le3A_263 : vector<512x4096xf32>
    %jit3A_265 = arith.constant 1073741824 : i32
    %broadcast_in_dim3A_266 = vector.broadcast %jit3A_265 : i32 to vector<512x4096xi32>
    %select_n3A_267 = arith.select %le3A_264, %iota3A, %broadcast_in_dim3A_266 : vector<512x4096xi1>, vector<512x4096xi32>
    %reduce_min3A_268 = arith.constant dense<2147483647> : vector<512xi32>
    %reduce_min3A_269 = vector.multi_reduction <minsi>, %select_n3A_267, %reduce_min3A_268 [1] : vector<512x4096xi32> to vector<512xi32>
    %broadcast_in_dim3A_270 = vector.shape_cast %reduce_min3A_269 : vector<512xi32> to vector<512x1xi32>
    %swap3A_271 = arith.constant 0 : index
    %swap3A_272 = arith.constant 0 : index
    %swap3A_273 = arith.constant 11 : index
    %swap3A_274 = vector.load %arg4[%swap3A_271, %swap3A_272, %swap3A_273] : memref<1x512x16xi32, #tpu.memory_space<vmem>>, vector<1x512x1xi32>
    %swap3A_275 = vector.shape_cast %swap3A_274 : vector<1x512x1xi32> to vector<512x1xi32>
    %swap3A_276 = vector.shape_cast %broadcast_in_dim3A_270 : vector<512x1xi32> to vector<1x512x1xi32>
    tpu.vector_store %arg4[%swap3A_271, %swap3A_272, %swap3A_273], %swap3A_276 {strides = array<i32>} : memref<1x512x16xi32, #tpu.memory_space<vmem>>, vector<1x512x1xi32>,
    %eq3A_277 = vector.broadcast %broadcast_in_dim3A_270 : vector<512x1xi32> to vector<512x4096xi32>
    %eq3A_278 = arith.cmpi eq, %iota3A, %eq3A_277 : vector<512x4096xi32>
    %jit3A_279 = arith.constant 0x7F800000 : f32
    %broadcast_in_dim3A_280 = vector.broadcast %jit3A_279 : f32 to vector<512x4096xf32>
    %select_n3A_281 = arith.select %eq3A_278, %broadcast_in_dim3A_280, %select_n3A_259 : vector<512x4096xi1>, vector<512x4096xf32>
    %reduce_min3A_282 = arith.constant dense<0x7F800000> : vector<512xf32>
    %reduce_min3A_283 = vector.multi_reduction <minimumf>, %select_n3A_281, %reduce_min3A_282 [1] : vector<512x4096xf32> to vector<512xf32>
    %broadcast_in_dim3A_284 = vector.shape_cast %reduce_min3A_283 : vector<512xf32> to vector<512x1xf32>
    %le3A_285 = vector.broadcast %broadcast_in_dim3A_284 : vector<512x1xf32> to vector<512x4096xf32>
    %le3A_286 = arith.cmpf ole, %select_n3A_281, %le3A_285 : vector<512x4096xf32>
    %jit3A_287 = arith.constant 1073741824 : i32
    %broadcast_in_dim3A_288 = vector.broadcast %jit3A_287 : i32 to vector<512x4096xi32>
    %select_n3A_289 = arith.select %le3A_286, %iota3A, %broadcast_in_dim3A_288 : vector<512x4096xi1>, vector<512x4096xi32>
    %reduce_min3A_290 = arith.constant dense<2147483647> : vector<512xi32>
    %reduce_min3A_291 = vector.multi_reduction <minsi>, %select_n3A_289, %reduce_min3A_290 [1] : vector<512x4096xi32> to vector<512xi32>
    %broadcast_in_dim3A_292 = vector.shape_cast %reduce_min3A_291 : vector<512xi32> to vector<512x1xi32>
    %swap3A_293 = arith.constant 0 : index
    %swap3A_294 = arith.constant 0 : index
    %swap3A_295 = arith.constant 12 : index
    %swap3A_296 = vector.load %arg4[%swap3A_293, %swap3A_294, %swap3A_295] : memref<1x512x16xi32, #tpu.memory_space<vmem>>, vector<1x512x1xi32>
    %swap3A_297 = vector.shape_cast %swap3A_296 : vector<1x512x1xi32> to vector<512x1xi32>
    %swap3A_298 = vector.shape_cast %broadcast_in_dim3A_292 : vector<512x1xi32> to vector<1x512x1xi32>
    tpu.vector_store %arg4[%swap3A_293, %swap3A_294, %swap3A_295], %swap3A_298 {strides = array<i32>} : memref<1x512x16xi32, #tpu.memory_space<vmem>>, vector<1x512x1xi32>,
    %eq3A_299 = vector.broadcast %broadcast_in_dim3A_292 : vector<512x1xi32> to vector<512x4096xi32>
    %eq3A_300 = arith.cmpi eq, %iota3A, %eq3A_299 : vector<512x4096xi32>
    %jit3A_301 = arith.constant 0x7F800000 : f32
    %broadcast_in_dim3A_302 = vector.broadcast %jit3A_301 : f32 to vector<512x4096xf32>
    %select_n3A_303 = arith.select %eq3A_300, %broadcast_in_dim3A_302, %select_n3A_281 : vector<512x4096xi1>, vector<512x4096xf32>
    %reduce_min3A_304 = arith.constant dense<0x7F800000> : vector<512xf32>
    %reduce_min3A_305 = vector.multi_reduction <minimumf>, %select_n3A_303, %reduce_min3A_304 [1] : vector<512x4096xf32> to vector<512xf32>
    %broadcast_in_dim3A_306 = vector.shape_cast %reduce_min3A_305 : vector<512xf32> to vector<512x1xf32>
    %le3A_307 = vector.broadcast %broadcast_in_dim3A_306 : vector<512x1xf32> to vector<512x4096xf32>
    %le3A_308 = arith.cmpf ole, %select_n3A_303, %le3A_307 : vector<512x4096xf32>
    %jit3A_309 = arith.constant 1073741824 : i32
    %broadcast_in_dim3A_310 = vector.broadcast %jit3A_309 : i32 to vector<512x4096xi32>
    %select_n3A_311 = arith.select %le3A_308, %iota3A, %broadcast_in_dim3A_310 : vector<512x4096xi1>, vector<512x4096xi32>
    %reduce_min3A_312 = arith.constant dense<2147483647> : vector<512xi32>
    %reduce_min3A_313 = vector.multi_reduction <minsi>, %select_n3A_311, %reduce_min3A_312 [1] : vector<512x4096xi32> to vector<512xi32>
    %broadcast_in_dim3A_314 = vector.shape_cast %reduce_min3A_313 : vector<512xi32> to vector<512x1xi32>
    %swap3A_315 = arith.constant 0 : index
    %swap3A_316 = arith.constant 0 : index
    %swap3A_317 = arith.constant 13 : index
    %swap3A_318 = vector.load %arg4[%swap3A_315, %swap3A_316, %swap3A_317] : memref<1x512x16xi32, #tpu.memory_space<vmem>>, vector<1x512x1xi32>
    %swap3A_319 = vector.shape_cast %swap3A_318 : vector<1x512x1xi32> to vector<512x1xi32>
    %swap3A_320 = vector.shape_cast %broadcast_in_dim3A_314 : vector<512x1xi32> to vector<1x512x1xi32>
    tpu.vector_store %arg4[%swap3A_315, %swap3A_316, %swap3A_317], %swap3A_320 {strides = array<i32>} : memref<1x512x16xi32, #tpu.memory_space<vmem>>, vector<1x512x1xi32>,
    %eq3A_321 = vector.broadcast %broadcast_in_dim3A_314 : vector<512x1xi32> to vector<512x4096xi32>
    %eq3A_322 = arith.cmpi eq, %iota3A, %eq3A_321 : vector<512x4096xi32>
    %jit3A_323 = arith.constant 0x7F800000 : f32
    %broadcast_in_dim3A_324 = vector.broadcast %jit3A_323 : f32 to vector<512x4096xf32>
    %select_n3A_325 = arith.select %eq3A_322, %broadcast_in_dim3A_324, %select_n3A_303 : vector<512x4096xi1>, vector<512x4096xf32>
    %reduce_min3A_326 = arith.constant dense<0x7F800000> : vector<512xf32>
    %reduce_min3A_327 = vector.multi_reduction <minimumf>, %select_n3A_325, %reduce_min3A_326 [1] : vector<512x4096xf32> to vector<512xf32>
    %broadcast_in_dim3A_328 = vector.shape_cast %reduce_min3A_327 : vector<512xf32> to vector<512x1xf32>
    %le3A_329 = vector.broadcast %broadcast_in_dim3A_328 : vector<512x1xf32> to vector<512x4096xf32>
    %le3A_330 = arith.cmpf ole, %select_n3A_325, %le3A_329 : vector<512x4096xf32>
    %jit3A_331 = arith.constant 1073741824 : i32
    %broadcast_in_dim3A_332 = vector.broadcast %jit3A_331 : i32 to vector<512x4096xi32>
    %select_n3A_333 = arith.select %le3A_330, %iota3A, %broadcast_in_dim3A_332 : vector<512x4096xi1>, vector<512x4096xi32>
    %reduce_min3A_334 = arith.constant dense<2147483647> : vector<512xi32>
    %reduce_min3A_335 = vector.multi_reduction <minsi>, %select_n3A_333, %reduce_min3A_334 [1] : vector<512x4096xi32> to vector<512xi32>
    %broadcast_in_dim3A_336 = vector.shape_cast %reduce_min3A_335 : vector<512xi32> to vector<512x1xi32>
    %swap3A_337 = arith.constant 0 : index
    %swap3A_338 = arith.constant 0 : index
    %swap3A_339 = arith.constant 14 : index
    %swap3A_340 = vector.load %arg4[%swap3A_337, %swap3A_338, %swap3A_339] : memref<1x512x16xi32, #tpu.memory_space<vmem>>, vector<1x512x1xi32>
    %swap3A_341 = vector.shape_cast %swap3A_340 : vector<1x512x1xi32> to vector<512x1xi32>
    %swap3A_342 = vector.shape_cast %broadcast_in_dim3A_336 : vector<512x1xi32> to vector<1x512x1xi32>
    tpu.vector_store %arg4[%swap3A_337, %swap3A_338, %swap3A_339], %swap3A_342 {strides = array<i32>} : memref<1x512x16xi32, #tpu.memory_space<vmem>>, vector<1x512x1xi32>,
    %eq3A_343 = vector.broadcast %broadcast_in_dim3A_336 : vector<512x1xi32> to vector<512x4096xi32>
    %eq3A_344 = arith.cmpi eq, %iota3A, %eq3A_343 : vector<512x4096xi32>
    %jit3A_345 = arith.constant 0x7F800000 : f32
    %broadcast_in_dim3A_346 = vector.broadcast %jit3A_345 : f32 to vector<512x4096xf32>
    %select_n3A_347 = arith.select %eq3A_344, %broadcast_in_dim3A_346, %select_n3A_325 : vector<512x4096xi1>, vector<512x4096xf32>
    %reduce_min3A_348 = arith.constant dense<0x7F800000> : vector<512xf32>
    %reduce_min3A_349 = vector.multi_reduction <minimumf>, %select_n3A_347, %reduce_min3A_348 [1] : vector<512x4096xf32> to vector<512xf32>
    %broadcast_in_dim3A_350 = vector.shape_cast %reduce_min3A_349 : vector<512xf32> to vector<512x1xf32>
    %le3A_351 = vector.broadcast %broadcast_in_dim3A_350 : vector<512x1xf32> to vector<512x4096xf32>
    %le3A_352 = arith.cmpf ole, %select_n3A_347, %le3A_351 : vector<512x4096xf32>
    %jit3A_353 = arith.constant 1073741824 : i32
    %broadcast_in_dim3A_354 = vector.broadcast %jit3A_353 : i32 to vector<512x4096xi32>
    %select_n3A_355 = arith.select %le3A_352, %iota3A, %broadcast_in_dim3A_354 : vector<512x4096xi1>, vector<512x4096xi32>
    %reduce_min3A_356 = arith.constant dense<2147483647> : vector<512xi32>
    %reduce_min3A_357 = vector.multi_reduction <minsi>, %select_n3A_355, %reduce_min3A_356 [1] : vector<512x4096xi32> to vector<512xi32>
    %broadcast_in_dim3A_358 = vector.shape_cast %reduce_min3A_357 : vector<512xi32> to vector<512x1xi32>
    %swap3A_359 = arith.constant 0 : index
    %swap3A_360 = arith.constant 0 : index
    %swap3A_361 = arith.constant 15 : index
    %swap3A_362 = vector.load %arg4[%swap3A_359, %swap3A_360, %swap3A_361] : memref<1x512x16xi32, #tpu.memory_space<vmem>>, vector<1x512x1xi32>
    %swap3A_363 = vector.shape_cast %swap3A_362 : vector<1x512x1xi32> to vector<512x1xi32>
    %swap3A_364 = vector.shape_cast %broadcast_in_dim3A_358 : vector<512x1xi32> to vector<1x512x1xi32>
    tpu.vector_store %arg4[%swap3A_359, %swap3A_360, %swap3A_361], %swap3A_364 {strides = array<i32>} : memref<1x512x16xi32, #tpu.memory_space<vmem>>, vector<1x512x1xi32>,
    return
  }
  func.func @transform_0(%arg0: i32, %arg1: i32) -> (i32, i32, i32) {
    %c0_i32 = arith.constant 0 : i32
    %c0_i32_0 = arith.constant 0 : i32
    return %arg0, %arg1, %c0_i32 : i32, i32, i32
  }
  func.func @transform_1(%arg0: i32, %arg1: i32) -> (i32, i32, i32) {
    %c0_i32 = arith.constant 0 : i32
    %c0_i32_0 = arith.constant 0 : i32
    %c0_i32_1 = arith.constant 0 : i32
    return %arg0, %c0_i32, %c0_i32_0 : i32, i32, i32
  }
  func.func @transform_2(%arg0: i32, %arg1: i32) -> (i32, i32, i32) {
    %c0_i32 = arith.constant 0 : i32
    %c0_i32_0 = arith.constant 0 : i32
    return %arg0, %arg1, %c0_i32 : i32, i32, i32
  }
}

module attributes {stable_mosaic.version = 14 : i64} {
  func.func @_p1_body(%arg0: i32, %arg1: i32, %arg2: memref<4096x128xf32, #tpu.memory_space<vmem>>, %arg3: memref<256x16xf32, #tpu.memory_space<vmem>>, %arg4: memref<16x128xf32, #tpu.memory_space<vmem>>, %arg5: memref<1x128xf32, #tpu.memory_space<vmem>>, %arg6: memref<4096x16xf32, #tpu.memory_space<vmem>>, %arg7: memref<1x1x128xf32, #tpu.memory_space<vmem>>, %arg8: memref<1x1x128xf32, #tpu.memory_space<vmem>>) attributes {dimension_semantics = [#tpu.dimension_semantics<arbitrary>, #tpu.dimension_semantics<arbitrary>], iteration_bounds = array<i64: 4, 16>, scalar_prefetch = 0 : i64, scratch_operands = 0 : i64, tpu.core_type = #tpu.core_type<tc>, window_params = [{transform_indices = @transform_0, window_bounds = array<i64: 4096, 128>}, {transform_indices = @transform_1, window_bounds = array<i64: 256, 16>}, {pipeline_mode = #tpu.pipeline_mode<synchronous>, transform_indices = @transform_2, window_bounds = array<i64: 16, 128>}, {pipeline_mode = #tpu.pipeline_mode<synchronous>, transform_indices = @transform_3, window_bounds = array<i64: 1, 128>}, {transform_indices = @transform_4, window_bounds = array<i64: 4096, 16>}, {transform_indices = @transform_5, window_bounds = array<i64: 1, 1, 128>}, {transform_indices = @transform_6, window_bounds = array<i64: 1, 1, 128>}]} {
    %get3A = arith.constant 0 : index
    %get3A_0 = arith.constant 0 : index
    %get3A_1 = vector.load %arg3[%get3A, %get3A_0] : memref<256x16xf32, #tpu.memory_space<vmem>>, vector<256x16xf32>
    %broadcast_in_dim3A = vector.shape_cast %get3A_1 : vector<256x16xf32> to vector<256x1x16xf32>
    %broadcast_in_dim3A_2 = vector.shape_cast %broadcast_in_dim3A : vector<256x1x16xf32> to vector<256x1x16xf32>
    %broadcast_in_dim3A_3 = vector.broadcast %broadcast_in_dim3A_2 : vector<256x1x16xf32> to vector<256x16x16xf32>
    %reshape3A = vector.shape_cast %broadcast_in_dim3A_3 : vector<256x16x16xf32> to vector<4096x16xf32>
    %get3A_4 = arith.constant 0 : index
    %get3A_5 = arith.constant 0 : index
    %get3A_6 = vector.load %arg2[%get3A_4, %get3A_5] : memref<4096x128xf32, #tpu.memory_space<vmem>>, vector<4096x16xf32>
    %sub3A = arith.subf %get3A_6, %reshape3A : vector<4096x16xf32>
    %swap3A = arith.constant 0 : index
    %swap3A_7 = arith.constant 0 : index
    %swap3A_8 = vector.load %arg6[%swap3A, %swap3A_7] : memref<4096x16xf32, #tpu.memory_space<vmem>>, vector<4096x16xf32>
    tpu.vector_store %arg6[%swap3A, %swap3A_7], %sub3A {strides = array<i32>} : memref<4096x16xf32, #tpu.memory_space<vmem>>, vector<4096x16xf32>,
    %get3A_9 = arith.constant 0 : index
    %get3A_10 = arith.constant 0 : index
    %get3A_11 = vector.load %arg4[%get3A_9, %get3A_10] : memref<16x128xf32, #tpu.memory_space<vmem>>, vector<16x128xf32>
    %dot_general3A = arith.constant dense<0.000000e+00> : vector<4096x128xf32>
    %dot_general3A_12 = tpu.matmul %sub3A, %get3A_11, %dot_general3A {dimension_numbers = #tpu.dot_dimension_numbers<[1], [0], [0], [1], [0, 0, 1, 1], [], []>, transpose_lhs_hint = false} : vector<4096x16xf32>, vector<16x128xf32>, vector<4096x128xf32> -> vector<4096x128xf32>
    %get3A_13 = arith.constant 0 : index
    %get3A_14 = arith.constant 0 : index
    %get3A_15 = vector.load %arg5[%get3A_13, %get3A_14] : memref<1x128xf32, #tpu.memory_space<vmem>>, vector<1x128xf32>
    %add3A = vector.broadcast %get3A_15 : vector<1x128xf32> to vector<4096x128xf32>
    %add3A_16 = arith.addf %dot_general3A_12, %add3A : vector<4096x128xf32>
    %eq3A = arith.constant 0 : i32
    %eq3A_17 = arith.cmpi eq, %arg1, %eq3A : i32
    %convert_element_type3A = arith.extui %eq3A_17 : i1 to i32
    %cond3A = arith.constant 0 : i32
    %cond3A_18 = arith.cmpi ne, %convert_element_type3A, %cond3A : i32
    scf.if %cond3A_18 {
      %broadcast_in_dim3A_44 = arith.constant 0.000000e+00 : f32
      %broadcast_in_dim3A_45 = vector.broadcast %broadcast_in_dim3A_44 : f32 to vector<1x1x128xf32>
      %swap3A_46 = arith.constant 0 : index
      %swap3A_47 = arith.constant 0 : index
      %swap3A_48 = arith.constant 0 : index
      %swap3A_49 = vector.load %arg7[%swap3A_46, %swap3A_47, %swap3A_48] : memref<1x1x128xf32, #tpu.memory_space<vmem>>, vector<1x1x128xf32>
      tpu.vector_store %arg7[%swap3A_46, %swap3A_47, %swap3A_48], %broadcast_in_dim3A_45 {strides = array<i32>} : memref<1x1x128xf32, #tpu.memory_space<vmem>>, vector<1x1x128xf32>,
      %broadcast_in_dim3A_50 = arith.constant 0.000000e+00 : f32
      %broadcast_in_dim3A_51 = vector.broadcast %broadcast_in_dim3A_50 : f32 to vector<1x1x128xf32>
      %swap3A_52 = arith.constant 0 : index
      %swap3A_53 = arith.constant 0 : index
      %swap3A_54 = arith.constant 0 : index
      %swap3A_55 = vector.load %arg8[%swap3A_52, %swap3A_53, %swap3A_54] : memref<1x1x128xf32, #tpu.memory_space<vmem>>, vector<1x1x128xf32>
      tpu.vector_store %arg8[%swap3A_52, %swap3A_53, %swap3A_54], %broadcast_in_dim3A_51 {strides = array<i32>} : memref<1x1x128xf32, #tpu.memory_space<vmem>>, vector<1x1x128xf32>,
    } else {
    }
    %get3A_19 = arith.constant 0 : index
    %get3A_20 = arith.constant 0 : index
    %get3A_21 = arith.constant 0 : index
    %get3A_22 = vector.load %arg7[%get3A_19, %get3A_20, %get3A_21] : memref<1x1x128xf32, #tpu.memory_space<vmem>>, vector<1x1x128xf32>
    %reduce_sum3A = arith.constant dense<0.000000e+00> : vector<128xf32>
    %reduce_sum3A_23 = vector.multi_reduction <add>, %add3A_16, %reduce_sum3A [0] : vector<4096x128xf32> to vector<128xf32>
    %broadcast_in_dim3A_24 = vector.shape_cast %reduce_sum3A_23 : vector<128xf32> to vector<1x128xf32>
    %broadcast_in_dim3A_25 = vector.shape_cast %broadcast_in_dim3A_24 : vector<1x128xf32> to vector<1x1x128xf32>
    %add3A_26 = arith.addf %get3A_22, %broadcast_in_dim3A_25 : vector<1x1x128xf32>
    %swap3A_27 = arith.constant 0 : index
    %swap3A_28 = arith.constant 0 : index
    %swap3A_29 = arith.constant 0 : index
    %swap3A_30 = vector.load %arg7[%swap3A_27, %swap3A_28, %swap3A_29] : memref<1x1x128xf32, #tpu.memory_space<vmem>>, vector<1x1x128xf32>
    tpu.vector_store %arg7[%swap3A_27, %swap3A_28, %swap3A_29], %add3A_26 {strides = array<i32>} : memref<1x1x128xf32, #tpu.memory_space<vmem>>, vector<1x1x128xf32>,
    %get3A_31 = arith.constant 0 : index
    %get3A_32 = arith.constant 0 : index
    %get3A_33 = arith.constant 0 : index
    %get3A_34 = vector.load %arg8[%get3A_31, %get3A_32, %get3A_33] : memref<1x1x128xf32, #tpu.memory_space<vmem>>, vector<1x1x128xf32>
    %mul3A = arith.mulf %add3A_16, %add3A_16 : vector<4096x128xf32>
    %reduce_sum3A_35 = arith.constant dense<0.000000e+00> : vector<128xf32>
    %reduce_sum3A_36 = vector.multi_reduction <add>, %mul3A, %reduce_sum3A_35 [0] : vector<4096x128xf32> to vector<128xf32>
    %broadcast_in_dim3A_37 = vector.shape_cast %reduce_sum3A_36 : vector<128xf32> to vector<1x128xf32>
    %broadcast_in_dim3A_38 = vector.shape_cast %broadcast_in_dim3A_37 : vector<1x128xf32> to vector<1x1x128xf32>
    %add3A_39 = arith.addf %get3A_34, %broadcast_in_dim3A_38 : vector<1x1x128xf32>
    %swap3A_40 = arith.constant 0 : index
    %swap3A_41 = arith.constant 0 : index
    %swap3A_42 = arith.constant 0 : index
    %swap3A_43 = vector.load %arg8[%swap3A_40, %swap3A_41, %swap3A_42] : memref<1x1x128xf32, #tpu.memory_space<vmem>>, vector<1x1x128xf32>
    tpu.vector_store %arg8[%swap3A_40, %swap3A_41, %swap3A_42], %add3A_39 {strides = array<i32>} : memref<1x1x128xf32, #tpu.memory_space<vmem>>, vector<1x1x128xf32>,
    return
  }
  func.func @transform_0(%arg0: i32, %arg1: i32) -> (i32, i32) {
    %mul3A = arith.constant 16 : i32
    %mul3A_0 = arith.muli %arg0, %mul3A : i32
    %add3A = arith.addi %mul3A_0, %arg1 : i32
    %c0_i32 = arith.constant 0 : i32
    %c0_i32_1 = arith.constant 0 : i32
    return %add3A, %c0_i32 : i32, i32
  }
  func.func @transform_1(%arg0: i32, %arg1: i32) -> (i32, i32) {
    %mul3A = arith.constant 16 : i32
    %mul3A_0 = arith.muli %arg0, %mul3A : i32
    %add3A = arith.addi %mul3A_0, %arg1 : i32
    %c0_i32 = arith.constant 0 : i32
    %c0_i32_1 = arith.constant 0 : i32
    return %add3A, %c0_i32 : i32, i32
  }
  func.func @transform_2(%arg0: i32, %arg1: i32) -> (i32, i32) {
    %c0_i32 = arith.constant 0 : i32
    %c0_i32_0 = arith.constant 0 : i32
    %c0_i32_1 = arith.constant 0 : i32
    return %c0_i32, %c0_i32_0 : i32, i32
  }
  func.func @transform_3(%arg0: i32, %arg1: i32) -> (i32, i32) {
    %c0_i32 = arith.constant 0 : i32
    %c0_i32_0 = arith.constant 0 : i32
    %c0_i32_1 = arith.constant 0 : i32
    return %c0_i32, %c0_i32_0 : i32, i32
  }
  func.func @transform_4(%arg0: i32, %arg1: i32) -> (i32, i32) {
    %mul3A = arith.constant 16 : i32
    %mul3A_0 = arith.muli %arg0, %mul3A : i32
    %add3A = arith.addi %mul3A_0, %arg1 : i32
    %c0_i32 = arith.constant 0 : i32
    %c0_i32_1 = arith.constant 0 : i32
    return %add3A, %c0_i32 : i32, i32
  }
  func.func @transform_5(%arg0: i32, %arg1: i32) -> (i32, i32, i32) {
    %c0_i32 = arith.constant 0 : i32
    %c0_i32_0 = arith.constant 0 : i32
    %c0_i32_1 = arith.constant 0 : i32
    return %arg0, %c0_i32, %c0_i32_0 : i32, i32, i32
  }
  func.func @transform_6(%arg0: i32, %arg1: i32) -> (i32, i32, i32) {
    %c0_i32 = arith.constant 0 : i32
    %c0_i32_0 = arith.constant 0 : i32
    %c0_i32_1 = arith.constant 0 : i32
    return %arg0, %c0_i32, %c0_i32_0 : i32, i32, i32
  }
}

module attributes {stable_mosaic.version = 14 : i64} {
  func.func @_p2_body(%arg0: i32, %arg1: i32, %arg2: memref<4096x16xf32, #tpu.memory_space<vmem>>, %arg3: memref<1x8x128xf32, #tpu.memory_space<vmem>>, %arg4: memref<16x64xf32, #tpu.memory_space<vmem>>, %arg5: memref<1x64xf32, #tpu.memory_space<vmem>>, %arg6: memref<64x64xf32, #tpu.memory_space<vmem>>, %arg7: memref<1x64xf32, #tpu.memory_space<vmem>>, %arg8: memref<24x64xf32, #tpu.memory_space<vmem>>, %arg9: memref<1x64xf32, #tpu.memory_space<vmem>>, %arg10: memref<1x24xf32, #tpu.memory_space<vmem>>, %arg11: memref<64x128xf32, #tpu.memory_space<vmem>>, %arg12: memref<1x128xf32, #tpu.memory_space<vmem>>, %arg13: memref<4096x64xf32, #tpu.memory_space<vmem>>, %arg14: memref<1x1x128xf32, #tpu.memory_space<vmem>>, %arg15: memref<1x1x128xf32, #tpu.memory_space<vmem>>) attributes {dimension_semantics = [#tpu.dimension_semantics<arbitrary>, #tpu.dimension_semantics<arbitrary>], iteration_bounds = array<i64: 4, 16>, scalar_prefetch = 0 : i64, scratch_operands = 0 : i64, tpu.core_type = #tpu.core_type<tc>, window_params = [{transform_indices = @transform_0, window_bounds = array<i64: 4096, 16>}, {transform_indices = @transform_1, window_bounds = array<i64: 1, 8, 128>}, {pipeline_mode = #tpu.pipeline_mode<synchronous>, transform_indices = @transform_2, window_bounds = array<i64: 16, 64>}, {pipeline_mode = #tpu.pipeline_mode<synchronous>, transform_indices = @transform_3, window_bounds = array<i64: 1, 64>}, {pipeline_mode = #tpu.pipeline_mode<synchronous>, transform_indices = @transform_4, window_bounds = array<i64: 64, 64>}, {pipeline_mode = #tpu.pipeline_mode<synchronous>, transform_indices = @transform_5, window_bounds = array<i64: 1, 64>}, {pipeline_mode = #tpu.pipeline_mode<synchronous>, transform_indices = @transform_6, window_bounds = array<i64: 24, 64>}, {pipeline_mode = #tpu.pipeline_mode<synchronous>, transform_indices = @transform_7, window_bounds = array<i64: 1, 64>}, {pipeline_mode = #tpu.pipeline_mode<synchronous>, transform_indices = @transform_8, window_bounds = array<i64: 1, 24>}, {pipeline_mode = #tpu.pipeline_mode<synchronous>, transform_indices = @transform_9, window_bounds = array<i64: 64, 128>}, {pipeline_mode = #tpu.pipeline_mode<synchronous>, transform_indices = @transform_10, window_bounds = array<i64: 1, 128>}, {transform_indices = @transform_11, window_bounds = array<i64: 4096, 64>}, {transform_indices = @transform_12, window_bounds = array<i64: 1, 1, 128>}, {transform_indices = @transform_13, window_bounds = array<i64: 1, 1, 128>}]} {
    %get3A = arith.constant 0 : index
    %get3A_0 = arith.constant 0 : index
    %get3A_1 = vector.load %arg2[%get3A, %get3A_0] : memref<4096x16xf32, #tpu.memory_space<vmem>>, vector<4096x16xf32>
    %get3A_2 = arith.constant 0 : index
    %get3A_3 = arith.constant 0 : index
    %get3A_4 = vector.load %arg4[%get3A_2, %get3A_3] : memref<16x64xf32, #tpu.memory_space<vmem>>, vector<16x64xf32>
    %dot_general3A = arith.constant dense<0.000000e+00> : vector<4096x64xf32>
    %dot_general3A_5 = tpu.matmul %get3A_1, %get3A_4, %dot_general3A {dimension_numbers = #tpu.dot_dimension_numbers<[1], [0], [0], [1], [0, 0, 1, 1], [], []>, transpose_lhs_hint = false} : vector<4096x16xf32>, vector<16x64xf32>, vector<4096x64xf32> -> vector<4096x64xf32>
    %get3A_6 = arith.constant 0 : index
    %get3A_7 = arith.constant 0 : index
    %get3A_8 = vector.load %arg5[%get3A_6, %get3A_7] : memref<1x64xf32, #tpu.memory_space<vmem>>, vector<1x64xf32>
    %add3A = vector.broadcast %get3A_8 : vector<1x64xf32> to vector<4096x64xf32>
    %add3A_9 = arith.addf %dot_general3A_5, %add3A : vector<4096x64xf32>
    %get3A_10 = arith.constant 0 : index
    %get3A_11 = arith.constant 0 : index
    %get3A_12 = arith.constant 0 : index
    %get3A_13 = vector.load %arg3[%get3A_10, %get3A_11, %get3A_12] : memref<1x8x128xf32, #tpu.memory_space<vmem>>, vector<1x1x64xf32>
    %get3A_14 = vector.shape_cast %get3A_13 : vector<1x1x64xf32> to vector<1x64xf32>
    %get3A_15 = arith.constant 0 : index
    %get3A_16 = arith.constant 1 : index
    %get3A_17 = arith.constant 0 : index
    %get3A_18 = vector.load %arg3[%get3A_15, %get3A_16, %get3A_17] : memref<1x8x128xf32, #tpu.memory_space<vmem>>, vector<1x1x64xf32>
    %get3A_19 = vector.shape_cast %get3A_18 : vector<1x1x64xf32> to vector<1x64xf32>
    %mul3A = vector.broadcast %get3A_14 : vector<1x64xf32> to vector<4096x64xf32>
    %mul3A_20 = arith.mulf %add3A_9, %mul3A : vector<4096x64xf32>
    %add3A_21 = vector.broadcast %get3A_19 : vector<1x64xf32> to vector<4096x64xf32>
    %add3A_22 = arith.addf %mul3A_20, %add3A_21 : vector<4096x64xf32>
    %max3A = arith.constant 0.000000e+00 : f32
    %max3A_23 = vector.broadcast %max3A : f32 to vector<4096x64xf32>
    %max3A_24 = arith.maximumf %add3A_22, %max3A_23 : vector<4096x64xf32>
    %get3A_25 = arith.constant 0 : index
    %get3A_26 = arith.constant 0 : index
    %get3A_27 = vector.load %arg6[%get3A_25, %get3A_26] : memref<64x64xf32, #tpu.memory_space<vmem>>, vector<64x64xf32>
    %dot_general3A_28 = arith.constant dense<0.000000e+00> : vector<4096x64xf32>
    %dot_general3A_29 = tpu.matmul %max3A_24, %get3A_27, %dot_general3A_28 {dimension_numbers = #tpu.dot_dimension_numbers<[1], [0], [0], [1], [0, 0, 1, 1], [], []>, transpose_lhs_hint = false} : vector<4096x64xf32>, vector<64x64xf32>, vector<4096x64xf32> -> vector<4096x64xf32>
    %get3A_30 = arith.constant 0 : index
    %get3A_31 = arith.constant 0 : index
    %get3A_32 = vector.load %arg7[%get3A_30, %get3A_31] : memref<1x64xf32, #tpu.memory_space<vmem>>, vector<1x64xf32>
    %add3A_33 = vector.broadcast %get3A_32 : vector<1x64xf32> to vector<4096x64xf32>
    %add3A_34 = arith.addf %dot_general3A_29, %add3A_33 : vector<4096x64xf32>
    %div3A = arith.constant 2.500000e-01 : f32
    %div3A_35 = vector.broadcast %div3A : f32 to vector<4096x16xf32>
    %div3A_36 = arith.divf %get3A_1, %div3A_35 : vector<4096x16xf32>
    %round3A = math.roundeven %div3A_36 : vector<4096x16xf32>
    %mul3A_37 = arith.constant 2.500000e-01 : f32
    %mul3A_38 = vector.broadcast %mul3A_37 : f32 to vector<4096x16xf32>
    %mul3A_39 = arith.mulf %round3A, %mul3A_38 : vector<4096x16xf32>
    %sub3A = arith.subf %get3A_1, %mul3A_39 : vector<4096x16xf32>
    %div3A_40 = arith.constant 2.500000e-01 : f32
    %div3A_41 = vector.broadcast %div3A_40 : f32 to vector<4096x16xf32>
    %div3A_42 = arith.divf %sub3A, %div3A_41 : vector<4096x16xf32>
    %div3A_43 = arith.constant 1.00000095 : f32
    %div3A_44 = vector.broadcast %div3A_43 : f32 to vector<4096x16xf32>
    %div3A_45 = arith.divf %div3A_42, %div3A_44 : vector<4096x16xf32>
    %mul3A_46 = arith.constant 6.28318548 : f32
    %mul3A_47 = vector.broadcast %mul3A_46 : f32 to vector<4096x16xf32>
    %mul3A_48 = arith.mulf %div3A_45, %mul3A_47 : vector<4096x16xf32>
    %slice3A = vector.extract_strided_slice %mul3A_48 {offsets = [0, 0], sizes = [4096, 1], strides = [1, 1]} : vector<4096x16xf32> to vector<4096x1xf32>
    %broadcast_in_dim3A = vector.shape_cast %slice3A : vector<4096x1xf32> to vector<4096x1xf32>
    %broadcast_in_dim3A_49 = vector.broadcast %broadcast_in_dim3A : vector<4096x1xf32> to vector<4096x8xf32>
    %slice3A_50 = vector.extract_strided_slice %mul3A_48 {offsets = [0, 1], sizes = [4096, 1], strides = [1, 1]} : vector<4096x16xf32> to vector<4096x1xf32>
    %broadcast_in_dim3A_51 = vector.shape_cast %slice3A_50 : vector<4096x1xf32> to vector<4096x1xf32>
    %broadcast_in_dim3A_52 = vector.broadcast %broadcast_in_dim3A_51 : vector<4096x1xf32> to vector<4096x8xf32>
    %slice3A_53 = vector.extract_strided_slice %mul3A_48 {offsets = [0, 2], sizes = [4096, 1], strides = [1, 1]} : vector<4096x16xf32> to vector<4096x1xf32>
    %broadcast_in_dim3A_54 = vector.shape_cast %slice3A_53 : vector<4096x1xf32> to vector<4096x1xf32>
    %broadcast_in_dim3A_55 = vector.broadcast %broadcast_in_dim3A_54 : vector<4096x1xf32> to vector<4096x8xf32>
    %concatenate3A = tpu.concatenate %broadcast_in_dim3A_49, %broadcast_in_dim3A_52, %broadcast_in_dim3A_55 in 1 : vector<4096x8xf32>, vector<4096x8xf32>, vector<4096x8xf32> -> vector<4096x24xf32>
    %get3A_56 = arith.constant 0 : index
    %get3A_57 = arith.constant 0 : index
    %get3A_58 = vector.load %arg10[%get3A_56, %get3A_57] : memref<1x24xf32, #tpu.memory_space<vmem>>, vector<1x24xf32>
    %div3A_59 = vector.broadcast %get3A_58 : vector<1x24xf32> to vector<4096x24xf32>
    %div3A_60 = arith.divf %concatenate3A, %div3A_59 : vector<4096x24xf32>
    %iota3A = tpu.iota {dimensions = array<i32: 1>} : vector<4096x24xi32>
    %jit3A = arith.constant 2 : i32
    %eq3A = arith.constant 0 : i32
    %eq3A_61 = arith.cmpi eq, %jit3A, %eq3A : i32
    %jit3A_62 = arith.constant 1 : i32
    %select_n3A = arith.select %eq3A_61, %jit3A_62, %jit3A : i32
    %rem3A = vector.broadcast %select_n3A : i32 to vector<4096x24xi32>
    %rem3A_63 = arith.remsi %iota3A, %rem3A : vector<4096x24xi32>
    %ne3A = arith.constant 0 : i32
    %ne3A_64 = vector.broadcast %ne3A : i32 to vector<4096x24xi32>
    %ne3A_65 = arith.cmpi ne, %rem3A_63, %ne3A_64 : vector<4096x24xi32>
    %lt3A = arith.constant 0 : i32
    %lt3A_66 = vector.broadcast %lt3A : i32 to vector<4096x24xi32>
    %lt3A_67 = arith.cmpi slt, %rem3A_63, %lt3A_66 : vector<4096x24xi32>
    %lt3A_68 = arith.constant 0 : i32
    %lt3A_69 = arith.cmpi slt, %select_n3A, %lt3A_68 : i32
    %ne3A_70 = vector.broadcast %lt3A_69 : i1 to vector<4096x24xi1>
    %ne3A_71 = vector.broadcast %ne3A_70 : vector<4096x24xi1> to vector<4096x24xi1>
    %ne3A_72 = arith.xori %lt3A_67, %ne3A_71 : vector<4096x24xi1>
    %and3A = arith.andi %ne3A_72, %ne3A_65 : vector<4096x24xi1>
    %add3A_73 = vector.broadcast %select_n3A : i32 to vector<4096x24xi32>
    %add3A_74 = arith.addi %rem3A_63, %add3A_73 : vector<4096x24xi32>
    %select_n3A_75 = arith.select %and3A, %add3A_74, %rem3A_63 : vector<4096x24xi1>, vector<4096x24xi32>
    %eq3A_76 = arith.constant 0 : i32
    %eq3A_77 = vector.broadcast %eq3A_76 : i32 to vector<4096x24xi32>
    %eq3A_78 = arith.cmpi eq, %select_n3A_75, %eq3A_77 : vector<4096x24xi32>
    %sin3A = math.sin %div3A_60 : vector<4096x24xf32>
    %cos3A = math.cos %div3A_60 : vector<4096x24xf32>
    %select_n3A_79 = arith.select %eq3A_78, %sin3A, %cos3A : vector<4096x24xi1>, vector<4096x24xf32>
    %get3A_80 = arith.constant 0 : index
    %get3A_81 = arith.constant 0 : index
    %get3A_82 = vector.load %arg8[%get3A_80, %get3A_81] : memref<24x64xf32, #tpu.memory_space<vmem>>, vector<24x64xf32>
    %dot_general3A_83 = arith.constant dense<0.000000e+00> : vector<4096x64xf32>
    %dot_general3A_84 = tpu.matmul %select_n3A_79, %get3A_82, %dot_general3A_83 {dimension_numbers = #tpu.dot_dimension_numbers<[1], [0], [0], [1], [0, 0, 1, 1], [], []>, transpose_lhs_hint = false} : vector<4096x24xf32>, vector<24x64xf32>, vector<4096x64xf32> -> vector<4096x64xf32>
    %get3A_85 = arith.constant 0 : index
    %get3A_86 = arith.constant 0 : index
    %get3A_87 = vector.load %arg9[%get3A_85, %get3A_86] : memref<1x64xf32, #tpu.memory_space<vmem>>, vector<1x64xf32>
    %add3A_88 = vector.broadcast %get3A_87 : vector<1x64xf32> to vector<4096x64xf32>
    %add3A_89 = arith.addf %dot_general3A_84, %add3A_88 : vector<4096x64xf32>
    %add3A_90 = arith.addf %add3A_34, %add3A_89 : vector<4096x64xf32>
    %swap3A = arith.constant 0 : index
    %swap3A_91 = arith.constant 0 : index
    %swap3A_92 = vector.load %arg13[%swap3A, %swap3A_91] : memref<4096x64xf32, #tpu.memory_space<vmem>>, vector<4096x64xf32>
    tpu.vector_store %arg13[%swap3A, %swap3A_91], %add3A_90 {strides = array<i32>} : memref<4096x64xf32, #tpu.memory_space<vmem>>, vector<4096x64xf32>,
    %get3A_93 = arith.constant 0 : index
    %get3A_94 = arith.constant 0 : index
    %get3A_95 = vector.load %arg11[%get3A_93, %get3A_94] : memref<64x128xf32, #tpu.memory_space<vmem>>, vector<64x128xf32>
    %dot_general3A_96 = arith.constant dense<0.000000e+00> : vector<4096x128xf32>
    %dot_general3A_97 = tpu.matmul %add3A_90, %get3A_95, %dot_general3A_96 {dimension_numbers = #tpu.dot_dimension_numbers<[1], [0], [0], [1], [0, 0, 1, 1], [], []>, transpose_lhs_hint = false} : vector<4096x64xf32>, vector<64x128xf32>, vector<4096x128xf32> -> vector<4096x128xf32>
    %get3A_98 = arith.constant 0 : index
    %get3A_99 = arith.constant 0 : index
    %get3A_100 = vector.load %arg12[%get3A_98, %get3A_99] : memref<1x128xf32, #tpu.memory_space<vmem>>, vector<1x128xf32>
    %add3A_101 = vector.broadcast %get3A_100 : vector<1x128xf32> to vector<4096x128xf32>
    %add3A_102 = arith.addf %dot_general3A_97, %add3A_101 : vector<4096x128xf32>
    %eq3A_103 = arith.constant 0 : i32
    %eq3A_104 = arith.cmpi eq, %arg1, %eq3A_103 : i32
    %convert_element_type3A = arith.extui %eq3A_104 : i1 to i32
    %cond3A = arith.constant 0 : i32
    %cond3A_105 = arith.cmpi ne, %convert_element_type3A, %cond3A : i32
    scf.if %cond3A_105 {
      %broadcast_in_dim3A_132 = arith.constant 0.000000e+00 : f32
      %broadcast_in_dim3A_133 = vector.broadcast %broadcast_in_dim3A_132 : f32 to vector<1x1x128xf32>
      %swap3A_134 = arith.constant 0 : index
      %swap3A_135 = arith.constant 0 : index
      %swap3A_136 = arith.constant 0 : index
      %swap3A_137 = vector.load %arg14[%swap3A_134, %swap3A_135, %swap3A_136] : memref<1x1x128xf32, #tpu.memory_space<vmem>>, vector<1x1x128xf32>
      tpu.vector_store %arg14[%swap3A_134, %swap3A_135, %swap3A_136], %broadcast_in_dim3A_133 {strides = array<i32>} : memref<1x1x128xf32, #tpu.memory_space<vmem>>, vector<1x1x128xf32>,
      %broadcast_in_dim3A_138 = arith.constant 0.000000e+00 : f32
      %broadcast_in_dim3A_139 = vector.broadcast %broadcast_in_dim3A_138 : f32 to vector<1x1x128xf32>
      %swap3A_140 = arith.constant 0 : index
      %swap3A_141 = arith.constant 0 : index
      %swap3A_142 = arith.constant 0 : index
      %swap3A_143 = vector.load %arg15[%swap3A_140, %swap3A_141, %swap3A_142] : memref<1x1x128xf32, #tpu.memory_space<vmem>>, vector<1x1x128xf32>
      tpu.vector_store %arg15[%swap3A_140, %swap3A_141, %swap3A_142], %broadcast_in_dim3A_139 {strides = array<i32>} : memref<1x1x128xf32, #tpu.memory_space<vmem>>, vector<1x1x128xf32>,
    } else {
    }
    %get3A_106 = arith.constant 0 : index
    %get3A_107 = arith.constant 0 : index
    %get3A_108 = arith.constant 0 : index
    %get3A_109 = vector.load %arg14[%get3A_106, %get3A_107, %get3A_108] : memref<1x1x128xf32, #tpu.memory_space<vmem>>, vector<1x1x128xf32>
    %reduce_sum3A = arith.constant dense<0.000000e+00> : vector<128xf32>
    %reduce_sum3A_110 = vector.multi_reduction <add>, %add3A_102, %reduce_sum3A [0] : vector<4096x128xf32> to vector<128xf32>
    %broadcast_in_dim3A_111 = vector.shape_cast %reduce_sum3A_110 : vector<128xf32> to vector<1x128xf32>
    %broadcast_in_dim3A_112 = vector.shape_cast %broadcast_in_dim3A_111 : vector<1x128xf32> to vector<1x1x128xf32>
    %add3A_113 = arith.addf %get3A_109, %broadcast_in_dim3A_112 : vector<1x1x128xf32>
    %swap3A_114 = arith.constant 0 : index
    %swap3A_115 = arith.constant 0 : index
    %swap3A_116 = arith.constant 0 : index
    %swap3A_117 = vector.load %arg14[%swap3A_114, %swap3A_115, %swap3A_116] : memref<1x1x128xf32, #tpu.memory_space<vmem>>, vector<1x1x128xf32>
    tpu.vector_store %arg14[%swap3A_114, %swap3A_115, %swap3A_116], %add3A_113 {strides = array<i32>} : memref<1x1x128xf32, #tpu.memory_space<vmem>>, vector<1x1x128xf32>,
    %get3A_118 = arith.constant 0 : index
    %get3A_119 = arith.constant 0 : index
    %get3A_120 = arith.constant 0 : index
    %get3A_121 = vector.load %arg15[%get3A_118, %get3A_119, %get3A_120] : memref<1x1x128xf32, #tpu.memory_space<vmem>>, vector<1x1x128xf32>
    %mul3A_122 = arith.mulf %add3A_102, %add3A_102 : vector<4096x128xf32>
    %reduce_sum3A_123 = arith.constant dense<0.000000e+00> : vector<128xf32>
    %reduce_sum3A_124 = vector.multi_reduction <add>, %mul3A_122, %reduce_sum3A_123 [0] : vector<4096x128xf32> to vector<128xf32>
    %broadcast_in_dim3A_125 = vector.shape_cast %reduce_sum3A_124 : vector<128xf32> to vector<1x128xf32>
    %broadcast_in_dim3A_126 = vector.shape_cast %broadcast_in_dim3A_125 : vector<1x128xf32> to vector<1x1x128xf32>
    %add3A_127 = arith.addf %get3A_121, %broadcast_in_dim3A_126 : vector<1x1x128xf32>
    %swap3A_128 = arith.constant 0 : index
    %swap3A_129 = arith.constant 0 : index
    %swap3A_130 = arith.constant 0 : index
    %swap3A_131 = vector.load %arg15[%swap3A_128, %swap3A_129, %swap3A_130] : memref<1x1x128xf32, #tpu.memory_space<vmem>>, vector<1x1x128xf32>
    tpu.vector_store %arg15[%swap3A_128, %swap3A_129, %swap3A_130], %add3A_127 {strides = array<i32>} : memref<1x1x128xf32, #tpu.memory_space<vmem>>, vector<1x1x128xf32>,
    return
  }
  func.func @transform_0(%arg0: i32, %arg1: i32) -> (i32, i32) {
    %mul3A = arith.constant 16 : i32
    %mul3A_0 = arith.muli %arg0, %mul3A : i32
    %add3A = arith.addi %mul3A_0, %arg1 : i32
    %c0_i32 = arith.constant 0 : i32
    %c0_i32_1 = arith.constant 0 : i32
    return %add3A, %c0_i32 : i32, i32
  }
  func.func @transform_1(%arg0: i32, %arg1: i32) -> (i32, i32, i32) {
    %jit3A = arith.constant 2 : i32
    %div3A = arith.divsi %arg0, %jit3A : i32
    %sign3A = arith.constant 0 : i32
    %sign3A_0 = arith.cmpi sgt, %arg0, %sign3A : i32
    %sign3A_1 = arith.extui %sign3A_0 : i1 to i32
    %sign3A_2 = arith.constant 0 : i32
    %sign3A_3 = arith.cmpi slt, %arg0, %sign3A_2 : i32
    %sign3A_4 = arith.extui %sign3A_3 : i1 to i32
    %sign3A_5 = arith.subi %sign3A_1, %sign3A_4 : i32
    %sign3A_6 = arith.constant 0 : i32
    %sign3A_7 = arith.cmpi sgt, %jit3A, %sign3A_6 : i32
    %sign3A_8 = arith.extui %sign3A_7 : i1 to i32
    %sign3A_9 = arith.constant 0 : i32
    %sign3A_10 = arith.cmpi slt, %jit3A, %sign3A_9 : i32
    %sign3A_11 = arith.extui %sign3A_10 : i1 to i32
    %sign3A_12 = arith.subi %sign3A_8, %sign3A_11 : i32
    %ne3A = arith.cmpi ne, %sign3A_5, %sign3A_12 : i32
    %rem3A = arith.remsi %arg0, %jit3A : i32
    %ne3A_13 = arith.constant 0 : i32
    %ne3A_14 = arith.cmpi ne, %rem3A, %ne3A_13 : i32
    %and3A = arith.andi %ne3A, %ne3A_14 : i1
    %sub3A = arith.constant 1 : i32
    %sub3A_15 = arith.subi %div3A, %sub3A : i32
    %select_n3A = arith.select %and3A, %sub3A_15, %div3A : i32
    %c0_i32 = arith.constant 0 : i32
    %c0_i32_16 = arith.constant 0 : i32
    %c0_i32_17 = arith.constant 0 : i32
    return %select_n3A, %c0_i32, %c0_i32_16 : i32, i32, i32
  }
  func.func @transform_2(%arg0: i32, %arg1: i32) -> (i32, i32) {
    %c0_i32 = arith.constant 0 : i32
    %c0_i32_0 = arith.constant 0 : i32
    %c0_i32_1 = arith.constant 0 : i32
    return %c0_i32, %c0_i32_0 : i32, i32
  }
  func.func @transform_3(%arg0: i32, %arg1: i32) -> (i32, i32) {
    %c0_i32 = arith.constant 0 : i32
    %c0_i32_0 = arith.constant 0 : i32
    %c0_i32_1 = arith.constant 0 : i32
    return %c0_i32, %c0_i32_0 : i32, i32
  }
  func.func @transform_4(%arg0: i32, %arg1: i32) -> (i32, i32) {
    %c0_i32 = arith.constant 0 : i32
    %c0_i32_0 = arith.constant 0 : i32
    %c0_i32_1 = arith.constant 0 : i32
    return %c0_i32, %c0_i32_0 : i32, i32
  }
  func.func @transform_5(%arg0: i32, %arg1: i32) -> (i32, i32) {
    %c0_i32 = arith.constant 0 : i32
    %c0_i32_0 = arith.constant 0 : i32
    %c0_i32_1 = arith.constant 0 : i32
    return %c0_i32, %c0_i32_0 : i32, i32
  }
  func.func @transform_6(%arg0: i32, %arg1: i32) -> (i32, i32) {
    %c0_i32 = arith.constant 0 : i32
    %c0_i32_0 = arith.constant 0 : i32
    %c0_i32_1 = arith.constant 0 : i32
    return %c0_i32, %c0_i32_0 : i32, i32
  }
  func.func @transform_7(%arg0: i32, %arg1: i32) -> (i32, i32) {
    %c0_i32 = arith.constant 0 : i32
    %c0_i32_0 = arith.constant 0 : i32
    %c0_i32_1 = arith.constant 0 : i32
    return %c0_i32, %c0_i32_0 : i32, i32
  }
  func.func @transform_8(%arg0: i32, %arg1: i32) -> (i32, i32) {
    %c0_i32 = arith.constant 0 : i32
    %c0_i32_0 = arith.constant 0 : i32
    %c0_i32_1 = arith.constant 0 : i32
    return %c0_i32, %c0_i32_0 : i32, i32
  }
  func.func @transform_9(%arg0: i32, %arg1: i32) -> (i32, i32) {
    %c0_i32 = arith.constant 0 : i32
    %c0_i32_0 = arith.constant 0 : i32
    %c0_i32_1 = arith.constant 0 : i32
    return %c0_i32, %c0_i32_0 : i32, i32
  }
  func.func @transform_10(%arg0: i32, %arg1: i32) -> (i32, i32) {
    %c0_i32 = arith.constant 0 : i32
    %c0_i32_0 = arith.constant 0 : i32
    %c0_i32_1 = arith.constant 0 : i32
    return %c0_i32, %c0_i32_0 : i32, i32
  }
  func.func @transform_11(%arg0: i32, %arg1: i32) -> (i32, i32) {
    %mul3A = arith.constant 16 : i32
    %mul3A_0 = arith.muli %arg0, %mul3A : i32
    %add3A = arith.addi %mul3A_0, %arg1 : i32
    %c0_i32 = arith.constant 0 : i32
    %c0_i32_1 = arith.constant 0 : i32
    return %add3A, %c0_i32 : i32, i32
  }
  func.func @transform_12(%arg0: i32, %arg1: i32) -> (i32, i32, i32) {
    %c0_i32 = arith.constant 0 : i32
    %c0_i32_0 = arith.constant 0 : i32
    %c0_i32_1 = arith.constant 0 : i32
    return %arg0, %c0_i32, %c0_i32_0 : i32, i32, i32
  }
  func.func @transform_13(%arg0: i32, %arg1: i32) -> (i32, i32, i32) {
    %c0_i32 = arith.constant 0 : i32
    %c0_i32_0 = arith.constant 0 : i32
    %c0_i32_1 = arith.constant 0 : i32
    return %arg0, %c0_i32, %c0_i32_0 : i32, i32, i32
  }
}

module attributes {stable_mosaic.version = 14 : i64} {
  func.func @_p3_body(%arg0: i32, %arg1: i32, %arg2: memref<4096x64xf32, #tpu.memory_space<vmem>>, %arg3: memref<1x8x128xf32, #tpu.memory_space<vmem>>, %arg4: memref<64x64xf32, #tpu.memory_space<vmem>>, %arg5: memref<1x64xf32, #tpu.memory_space<vmem>>, %arg6: memref<1x1x64xf32, #tpu.memory_space<vmem>>, %arg7: memref<1x64x64xf32, #tpu.memory_space<vmem>>) attributes {dimension_semantics = [#tpu.dimension_semantics<arbitrary>, #tpu.dimension_semantics<arbitrary>], iteration_bounds = array<i64: 4, 16>, scalar_prefetch = 0 : i64, scratch_operands = 0 : i64, tpu.core_type = #tpu.core_type<tc>, window_params = [{transform_indices = @transform_0, window_bounds = array<i64: 4096, 64>}, {transform_indices = @transform_1, window_bounds = array<i64: 1, 8, 128>}, {pipeline_mode = #tpu.pipeline_mode<synchronous>, transform_indices = @transform_2, window_bounds = array<i64: 64, 64>}, {pipeline_mode = #tpu.pipeline_mode<synchronous>, transform_indices = @transform_3, window_bounds = array<i64: 1, 64>}, {transform_indices = @transform_4, window_bounds = array<i64: 1, 1, 64>}, {transform_indices = @transform_5, window_bounds = array<i64: 1, 64, 64>}]} {
    %get3A = arith.constant 0 : index
    %get3A_0 = arith.constant 0 : index
    %get3A_1 = vector.load %arg2[%get3A, %get3A_0] : memref<4096x64xf32, #tpu.memory_space<vmem>>, vector<4096x64xf32>
    %get3A_2 = arith.constant 0 : index
    %get3A_3 = arith.constant 0 : index
    %get3A_4 = vector.load %arg4[%get3A_2, %get3A_3] : memref<64x64xf32, #tpu.memory_space<vmem>>, vector<64x64xf32>
    %dot_general3A = arith.constant dense<0.000000e+00> : vector<4096x64xf32>
    %dot_general3A_5 = tpu.matmul %get3A_1, %get3A_4, %dot_general3A {dimension_numbers = #tpu.dot_dimension_numbers<[1], [0], [0], [1], [0, 0, 1, 1], [], []>, transpose_lhs_hint = false} : vector<4096x64xf32>, vector<64x64xf32>, vector<4096x64xf32> -> vector<4096x64xf32>
    %get3A_6 = arith.constant 0 : index
    %get3A_7 = arith.constant 0 : index
    %get3A_8 = vector.load %arg5[%get3A_6, %get3A_7] : memref<1x64xf32, #tpu.memory_space<vmem>>, vector<1x64xf32>
    %add3A = vector.broadcast %get3A_8 : vector<1x64xf32> to vector<4096x64xf32>
    %add3A_9 = arith.addf %dot_general3A_5, %add3A : vector<4096x64xf32>
    %get3A_10 = arith.constant 0 : index
    %get3A_11 = arith.constant 0 : index
    %get3A_12 = arith.constant 0 : index
    %get3A_13 = vector.load %arg3[%get3A_10, %get3A_11, %get3A_12] : memref<1x8x128xf32, #tpu.memory_space<vmem>>, vector<1x1x64xf32>
    %get3A_14 = vector.shape_cast %get3A_13 : vector<1x1x64xf32> to vector<1x64xf32>
    %get3A_15 = arith.constant 0 : index
    %get3A_16 = arith.constant 1 : index
    %get3A_17 = arith.constant 0 : index
    %get3A_18 = vector.load %arg3[%get3A_15, %get3A_16, %get3A_17] : memref<1x8x128xf32, #tpu.memory_space<vmem>>, vector<1x1x64xf32>
    %get3A_19 = vector.shape_cast %get3A_18 : vector<1x1x64xf32> to vector<1x64xf32>
    %mul3A = vector.broadcast %get3A_14 : vector<1x64xf32> to vector<4096x64xf32>
    %mul3A_20 = arith.mulf %add3A_9, %mul3A : vector<4096x64xf32>
    %add3A_21 = vector.broadcast %get3A_19 : vector<1x64xf32> to vector<4096x64xf32>
    %add3A_22 = arith.addf %mul3A_20, %add3A_21 : vector<4096x64xf32>
    %max3A = arith.constant 0.000000e+00 : f32
    %max3A_23 = vector.broadcast %max3A : f32 to vector<4096x64xf32>
    %max3A_24 = arith.maximumf %add3A_22, %max3A_23 : vector<4096x64xf32>
    %eq3A = arith.constant 0 : i32
    %eq3A_25 = arith.cmpi eq, %arg1, %eq3A : i32
    %convert_element_type3A = arith.extui %eq3A_25 : i1 to i32
    %cond3A = arith.constant 0 : i32
    %cond3A_26 = arith.cmpi ne, %convert_element_type3A, %cond3A : i32
    scf.if %cond3A_26 {
      %broadcast_in_dim3A_49 = arith.constant 0.000000e+00 : f32
      %broadcast_in_dim3A_50 = vector.broadcast %broadcast_in_dim3A_49 : f32 to vector<1x1x64xf32>
      %swap3A_51 = arith.constant 0 : index
      %swap3A_52 = arith.constant 0 : index
      %swap3A_53 = arith.constant 0 : index
      %swap3A_54 = vector.load %arg6[%swap3A_51, %swap3A_52, %swap3A_53] : memref<1x1x64xf32, #tpu.memory_space<vmem>>, vector<1x1x64xf32>
      tpu.vector_store %arg6[%swap3A_51, %swap3A_52, %swap3A_53], %broadcast_in_dim3A_50 {strides = array<i32>} : memref<1x1x64xf32, #tpu.memory_space<vmem>>, vector<1x1x64xf32>,
      %broadcast_in_dim3A_55 = arith.constant 0.000000e+00 : f32
      %broadcast_in_dim3A_56 = vector.broadcast %broadcast_in_dim3A_55 : f32 to vector<1x64x64xf32>
      %swap3A_57 = arith.constant 0 : index
      %swap3A_58 = arith.constant 0 : index
      %swap3A_59 = arith.constant 0 : index
      %swap3A_60 = vector.load %arg7[%swap3A_57, %swap3A_58, %swap3A_59] : memref<1x64x64xf32, #tpu.memory_space<vmem>>, vector<1x64x64xf32>
      tpu.vector_store %arg7[%swap3A_57, %swap3A_58, %swap3A_59], %broadcast_in_dim3A_56 {strides = array<i32>} : memref<1x64x64xf32, #tpu.memory_space<vmem>>, vector<1x64x64xf32>,
    } else {
    }
    %get3A_27 = arith.constant 0 : index
    %get3A_28 = arith.constant 0 : index
    %get3A_29 = arith.constant 0 : index
    %get3A_30 = vector.load %arg6[%get3A_27, %get3A_28, %get3A_29] : memref<1x1x64xf32, #tpu.memory_space<vmem>>, vector<1x1x64xf32>
    %reduce_sum3A = arith.constant dense<0.000000e+00> : vector<64xf32>
    %reduce_sum3A_31 = vector.multi_reduction <add>, %max3A_24, %reduce_sum3A [0] : vector<4096x64xf32> to vector<64xf32>
    %broadcast_in_dim3A = vector.shape_cast %reduce_sum3A_31 : vector<64xf32> to vector<1x64xf32>
    %broadcast_in_dim3A_32 = vector.shape_cast %broadcast_in_dim3A : vector<1x64xf32> to vector<1x1x64xf32>
    %add3A_33 = arith.addf %get3A_30, %broadcast_in_dim3A_32 : vector<1x1x64xf32>
    %swap3A = arith.constant 0 : index
    %swap3A_34 = arith.constant 0 : index
    %swap3A_35 = arith.constant 0 : index
    %swap3A_36 = vector.load %arg6[%swap3A, %swap3A_34, %swap3A_35] : memref<1x1x64xf32, #tpu.memory_space<vmem>>, vector<1x1x64xf32>
    tpu.vector_store %arg6[%swap3A, %swap3A_34, %swap3A_35], %add3A_33 {strides = array<i32>} : memref<1x1x64xf32, #tpu.memory_space<vmem>>, vector<1x1x64xf32>,
    %dot_general3A_37 = arith.constant dense<0.000000e+00> : vector<64x64xf32>
    %dot_general3A_38 = tpu.matmul %max3A_24, %max3A_24, %dot_general3A_37 {dimension_numbers = #tpu.dot_dimension_numbers<[0], [0], [1], [1], [0, 1, 1, 1], [], []>, precision = #tpu.contract_precision<fp32>, transpose_lhs_hint = false} : vector<4096x64xf32>, vector<4096x64xf32>, vector<64x64xf32> -> vector<64x64xf32>
    %get3A_39 = arith.constant 0 : index
    %get3A_40 = arith.constant 0 : index
    %get3A_41 = arith.constant 0 : index
    %get3A_42 = vector.load %arg7[%get3A_39, %get3A_40, %get3A_41] : memref<1x64x64xf32, #tpu.memory_space<vmem>>, vector<1x64x64xf32>
    %broadcast_in_dim3A_43 = vector.shape_cast %dot_general3A_38 : vector<64x64xf32> to vector<1x64x64xf32>
    %add3A_44 = arith.addf %get3A_42, %broadcast_in_dim3A_43 : vector<1x64x64xf32>
    %swap3A_45 = arith.constant 0 : index
    %swap3A_46 = arith.constant 0 : index
    %swap3A_47 = arith.constant 0 : index
    %swap3A_48 = vector.load %arg7[%swap3A_45, %swap3A_46, %swap3A_47] : memref<1x64x64xf32, #tpu.memory_space<vmem>>, vector<1x64x64xf32>
    tpu.vector_store %arg7[%swap3A_45, %swap3A_46, %swap3A_47], %add3A_44 {strides = array<i32>} : memref<1x64x64xf32, #tpu.memory_space<vmem>>, vector<1x64x64xf32>,
    return
  }
  func.func @transform_0(%arg0: i32, %arg1: i32) -> (i32, i32) {
    %mul3A = arith.constant 16 : i32
    %mul3A_0 = arith.muli %arg0, %mul3A : i32
    %add3A = arith.addi %mul3A_0, %arg1 : i32
    %c0_i32 = arith.constant 0 : i32
    %c0_i32_1 = arith.constant 0 : i32
    return %add3A, %c0_i32 : i32, i32
  }
  func.func @transform_1(%arg0: i32, %arg1: i32) -> (i32, i32, i32) {
    %jit3A = arith.constant 2 : i32
    %div3A = arith.divsi %arg0, %jit3A : i32
    %sign3A = arith.constant 0 : i32
    %sign3A_0 = arith.cmpi sgt, %arg0, %sign3A : i32
    %sign3A_1 = arith.extui %sign3A_0 : i1 to i32
    %sign3A_2 = arith.constant 0 : i32
    %sign3A_3 = arith.cmpi slt, %arg0, %sign3A_2 : i32
    %sign3A_4 = arith.extui %sign3A_3 : i1 to i32
    %sign3A_5 = arith.subi %sign3A_1, %sign3A_4 : i32
    %sign3A_6 = arith.constant 0 : i32
    %sign3A_7 = arith.cmpi sgt, %jit3A, %sign3A_6 : i32
    %sign3A_8 = arith.extui %sign3A_7 : i1 to i32
    %sign3A_9 = arith.constant 0 : i32
    %sign3A_10 = arith.cmpi slt, %jit3A, %sign3A_9 : i32
    %sign3A_11 = arith.extui %sign3A_10 : i1 to i32
    %sign3A_12 = arith.subi %sign3A_8, %sign3A_11 : i32
    %ne3A = arith.cmpi ne, %sign3A_5, %sign3A_12 : i32
    %rem3A = arith.remsi %arg0, %jit3A : i32
    %ne3A_13 = arith.constant 0 : i32
    %ne3A_14 = arith.cmpi ne, %rem3A, %ne3A_13 : i32
    %and3A = arith.andi %ne3A, %ne3A_14 : i1
    %sub3A = arith.constant 1 : i32
    %sub3A_15 = arith.subi %div3A, %sub3A : i32
    %select_n3A = arith.select %and3A, %sub3A_15, %div3A : i32
    %c0_i32 = arith.constant 0 : i32
    %c0_i32_16 = arith.constant 0 : i32
    %c0_i32_17 = arith.constant 0 : i32
    return %select_n3A, %c0_i32, %c0_i32_16 : i32, i32, i32
  }
  func.func @transform_2(%arg0: i32, %arg1: i32) -> (i32, i32) {
    %c0_i32 = arith.constant 0 : i32
    %c0_i32_0 = arith.constant 0 : i32
    %c0_i32_1 = arith.constant 0 : i32
    return %c0_i32, %c0_i32_0 : i32, i32
  }
  func.func @transform_3(%arg0: i32, %arg1: i32) -> (i32, i32) {
    %c0_i32 = arith.constant 0 : i32
    %c0_i32_0 = arith.constant 0 : i32
    %c0_i32_1 = arith.constant 0 : i32
    return %c0_i32, %c0_i32_0 : i32, i32
  }
  func.func @transform_4(%arg0: i32, %arg1: i32) -> (i32, i32, i32) {
    %c0_i32 = arith.constant 0 : i32
    %c0_i32_0 = arith.constant 0 : i32
    %c0_i32_1 = arith.constant 0 : i32
    return %arg0, %c0_i32, %c0_i32_0 : i32, i32, i32
  }
  func.func @transform_5(%arg0: i32, %arg1: i32) -> (i32, i32, i32) {
    %c0_i32 = arith.constant 0 : i32
    %c0_i32_0 = arith.constant 0 : i32
    %c0_i32_1 = arith.constant 0 : i32
    return %arg0, %c0_i32, %c0_i32_0 : i32, i32, i32
  }
}

module attributes {stable_mosaic.version = 14 : i64} {
  func.func @_p4_body(%arg0: i32, %arg1: i32, %arg2: memref<4096x64xf32, #tpu.memory_space<vmem>>, %arg3: memref<1x8x128xf32, #tpu.memory_space<vmem>>, %arg4: memref<64x64xf32, #tpu.memory_space<vmem>>, %arg5: memref<1x64xf32, #tpu.memory_space<vmem>>, %arg6: memref<64x64xf32, #tpu.memory_space<vmem>>, %arg7: memref<1x64xf32, #tpu.memory_space<vmem>>, %arg8: memref<1x1x64xf32, #tpu.memory_space<vmem>>, %arg9: memref<1x64x64xf32, #tpu.memory_space<vmem>>) attributes {dimension_semantics = [#tpu.dimension_semantics<arbitrary>, #tpu.dimension_semantics<arbitrary>], iteration_bounds = array<i64: 4, 16>, scalar_prefetch = 0 : i64, scratch_operands = 0 : i64, tpu.core_type = #tpu.core_type<tc>, window_params = [{transform_indices = @transform_0, window_bounds = array<i64: 4096, 64>}, {transform_indices = @transform_1, window_bounds = array<i64: 1, 8, 128>}, {pipeline_mode = #tpu.pipeline_mode<synchronous>, transform_indices = @transform_2, window_bounds = array<i64: 64, 64>}, {pipeline_mode = #tpu.pipeline_mode<synchronous>, transform_indices = @transform_3, window_bounds = array<i64: 1, 64>}, {pipeline_mode = #tpu.pipeline_mode<synchronous>, transform_indices = @transform_4, window_bounds = array<i64: 64, 64>}, {pipeline_mode = #tpu.pipeline_mode<synchronous>, transform_indices = @transform_5, window_bounds = array<i64: 1, 64>}, {transform_indices = @transform_6, window_bounds = array<i64: 1, 1, 64>}, {transform_indices = @transform_7, window_bounds = array<i64: 1, 64, 64>}]} {
    %get3A = arith.constant 0 : index
    %get3A_0 = arith.constant 0 : index
    %get3A_1 = vector.load %arg2[%get3A, %get3A_0] : memref<4096x64xf32, #tpu.memory_space<vmem>>, vector<4096x64xf32>
    %get3A_2 = arith.constant 0 : index
    %get3A_3 = arith.constant 0 : index
    %get3A_4 = vector.load %arg4[%get3A_2, %get3A_3] : memref<64x64xf32, #tpu.memory_space<vmem>>, vector<64x64xf32>
    %dot_general3A = arith.constant dense<0.000000e+00> : vector<4096x64xf32>
    %dot_general3A_5 = tpu.matmul %get3A_1, %get3A_4, %dot_general3A {dimension_numbers = #tpu.dot_dimension_numbers<[1], [0], [0], [1], [0, 0, 1, 1], [], []>, transpose_lhs_hint = false} : vector<4096x64xf32>, vector<64x64xf32>, vector<4096x64xf32> -> vector<4096x64xf32>
    %get3A_6 = arith.constant 0 : index
    %get3A_7 = arith.constant 0 : index
    %get3A_8 = vector.load %arg5[%get3A_6, %get3A_7] : memref<1x64xf32, #tpu.memory_space<vmem>>, vector<1x64xf32>
    %add3A = vector.broadcast %get3A_8 : vector<1x64xf32> to vector<4096x64xf32>
    %add3A_9 = arith.addf %dot_general3A_5, %add3A : vector<4096x64xf32>
    %get3A_10 = arith.constant 0 : index
    %get3A_11 = arith.constant 0 : index
    %get3A_12 = arith.constant 0 : index
    %get3A_13 = vector.load %arg3[%get3A_10, %get3A_11, %get3A_12] : memref<1x8x128xf32, #tpu.memory_space<vmem>>, vector<1x1x64xf32>
    %get3A_14 = vector.shape_cast %get3A_13 : vector<1x1x64xf32> to vector<1x64xf32>
    %get3A_15 = arith.constant 0 : index
    %get3A_16 = arith.constant 1 : index
    %get3A_17 = arith.constant 0 : index
    %get3A_18 = vector.load %arg3[%get3A_15, %get3A_16, %get3A_17] : memref<1x8x128xf32, #tpu.memory_space<vmem>>, vector<1x1x64xf32>
    %get3A_19 = vector.shape_cast %get3A_18 : vector<1x1x64xf32> to vector<1x64xf32>
    %mul3A = vector.broadcast %get3A_14 : vector<1x64xf32> to vector<4096x64xf32>
    %mul3A_20 = arith.mulf %add3A_9, %mul3A : vector<4096x64xf32>
    %add3A_21 = vector.broadcast %get3A_19 : vector<1x64xf32> to vector<4096x64xf32>
    %add3A_22 = arith.addf %mul3A_20, %add3A_21 : vector<4096x64xf32>
    %max3A = arith.constant 0.000000e+00 : f32
    %max3A_23 = vector.broadcast %max3A : f32 to vector<4096x64xf32>
    %max3A_24 = arith.maximumf %add3A_22, %max3A_23 : vector<4096x64xf32>
    %get3A_25 = arith.constant 0 : index
    %get3A_26 = arith.constant 0 : index
    %get3A_27 = vector.load %arg6[%get3A_25, %get3A_26] : memref<64x64xf32, #tpu.memory_space<vmem>>, vector<64x64xf32>
    %dot_general3A_28 = arith.constant dense<0.000000e+00> : vector<4096x64xf32>
    %dot_general3A_29 = tpu.matmul %max3A_24, %get3A_27, %dot_general3A_28 {dimension_numbers = #tpu.dot_dimension_numbers<[1], [0], [0], [1], [0, 0, 1, 1], [], []>, transpose_lhs_hint = false} : vector<4096x64xf32>, vector<64x64xf32>, vector<4096x64xf32> -> vector<4096x64xf32>
    %get3A_30 = arith.constant 0 : index
    %get3A_31 = arith.constant 0 : index
    %get3A_32 = vector.load %arg7[%get3A_30, %get3A_31] : memref<1x64xf32, #tpu.memory_space<vmem>>, vector<1x64xf32>
    %add3A_33 = vector.broadcast %get3A_32 : vector<1x64xf32> to vector<4096x64xf32>
    %add3A_34 = arith.addf %dot_general3A_29, %add3A_33 : vector<4096x64xf32>
    %get3A_35 = arith.constant 0 : index
    %get3A_36 = arith.constant 2 : index
    %get3A_37 = arith.constant 0 : index
    %get3A_38 = vector.load %arg3[%get3A_35, %get3A_36, %get3A_37] : memref<1x8x128xf32, #tpu.memory_space<vmem>>, vector<1x1x64xf32>
    %get3A_39 = vector.shape_cast %get3A_38 : vector<1x1x64xf32> to vector<1x64xf32>
    %get3A_40 = arith.constant 0 : index
    %get3A_41 = arith.constant 3 : index
    %get3A_42 = arith.constant 0 : index
    %get3A_43 = vector.load %arg3[%get3A_40, %get3A_41, %get3A_42] : memref<1x8x128xf32, #tpu.memory_space<vmem>>, vector<1x1x64xf32>
    %get3A_44 = vector.shape_cast %get3A_43 : vector<1x1x64xf32> to vector<1x64xf32>
    %mul3A_45 = vector.broadcast %get3A_39 : vector<1x64xf32> to vector<4096x64xf32>
    %mul3A_46 = arith.mulf %add3A_34, %mul3A_45 : vector<4096x64xf32>
    %add3A_47 = vector.broadcast %get3A_44 : vector<1x64xf32> to vector<4096x64xf32>
    %add3A_48 = arith.addf %mul3A_46, %add3A_47 : vector<4096x64xf32>
    %max3A_49 = arith.constant 0.000000e+00 : f32
    %max3A_50 = vector.broadcast %max3A_49 : f32 to vector<4096x64xf32>
    %max3A_51 = arith.maximumf %add3A_48, %max3A_50 : vector<4096x64xf32>
    %eq3A = arith.constant 0 : i32
    %eq3A_52 = arith.cmpi eq, %arg1, %eq3A : i32
    %convert_element_type3A = arith.extui %eq3A_52 : i1 to i32
    %cond3A = arith.constant 0 : i32
    %cond3A_53 = arith.cmpi ne, %convert_element_type3A, %cond3A : i32
    scf.if %cond3A_53 {
      %broadcast_in_dim3A_76 = arith.constant 0.000000e+00 : f32
      %broadcast_in_dim3A_77 = vector.broadcast %broadcast_in_dim3A_76 : f32 to vector<1x1x64xf32>
      %swap3A_78 = arith.constant 0 : index
      %swap3A_79 = arith.constant 0 : index
      %swap3A_80 = arith.constant 0 : index
      %swap3A_81 = vector.load %arg8[%swap3A_78, %swap3A_79, %swap3A_80] : memref<1x1x64xf32, #tpu.memory_space<vmem>>, vector<1x1x64xf32>
      tpu.vector_store %arg8[%swap3A_78, %swap3A_79, %swap3A_80], %broadcast_in_dim3A_77 {strides = array<i32>} : memref<1x1x64xf32, #tpu.memory_space<vmem>>, vector<1x1x64xf32>,
      %broadcast_in_dim3A_82 = arith.constant 0.000000e+00 : f32
      %broadcast_in_dim3A_83 = vector.broadcast %broadcast_in_dim3A_82 : f32 to vector<1x64x64xf32>
      %swap3A_84 = arith.constant 0 : index
      %swap3A_85 = arith.constant 0 : index
      %swap3A_86 = arith.constant 0 : index
      %swap3A_87 = vector.load %arg9[%swap3A_84, %swap3A_85, %swap3A_86] : memref<1x64x64xf32, #tpu.memory_space<vmem>>, vector<1x64x64xf32>
      tpu.vector_store %arg9[%swap3A_84, %swap3A_85, %swap3A_86], %broadcast_in_dim3A_83 {strides = array<i32>} : memref<1x64x64xf32, #tpu.memory_space<vmem>>, vector<1x64x64xf32>,
    } else {
    }
    %get3A_54 = arith.constant 0 : index
    %get3A_55 = arith.constant 0 : index
    %get3A_56 = arith.constant 0 : index
    %get3A_57 = vector.load %arg8[%get3A_54, %get3A_55, %get3A_56] : memref<1x1x64xf32, #tpu.memory_space<vmem>>, vector<1x1x64xf32>
    %reduce_sum3A = arith.constant dense<0.000000e+00> : vector<64xf32>
    %reduce_sum3A_58 = vector.multi_reduction <add>, %max3A_51, %reduce_sum3A [0] : vector<4096x64xf32> to vector<64xf32>
    %broadcast_in_dim3A = vector.shape_cast %reduce_sum3A_58 : vector<64xf32> to vector<1x64xf32>
    %broadcast_in_dim3A_59 = vector.shape_cast %broadcast_in_dim3A : vector<1x64xf32> to vector<1x1x64xf32>
    %add3A_60 = arith.addf %get3A_57, %broadcast_in_dim3A_59 : vector<1x1x64xf32>
    %swap3A = arith.constant 0 : index
    %swap3A_61 = arith.constant 0 : index
    %swap3A_62 = arith.constant 0 : index
    %swap3A_63 = vector.load %arg8[%swap3A, %swap3A_61, %swap3A_62] : memref<1x1x64xf32, #tpu.memory_space<vmem>>, vector<1x1x64xf32>
    tpu.vector_store %arg8[%swap3A, %swap3A_61, %swap3A_62], %add3A_60 {strides = array<i32>} : memref<1x1x64xf32, #tpu.memory_space<vmem>>, vector<1x1x64xf32>,
    %dot_general3A_64 = arith.constant dense<0.000000e+00> : vector<64x64xf32>
    %dot_general3A_65 = tpu.matmul %max3A_51, %max3A_51, %dot_general3A_64 {dimension_numbers = #tpu.dot_dimension_numbers<[0], [0], [1], [1], [0, 1, 1, 1], [], []>, precision = #tpu.contract_precision<fp32>, transpose_lhs_hint = false} : vector<4096x64xf32>, vector<4096x64xf32>, vector<64x64xf32> -> vector<64x64xf32>
    %get3A_66 = arith.constant 0 : index
    %get3A_67 = arith.constant 0 : index
    %get3A_68 = arith.constant 0 : index
    %get3A_69 = vector.load %arg9[%get3A_66, %get3A_67, %get3A_68] : memref<1x64x64xf32, #tpu.memory_space<vmem>>, vector<1x64x64xf32>
    %broadcast_in_dim3A_70 = vector.shape_cast %dot_general3A_65 : vector<64x64xf32> to vector<1x64x64xf32>
    %add3A_71 = arith.addf %get3A_69, %broadcast_in_dim3A_70 : vector<1x64x64xf32>
    %swap3A_72 = arith.constant 0 : index
    %swap3A_73 = arith.constant 0 : index
    %swap3A_74 = arith.constant 0 : index
    %swap3A_75 = vector.load %arg9[%swap3A_72, %swap3A_73, %swap3A_74] : memref<1x64x64xf32, #tpu.memory_space<vmem>>, vector<1x64x64xf32>
    tpu.vector_store %arg9[%swap3A_72, %swap3A_73, %swap3A_74], %add3A_71 {strides = array<i32>} : memref<1x64x64xf32, #tpu.memory_space<vmem>>, vector<1x64x64xf32>,
    return
  }
  func.func @transform_0(%arg0: i32, %arg1: i32) -> (i32, i32) {
    %mul3A = arith.constant 16 : i32
    %mul3A_0 = arith.muli %arg0, %mul3A : i32
    %add3A = arith.addi %mul3A_0, %arg1 : i32
    %c0_i32 = arith.constant 0 : i32
    %c0_i32_1 = arith.constant 0 : i32
    return %add3A, %c0_i32 : i32, i32
  }
  func.func @transform_1(%arg0: i32, %arg1: i32) -> (i32, i32, i32) {
    %jit3A = arith.constant 2 : i32
    %div3A = arith.divsi %arg0, %jit3A : i32
    %sign3A = arith.constant 0 : i32
    %sign3A_0 = arith.cmpi sgt, %arg0, %sign3A : i32
    %sign3A_1 = arith.extui %sign3A_0 : i1 to i32
    %sign3A_2 = arith.constant 0 : i32
    %sign3A_3 = arith.cmpi slt, %arg0, %sign3A_2 : i32
    %sign3A_4 = arith.extui %sign3A_3 : i1 to i32
    %sign3A_5 = arith.subi %sign3A_1, %sign3A_4 : i32
    %sign3A_6 = arith.constant 0 : i32
    %sign3A_7 = arith.cmpi sgt, %jit3A, %sign3A_6 : i32
    %sign3A_8 = arith.extui %sign3A_7 : i1 to i32
    %sign3A_9 = arith.constant 0 : i32
    %sign3A_10 = arith.cmpi slt, %jit3A, %sign3A_9 : i32
    %sign3A_11 = arith.extui %sign3A_10 : i1 to i32
    %sign3A_12 = arith.subi %sign3A_8, %sign3A_11 : i32
    %ne3A = arith.cmpi ne, %sign3A_5, %sign3A_12 : i32
    %rem3A = arith.remsi %arg0, %jit3A : i32
    %ne3A_13 = arith.constant 0 : i32
    %ne3A_14 = arith.cmpi ne, %rem3A, %ne3A_13 : i32
    %and3A = arith.andi %ne3A, %ne3A_14 : i1
    %sub3A = arith.constant 1 : i32
    %sub3A_15 = arith.subi %div3A, %sub3A : i32
    %select_n3A = arith.select %and3A, %sub3A_15, %div3A : i32
    %c0_i32 = arith.constant 0 : i32
    %c0_i32_16 = arith.constant 0 : i32
    %c0_i32_17 = arith.constant 0 : i32
    return %select_n3A, %c0_i32, %c0_i32_16 : i32, i32, i32
  }
  func.func @transform_2(%arg0: i32, %arg1: i32) -> (i32, i32) {
    %c0_i32 = arith.constant 0 : i32
    %c0_i32_0 = arith.constant 0 : i32
    %c0_i32_1 = arith.constant 0 : i32
    return %c0_i32, %c0_i32_0 : i32, i32
  }
  func.func @transform_3(%arg0: i32, %arg1: i32) -> (i32, i32) {
    %c0_i32 = arith.constant 0 : i32
    %c0_i32_0 = arith.constant 0 : i32
    %c0_i32_1 = arith.constant 0 : i32
    return %c0_i32, %c0_i32_0 : i32, i32
  }
  func.func @transform_4(%arg0: i32, %arg1: i32) -> (i32, i32) {
    %c0_i32 = arith.constant 0 : i32
    %c0_i32_0 = arith.constant 0 : i32
    %c0_i32_1 = arith.constant 0 : i32
    return %c0_i32, %c0_i32_0 : i32, i32
  }
  func.func @transform_5(%arg0: i32, %arg1: i32) -> (i32, i32) {
    %c0_i32 = arith.constant 0 : i32
    %c0_i32_0 = arith.constant 0 : i32
    %c0_i32_1 = arith.constant 0 : i32
    return %c0_i32, %c0_i32_0 : i32, i32
  }
  func.func @transform_6(%arg0: i32, %arg1: i32) -> (i32, i32, i32) {
    %c0_i32 = arith.constant 0 : i32
    %c0_i32_0 = arith.constant 0 : i32
    %c0_i32_1 = arith.constant 0 : i32
    return %arg0, %c0_i32, %c0_i32_0 : i32, i32, i32
  }
  func.func @transform_7(%arg0: i32, %arg1: i32) -> (i32, i32, i32) {
    %c0_i32 = arith.constant 0 : i32
    %c0_i32_0 = arith.constant 0 : i32
    %c0_i32_1 = arith.constant 0 : i32
    return %arg0, %c0_i32, %c0_i32_0 : i32, i32, i32
  }
}

module attributes {stable_mosaic.version = 14 : i64} {
  func.func @_p5a_body(%arg0: i32, %arg1: memref<4096x64xf32, #tpu.memory_space<vmem>>, %arg2: memref<1x8x128xf32, #tpu.memory_space<vmem>>, %arg3: memref<64x64xf32, #tpu.memory_space<vmem>>, %arg4: memref<1x64xf32, #tpu.memory_space<vmem>>, %arg5: memref<64x64xf32, #tpu.memory_space<vmem>>, %arg6: memref<1x64xf32, #tpu.memory_space<vmem>>, %arg7: memref<64x32xf32, #tpu.memory_space<vmem>>, %arg8: memref<1x32xf32, #tpu.memory_space<vmem>>, %arg9: memref<256x64xf32, #tpu.memory_space<vmem>>, %arg10: memref<4096x128xf32, #tpu.memory_space<vmem>>, %arg11: memref<64x64xf32, #tpu.memory_space<vmem>>, %arg12: memref<64x64xf32, #tpu.memory_space<vmem>>, %arg13: memref<1x64xf32, #tpu.memory_space<vmem>>, %arg14: memref<64x64xf32, #tpu.memory_space<vmem>>, %arg15: memref<1x64xf32, #tpu.memory_space<vmem>>, %arg16: memref<64x128xf32, #tpu.memory_space<vmem>>, %arg17: memref<1x128xf32, #tpu.memory_space<vmem>>, %arg18: memref<256x128xf32, #tpu.memory_space<vmem>>) attributes {dimension_semantics = [#tpu.dimension_semantics<arbitrary>], iteration_bounds = array<i64: 32>, scalar_prefetch = 0 : i64, scratch_operands = 0 : i64, tpu.core_type = #tpu.core_type<tc>, window_params = [{transform_indices = @transform_0, window_bounds = array<i64: 4096, 64>}, {pipeline_mode = #tpu.pipeline_mode<synchronous>, transform_indices = @transform_1, window_bounds = array<i64: 1, 8, 128>}, {pipeline_mode = #tpu.pipeline_mode<synchronous>, transform_indices = @transform_2, window_bounds = array<i64: 64, 64>}, {pipeline_mode = #tpu.pipeline_mode<synchronous>, transform_indices = @transform_3, window_bounds = array<i64: 1, 64>}, {pipeline_mode = #tpu.pipeline_mode<synchronous>, transform_indices = @transform_4, window_bounds = array<i64: 64, 64>}, {pipeline_mode = #tpu.pipeline_mode<synchronous>, transform_indices = @transform_5, window_bounds = array<i64: 1, 64>}, {pipeline_mode = #tpu.pipeline_mode<synchronous>, transform_indices = @transform_6, window_bounds = array<i64: 64, 32>}, {pipeline_mode = #tpu.pipeline_mode<synchronous>, transform_indices = @transform_7, window_bounds = array<i64: 1, 32>}, {transform_indices = @transform_8, window_bounds = array<i64: 256, 64>}, {transform_indices = @transform_9, window_bounds = array<i64: 4096, 128>}, {pipeline_mode = #tpu.pipeline_mode<synchronous>, transform_indices = @transform_10, window_bounds = array<i64: 64, 64>}, {pipeline_mode = #tpu.pipeline_mode<synchronous>, transform_indices = @transform_11, window_bounds = array<i64: 64, 64>}, {pipeline_mode = #tpu.pipeline_mode<synchronous>, transform_indices = @transform_12, window_bounds = array<i64: 1, 64>}, {pipeline_mode = #tpu.pipeline_mode<synchronous>, transform_indices = @transform_13, window_bounds = array<i64: 64, 64>}, {pipeline_mode = #tpu.pipeline_mode<synchronous>, transform_indices = @transform_14, window_bounds = array<i64: 1, 64>}, {pipeline_mode = #tpu.pipeline_mode<synchronous>, transform_indices = @transform_15, window_bounds = array<i64: 64, 128>}, {pipeline_mode = #tpu.pipeline_mode<synchronous>, transform_indices = @transform_16, window_bounds = array<i64: 1, 128>}, {transform_indices = @transform_17, window_bounds = array<i64: 256, 128>}]} {
    %get3A = arith.constant 0 : index
    %get3A_0 = arith.constant 0 : index
    %get3A_1 = vector.load %arg1[%get3A, %get3A_0] : memref<4096x64xf32, #tpu.memory_space<vmem>>, vector<4096x64xf32>
    %get3A_2 = arith.constant 0 : index
    %get3A_3 = arith.constant 0 : index
    %get3A_4 = vector.load %arg3[%get3A_2, %get3A_3] : memref<64x64xf32, #tpu.memory_space<vmem>>, vector<64x64xf32>
    %dot_general3A = arith.constant dense<0.000000e+00> : vector<4096x64xf32>
    %dot_general3A_5 = tpu.matmul %get3A_1, %get3A_4, %dot_general3A {dimension_numbers = #tpu.dot_dimension_numbers<[1], [0], [0], [1], [0, 0, 1, 1], [], []>, transpose_lhs_hint = false} : vector<4096x64xf32>, vector<64x64xf32>, vector<4096x64xf32> -> vector<4096x64xf32>
    %get3A_6 = arith.constant 0 : index
    %get3A_7 = arith.constant 0 : index
    %get3A_8 = vector.load %arg4[%get3A_6, %get3A_7] : memref<1x64xf32, #tpu.memory_space<vmem>>, vector<1x64xf32>
    %add3A = vector.broadcast %get3A_8 : vector<1x64xf32> to vector<4096x64xf32>
    %add3A_9 = arith.addf %dot_general3A_5, %add3A : vector<4096x64xf32>
    %get3A_10 = arith.constant 0 : index
    %get3A_11 = arith.constant 0 : index
    %get3A_12 = arith.constant 0 : index
    %get3A_13 = vector.load %arg2[%get3A_10, %get3A_11, %get3A_12] : memref<1x8x128xf32, #tpu.memory_space<vmem>>, vector<1x1x64xf32>
    %get3A_14 = vector.shape_cast %get3A_13 : vector<1x1x64xf32> to vector<1x64xf32>
    %get3A_15 = arith.constant 0 : index
    %get3A_16 = arith.constant 1 : index
    %get3A_17 = arith.constant 0 : index
    %get3A_18 = vector.load %arg2[%get3A_15, %get3A_16, %get3A_17] : memref<1x8x128xf32, #tpu.memory_space<vmem>>, vector<1x1x64xf32>
    %get3A_19 = vector.shape_cast %get3A_18 : vector<1x1x64xf32> to vector<1x64xf32>
    %mul3A = vector.broadcast %get3A_14 : vector<1x64xf32> to vector<4096x64xf32>
    %mul3A_20 = arith.mulf %add3A_9, %mul3A : vector<4096x64xf32>
    %add3A_21 = vector.broadcast %get3A_19 : vector<1x64xf32> to vector<4096x64xf32>
    %add3A_22 = arith.addf %mul3A_20, %add3A_21 : vector<4096x64xf32>
    %max3A = arith.constant 0.000000e+00 : f32
    %max3A_23 = vector.broadcast %max3A : f32 to vector<4096x64xf32>
    %max3A_24 = arith.maximumf %add3A_22, %max3A_23 : vector<4096x64xf32>
    %get3A_25 = arith.constant 0 : index
    %get3A_26 = arith.constant 0 : index
    %get3A_27 = vector.load %arg5[%get3A_25, %get3A_26] : memref<64x64xf32, #tpu.memory_space<vmem>>, vector<64x64xf32>
    %dot_general3A_28 = arith.constant dense<0.000000e+00> : vector<4096x64xf32>
    %dot_general3A_29 = tpu.matmul %max3A_24, %get3A_27, %dot_general3A_28 {dimension_numbers = #tpu.dot_dimension_numbers<[1], [0], [0], [1], [0, 0, 1, 1], [], []>, transpose_lhs_hint = false} : vector<4096x64xf32>, vector<64x64xf32>, vector<4096x64xf32> -> vector<4096x64xf32>
    %get3A_30 = arith.constant 0 : index
    %get3A_31 = arith.constant 0 : index
    %get3A_32 = vector.load %arg6[%get3A_30, %get3A_31] : memref<1x64xf32, #tpu.memory_space<vmem>>, vector<1x64xf32>
    %add3A_33 = vector.broadcast %get3A_32 : vector<1x64xf32> to vector<4096x64xf32>
    %add3A_34 = arith.addf %dot_general3A_29, %add3A_33 : vector<4096x64xf32>
    %get3A_35 = arith.constant 0 : index
    %get3A_36 = arith.constant 2 : index
    %get3A_37 = arith.constant 0 : index
    %get3A_38 = vector.load %arg2[%get3A_35, %get3A_36, %get3A_37] : memref<1x8x128xf32, #tpu.memory_space<vmem>>, vector<1x1x64xf32>
    %get3A_39 = vector.shape_cast %get3A_38 : vector<1x1x64xf32> to vector<1x64xf32>
    %get3A_40 = arith.constant 0 : index
    %get3A_41 = arith.constant 3 : index
    %get3A_42 = arith.constant 0 : index
    %get3A_43 = vector.load %arg2[%get3A_40, %get3A_41, %get3A_42] : memref<1x8x128xf32, #tpu.memory_space<vmem>>, vector<1x1x64xf32>
    %get3A_44 = vector.shape_cast %get3A_43 : vector<1x1x64xf32> to vector<1x64xf32>
    %mul3A_45 = vector.broadcast %get3A_39 : vector<1x64xf32> to vector<4096x64xf32>
    %mul3A_46 = arith.mulf %add3A_34, %mul3A_45 : vector<4096x64xf32>
    %add3A_47 = vector.broadcast %get3A_44 : vector<1x64xf32> to vector<4096x64xf32>
    %add3A_48 = arith.addf %mul3A_46, %add3A_47 : vector<4096x64xf32>
    %max3A_49 = arith.constant 0.000000e+00 : f32
    %max3A_50 = vector.broadcast %max3A_49 : f32 to vector<4096x64xf32>
    %max3A_51 = arith.maximumf %add3A_48, %max3A_50 : vector<4096x64xf32>
    %get3A_52 = arith.constant 0 : index
    %get3A_53 = arith.constant 0 : index
    %get3A_54 = vector.load %arg7[%get3A_52, %get3A_53] : memref<64x32xf32, #tpu.memory_space<vmem>>, vector<64x32xf32>
    %dot_general3A_55 = arith.constant dense<0.000000e+00> : vector<4096x32xf32>
    %dot_general3A_56 = tpu.matmul %max3A_51, %get3A_54, %dot_general3A_55 {dimension_numbers = #tpu.dot_dimension_numbers<[1], [0], [0], [1], [0, 0, 1, 1], [], []>, transpose_lhs_hint = false} : vector<4096x64xf32>, vector<64x32xf32>, vector<4096x32xf32> -> vector<4096x32xf32>
    %get3A_57 = arith.constant 0 : index
    %get3A_58 = arith.constant 0 : index
    %get3A_59 = vector.load %arg8[%get3A_57, %get3A_58] : memref<1x32xf32, #tpu.memory_space<vmem>>, vector<1x32xf32>
    %add3A_60 = vector.broadcast %get3A_59 : vector<1x32xf32> to vector<4096x32xf32>
    %add3A_61 = arith.addf %dot_general3A_56, %add3A_60 : vector<4096x32xf32>
    %get3A_62 = arith.constant 0 : index
    %get3A_63 = arith.constant 4 : index
    %get3A_64 = arith.constant 0 : index
    %get3A_65 = vector.load %arg2[%get3A_62, %get3A_63, %get3A_64] : memref<1x8x128xf32, #tpu.memory_space<vmem>>, vector<1x1x32xf32>
    %get3A_66 = vector.shape_cast %get3A_65 : vector<1x1x32xf32> to vector<1x32xf32>
    %get3A_67 = arith.constant 0 : index
    %get3A_68 = arith.constant 5 : index
    %get3A_69 = arith.constant 0 : index
    %get3A_70 = vector.load %arg2[%get3A_67, %get3A_68, %get3A_69] : memref<1x8x128xf32, #tpu.memory_space<vmem>>, vector<1x1x32xf32>
    %get3A_71 = vector.shape_cast %get3A_70 : vector<1x1x32xf32> to vector<1x32xf32>
    %mul3A_72 = vector.broadcast %get3A_66 : vector<1x32xf32> to vector<4096x32xf32>
    %mul3A_73 = arith.mulf %add3A_61, %mul3A_72 : vector<4096x32xf32>
    %add3A_74 = vector.broadcast %get3A_71 : vector<1x32xf32> to vector<4096x32xf32>
    %add3A_75 = arith.addf %mul3A_73, %add3A_74 : vector<4096x32xf32>
    %get3A_76 = arith.constant 0 : index
    %get3A_77 = arith.constant 6 : index
    %get3A_78 = arith.constant 0 : index
    %get3A_79 = vector.load %arg2[%get3A_76, %get3A_77, %get3A_78] : memref<1x8x128xf32, #tpu.memory_space<vmem>>, vector<1x1x32xf32>
    %get3A_80 = vector.shape_cast %get3A_79 : vector<1x1x32xf32> to vector<1x32xf32>
    %get3A_81 = arith.constant 0 : index
    %get3A_82 = arith.constant 7 : index
    %get3A_83 = arith.constant 0 : index
    %get3A_84 = vector.load %arg2[%get3A_81, %get3A_82, %get3A_83] : memref<1x8x128xf32, #tpu.memory_space<vmem>>, vector<1x1x1xf32>
    %get3A_85 = vector.shape_cast %get3A_84 : vector<1x1x1xf32> to vector<1x1xf32>
    %get3A_86 = arith.constant 0 : index
    %get3A_87 = arith.constant 7 : index
    %get3A_88 = arith.constant 1 : index
    %get3A_89 = vector.load %arg2[%get3A_86, %get3A_87, %get3A_88] : memref<1x8x128xf32, #tpu.memory_space<vmem>>, vector<1x1x1xf32>
    %get3A_90 = vector.shape_cast %get3A_89 : vector<1x1x1xf32> to vector<1x1xf32>
    %get3A_91 = arith.constant 0 : index
    %get3A_92 = arith.constant 7 : index
    %get3A_93 = arith.constant 2 : index
    %get3A_94 = vector.load %arg2[%get3A_91, %get3A_92, %get3A_93] : memref<1x8x128xf32, #tpu.memory_space<vmem>>, vector<1x1x1xf32>
    %get3A_95 = vector.shape_cast %get3A_94 : vector<1x1x1xf32> to vector<1x1xf32>
    %mul3A_96 = vector.broadcast %get3A_80 : vector<1x32xf32> to vector<4096x32xf32>
    %mul3A_97 = arith.mulf %add3A_75, %mul3A_96 : vector<4096x32xf32>
    %reduce_sum3A = arith.constant dense<0.000000e+00> : vector<4096xf32>
    %reduce_sum3A_98 = vector.multi_reduction <add>, %mul3A_97, %reduce_sum3A [1] : vector<4096x32xf32> to vector<4096xf32>
    %broadcast_in_dim3A = vector.shape_cast %reduce_sum3A_98 : vector<4096xf32> to vector<4096x1xf32>
    %add3A_99 = vector.broadcast %get3A_85 : vector<1x1xf32> to vector<4096x1xf32>
    %add3A_100 = arith.addf %broadcast_in_dim3A, %add3A_99 : vector<4096x1xf32>
    %mul3A_101 = vector.broadcast %get3A_90 : vector<1x1xf32> to vector<4096x1xf32>
    %mul3A_102 = arith.mulf %add3A_100, %mul3A_101 : vector<4096x1xf32>
    %add3A_103 = vector.broadcast %get3A_95 : vector<1x1xf32> to vector<4096x1xf32>
    %add3A_104 = arith.addf %mul3A_102, %add3A_103 : vector<4096x1xf32>
    %reshape3A = vector.shape_cast %add3A_104 : vector<4096x1xf32> to vector<256x16xf32>
    %reduce_max3A = arith.constant dense<0xFF800000> : vector<256xf32>
    %reduce_max3A_105 = vector.multi_reduction <maximumf>, %reshape3A, %reduce_max3A [1] : vector<256x16xf32> to vector<256xf32>
    %broadcast_in_dim3A_106 = vector.shape_cast %reduce_max3A_105 : vector<256xf32> to vector<256x1xf32>
    %sub3A = vector.broadcast %broadcast_in_dim3A_106 : vector<256x1xf32> to vector<256x16xf32>
    %sub3A_107 = arith.subf %reshape3A, %sub3A : vector<256x16xf32>
    %exp3A = math.exp %sub3A_107 : vector<256x16xf32>
    %reduce_sum3A_108 = arith.constant dense<0.000000e+00> : vector<256xf32>
    %reduce_sum3A_109 = vector.multi_reduction <add>, %exp3A, %reduce_sum3A_108 [1] : vector<256x16xf32> to vector<256xf32>
    %broadcast_in_dim3A_110 = vector.shape_cast %reduce_sum3A_109 : vector<256xf32> to vector<256x1xf32>
    %div3A = vector.broadcast %broadcast_in_dim3A_110 : vector<256x1xf32> to vector<256x16xf32>
    %div3A_111 = arith.divf %exp3A, %div3A : vector<256x16xf32>
    %get3A_112 = arith.constant 0 : index
    %get3A_113 = arith.constant 0 : index
    %get3A_114 = vector.load %arg9[%get3A_112, %get3A_113] : memref<256x64xf32, #tpu.memory_space<vmem>>, vector<256x64xf32>
    %get3A_115 = arith.constant 0 : index
    %get3A_116 = arith.constant 0 : index
    %get3A_117 = vector.load %arg10[%get3A_115, %get3A_116] : memref<4096x128xf32, #tpu.memory_space<vmem>>, vector<4096x128xf32>
    %get3A_118 = arith.constant 0 : index
    %get3A_119 = arith.constant 0 : index
    %get3A_120 = vector.load %arg11[%get3A_118, %get3A_119] : memref<64x64xf32, #tpu.memory_space<vmem>>, vector<64x64xf32>
    %dot_general3A_121 = arith.constant dense<0.000000e+00> : vector<256x64xf32>
    %dot_general3A_122 = tpu.matmul %get3A_114, %get3A_120, %dot_general3A_121 {dimension_numbers = #tpu.dot_dimension_numbers<[1], [0], [0], [1], [0, 0, 1, 1], [], []>, transpose_lhs_hint = false} : vector<256x64xf32>, vector<64x64xf32>, vector<256x64xf32> -> vector<256x64xf32>
    %broadcast_in_dim3A_123 = vector.shape_cast %dot_general3A_122 : vector<256x64xf32> to vector<256x1x64xf32>
    %broadcast_in_dim3A_124 = vector.shape_cast %broadcast_in_dim3A_123 : vector<256x1x64xf32> to vector<256x1x64xf32>
    %broadcast_in_dim3A_125 = vector.broadcast %broadcast_in_dim3A_124 : vector<256x1x64xf32> to vector<256x16x64xf32>
    %reshape3A_126 = vector.shape_cast %broadcast_in_dim3A_125 : vector<256x16x64xf32> to vector<4096x64xf32>
    %slice3A = vector.extract_strided_slice %get3A_117 {offsets = [0, 64], sizes = [4096, 64], strides = [1, 1]} : vector<4096x128xf32> to vector<4096x64xf32>
    %get3A_127 = arith.constant 0 : index
    %get3A_128 = arith.constant 0 : index
    %get3A_129 = vector.load %arg12[%get3A_127, %get3A_128] : memref<64x64xf32, #tpu.memory_space<vmem>>, vector<64x64xf32>
    %dot_general3A_130 = arith.constant dense<0.000000e+00> : vector<4096x64xf32>
    %dot_general3A_131 = tpu.matmul %slice3A, %get3A_129, %dot_general3A_130 {dimension_numbers = #tpu.dot_dimension_numbers<[1], [0], [0], [1], [0, 0, 1, 1], [], []>, transpose_lhs_hint = false} : vector<4096x64xf32>, vector<64x64xf32>, vector<4096x64xf32> -> vector<4096x64xf32>
    %add3A_132 = arith.addf %reshape3A_126, %dot_general3A_131 : vector<4096x64xf32>
    %get3A_133 = arith.constant 0 : index
    %get3A_134 = arith.constant 0 : index
    %get3A_135 = vector.load %arg13[%get3A_133, %get3A_134] : memref<1x64xf32, #tpu.memory_space<vmem>>, vector<1x64xf32>
    %add3A_136 = vector.broadcast %get3A_135 : vector<1x64xf32> to vector<4096x64xf32>
    %add3A_137 = arith.addf %add3A_132, %add3A_136 : vector<4096x64xf32>
    %gt3A = arith.constant 0.000000e+00 : f32
    %gt3A_138 = vector.broadcast %gt3A : f32 to vector<4096x64xf32>
    %gt3A_139 = arith.cmpf ogt, %add3A_137, %gt3A_138 : vector<4096x64xf32>
    %mul3A_140 = arith.constant 1.000000e-01 : f32
    %mul3A_141 = vector.broadcast %mul3A_140 : f32 to vector<4096x64xf32>
    %mul3A_142 = arith.mulf %mul3A_141, %add3A_137 : vector<4096x64xf32>
    %select_n3A = arith.select %gt3A_139, %add3A_137, %mul3A_142 : vector<4096x64xi1>, vector<4096x64xf32>
    %get3A_143 = arith.constant 0 : index
    %get3A_144 = arith.constant 0 : index
    %get3A_145 = vector.load %arg14[%get3A_143, %get3A_144] : memref<64x64xf32, #tpu.memory_space<vmem>>, vector<64x64xf32>
    %dot_general3A_146 = arith.constant dense<0.000000e+00> : vector<4096x64xf32>
    %dot_general3A_147 = tpu.matmul %select_n3A, %get3A_145, %dot_general3A_146 {dimension_numbers = #tpu.dot_dimension_numbers<[1], [0], [0], [1], [0, 0, 1, 1], [], []>, transpose_lhs_hint = false} : vector<4096x64xf32>, vector<64x64xf32>, vector<4096x64xf32> -> vector<4096x64xf32>
    %get3A_148 = arith.constant 0 : index
    %get3A_149 = arith.constant 0 : index
    %get3A_150 = vector.load %arg15[%get3A_148, %get3A_149] : memref<1x64xf32, #tpu.memory_space<vmem>>, vector<1x64xf32>
    %add3A_151 = vector.broadcast %get3A_150 : vector<1x64xf32> to vector<4096x64xf32>
    %add3A_152 = arith.addf %dot_general3A_147, %add3A_151 : vector<4096x64xf32>
    %gt3A_153 = arith.constant 0.000000e+00 : f32
    %gt3A_154 = vector.broadcast %gt3A_153 : f32 to vector<4096x64xf32>
    %gt3A_155 = arith.cmpf ogt, %add3A_152, %gt3A_154 : vector<4096x64xf32>
    %mul3A_156 = arith.constant 1.000000e-01 : f32
    %mul3A_157 = vector.broadcast %mul3A_156 : f32 to vector<4096x64xf32>
    %mul3A_158 = arith.mulf %mul3A_157, %add3A_152 : vector<4096x64xf32>
    %select_n3A_159 = arith.select %gt3A_155, %add3A_152, %mul3A_158 : vector<4096x64xi1>, vector<4096x64xf32>
    %get3A_160 = arith.constant 0 : index
    %get3A_161 = arith.constant 0 : index
    %get3A_162 = vector.load %arg16[%get3A_160, %get3A_161] : memref<64x128xf32, #tpu.memory_space<vmem>>, vector<64x128xf32>
    %dot_general3A_163 = arith.constant dense<0.000000e+00> : vector<4096x128xf32>
    %dot_general3A_164 = tpu.matmul %select_n3A_159, %get3A_162, %dot_general3A_163 {dimension_numbers = #tpu.dot_dimension_numbers<[1], [0], [0], [1], [0, 0, 1, 1], [], []>, transpose_lhs_hint = false} : vector<4096x64xf32>, vector<64x128xf32>, vector<4096x128xf32> -> vector<4096x128xf32>
    %get3A_165 = arith.constant 0 : index
    %get3A_166 = arith.constant 0 : index
    %get3A_167 = vector.load %arg17[%get3A_165, %get3A_166] : memref<1x128xf32, #tpu.memory_space<vmem>>, vector<1x128xf32>
    %add3A_168 = vector.broadcast %get3A_167 : vector<1x128xf32> to vector<4096x128xf32>
    %add3A_169 = arith.addf %dot_general3A_164, %add3A_168 : vector<4096x128xf32>
    %gt3A_170 = arith.constant 0.000000e+00 : f32
    %gt3A_171 = vector.broadcast %gt3A_170 : f32 to vector<4096x128xf32>
    %gt3A_172 = arith.cmpf ogt, %add3A_169, %gt3A_171 : vector<4096x128xf32>
    %mul3A_173 = arith.constant 1.000000e-01 : f32
    %mul3A_174 = vector.broadcast %mul3A_173 : f32 to vector<4096x128xf32>
    %mul3A_175 = arith.mulf %mul3A_174, %add3A_169 : vector<4096x128xf32>
    %select_n3A_176 = arith.select %gt3A_172, %add3A_169, %mul3A_175 : vector<4096x128xi1>, vector<4096x128xf32>
    %broadcast_in_dim3A_177 = vector.shape_cast %div3A_111 : vector<256x16xf32> to vector<256x16x1xf32>
    %reshape3A_178 = vector.shape_cast %select_n3A_176 : vector<4096x128xf32> to vector<256x16x128xf32>
    %mul3A_179 = vector.broadcast %broadcast_in_dim3A_177 : vector<256x16x1xf32> to vector<256x16x128xf32>
    %mul3A_180 = arith.mulf %mul3A_179, %reshape3A_178 : vector<256x16x128xf32>
    %reduce_sum3A_181 = arith.constant dense<0.000000e+00> : vector<256x128xf32>
    %reduce_sum3A_182 = vector.multi_reduction <add>, %mul3A_180, %reduce_sum3A_181 [1] : vector<256x16x128xf32> to vector<256x128xf32>
    %swap3A = arith.constant 0 : index
    %swap3A_183 = arith.constant 0 : index
    %swap3A_184 = vector.load %arg18[%swap3A, %swap3A_183] : memref<256x128xf32, #tpu.memory_space<vmem>>, vector<256x128xf32>
    tpu.vector_store %arg18[%swap3A, %swap3A_183], %reduce_sum3A_182 {strides = array<i32>} : memref<256x128xf32, #tpu.memory_space<vmem>>, vector<256x128xf32>,
    return
  }
  func.func @transform_0(%arg0: i32) -> (i32, i32) {
    %add3A = arith.constant 32 : i32
    %add3A_0 = arith.addi %add3A, %arg0 : i32
    %c0_i32 = arith.constant 0 : i32
    %c0_i32_1 = arith.constant 0 : i32
    return %add3A_0, %c0_i32 : i32, i32
  }
  func.func @transform_1(%arg0: i32) -> (i32, i32, i32) {
    %c0_i32 = arith.constant 0 : i32
    %c0_i32_0 = arith.constant 0 : i32
    %c0_i32_1 = arith.constant 0 : i32
    %c0_i32_2 = arith.constant 0 : i32
    return %c0_i32, %c0_i32_0, %c0_i32_1 : i32, i32, i32
  }
  func.func @transform_2(%arg0: i32) -> (i32, i32) {
    %c0_i32 = arith.constant 0 : i32
    %c0_i32_0 = arith.constant 0 : i32
    %c0_i32_1 = arith.constant 0 : i32
    return %c0_i32, %c0_i32_0 : i32, i32
  }
  func.func @transform_3(%arg0: i32) -> (i32, i32) {
    %c0_i32 = arith.constant 0 : i32
    %c0_i32_0 = arith.constant 0 : i32
    %c0_i32_1 = arith.constant 0 : i32
    return %c0_i32, %c0_i32_0 : i32, i32
  }
  func.func @transform_4(%arg0: i32) -> (i32, i32) {
    %c0_i32 = arith.constant 0 : i32
    %c0_i32_0 = arith.constant 0 : i32
    %c0_i32_1 = arith.constant 0 : i32
    return %c0_i32, %c0_i32_0 : i32, i32
  }
  func.func @transform_5(%arg0: i32) -> (i32, i32) {
    %c0_i32 = arith.constant 0 : i32
    %c0_i32_0 = arith.constant 0 : i32
    %c0_i32_1 = arith.constant 0 : i32
    return %c0_i32, %c0_i32_0 : i32, i32
  }
  func.func @transform_6(%arg0: i32) -> (i32, i32) {
    %c0_i32 = arith.constant 0 : i32
    %c0_i32_0 = arith.constant 0 : i32
    %c0_i32_1 = arith.constant 0 : i32
    return %c0_i32, %c0_i32_0 : i32, i32
  }
  func.func @transform_7(%arg0: i32) -> (i32, i32) {
    %c0_i32 = arith.constant 0 : i32
    %c0_i32_0 = arith.constant 0 : i32
    %c0_i32_1 = arith.constant 0 : i32
    return %c0_i32, %c0_i32_0 : i32, i32
  }
  func.func @transform_8(%arg0: i32) -> (i32, i32) {
    %add3A = arith.constant 32 : i32
    %add3A_0 = arith.addi %add3A, %arg0 : i32
    %c0_i32 = arith.constant 0 : i32
    %c0_i32_1 = arith.constant 0 : i32
    return %add3A_0, %c0_i32 : i32, i32
  }
  func.func @transform_9(%arg0: i32) -> (i32, i32) {
    %add3A = arith.constant 32 : i32
    %add3A_0 = arith.addi %add3A, %arg0 : i32
    %c0_i32 = arith.constant 0 : i32
    %c0_i32_1 = arith.constant 0 : i32
    return %add3A_0, %c0_i32 : i32, i32
  }
  func.func @transform_10(%arg0: i32) -> (i32, i32) {
    %c0_i32 = arith.constant 0 : i32
    %c0_i32_0 = arith.constant 0 : i32
    %c0_i32_1 = arith.constant 0 : i32
    return %c0_i32, %c0_i32_0 : i32, i32
  }
  func.func @transform_11(%arg0: i32) -> (i32, i32) {
    %c0_i32 = arith.constant 0 : i32
    %c0_i32_0 = arith.constant 0 : i32
    %c0_i32_1 = arith.constant 0 : i32
    return %c0_i32, %c0_i32_0 : i32, i32
  }
  func.func @transform_12(%arg0: i32) -> (i32, i32) {
    %c0_i32 = arith.constant 0 : i32
    %c0_i32_0 = arith.constant 0 : i32
    %c0_i32_1 = arith.constant 0 : i32
    return %c0_i32, %c0_i32_0 : i32, i32
  }
  func.func @transform_13(%arg0: i32) -> (i32, i32) {
    %c0_i32 = arith.constant 0 : i32
    %c0_i32_0 = arith.constant 0 : i32
    %c0_i32_1 = arith.constant 0 : i32
    return %c0_i32, %c0_i32_0 : i32, i32
  }
  func.func @transform_14(%arg0: i32) -> (i32, i32) {
    %c0_i32 = arith.constant 0 : i32
    %c0_i32_0 = arith.constant 0 : i32
    %c0_i32_1 = arith.constant 0 : i32
    return %c0_i32, %c0_i32_0 : i32, i32
  }
  func.func @transform_15(%arg0: i32) -> (i32, i32) {
    %c0_i32 = arith.constant 0 : i32
    %c0_i32_0 = arith.constant 0 : i32
    %c0_i32_1 = arith.constant 0 : i32
    return %c0_i32, %c0_i32_0 : i32, i32
  }
  func.func @transform_16(%arg0: i32) -> (i32, i32) {
    %c0_i32 = arith.constant 0 : i32
    %c0_i32_0 = arith.constant 0 : i32
    %c0_i32_1 = arith.constant 0 : i32
    return %c0_i32, %c0_i32_0 : i32, i32
  }
  func.func @transform_17(%arg0: i32) -> (i32, i32) {
    %c0_i32 = arith.constant 0 : i32
    %c0_i32_0 = arith.constant 0 : i32
    return %arg0, %c0_i32 : i32, i32
  }
}

module attributes {stable_mosaic.version = 14 : i64} {
  func.func @_p5b_body(%arg0: i32, %arg1: memref<4096x64xf32, #tpu.memory_space<vmem>>, %arg2: memref<1x8x128xf32, #tpu.memory_space<vmem>>, %arg3: memref<64x64xf32, #tpu.memory_space<vmem>>, %arg4: memref<1x64xf32, #tpu.memory_space<vmem>>, %arg5: memref<64x64xf32, #tpu.memory_space<vmem>>, %arg6: memref<1x64xf32, #tpu.memory_space<vmem>>, %arg7: memref<64x32xf32, #tpu.memory_space<vmem>>, %arg8: memref<1x32xf32, #tpu.memory_space<vmem>>, %arg9: memref<256x64xf32, #tpu.memory_space<vmem>>, %arg10: memref<4096x128xf32, #tpu.memory_space<vmem>>, %arg11: memref<64x64xf32, #tpu.memory_space<vmem>>, %arg12: memref<64x64xf32, #tpu.memory_space<vmem>>, %arg13: memref<1x64xf32, #tpu.memory_space<vmem>>, %arg14: memref<64x64xf32, #tpu.memory_space<vmem>>, %arg15: memref<1x64xf32, #tpu.memory_space<vmem>>, %arg16: memref<64x128xf32, #tpu.memory_space<vmem>>, %arg17: memref<1x128xf32, #tpu.memory_space<vmem>>, %arg18: memref<4096x16xf32, #tpu.memory_space<vmem>>, %arg19: memref<4096x128xf32, #tpu.memory_space<vmem>>, %arg20: memref<128x64xf32, #tpu.memory_space<vmem>>, %arg21: memref<16x64xf32, #tpu.memory_space<vmem>>, %arg22: memref<1x64xf32, #tpu.memory_space<vmem>>, %arg23: memref<64x64xf32, #tpu.memory_space<vmem>>, %arg24: memref<1x64xf32, #tpu.memory_space<vmem>>, %arg25: memref<64x128xf32, #tpu.memory_space<vmem>>, %arg26: memref<1x128xf32, #tpu.memory_space<vmem>>, %arg27: memref<128x64xf32, #tpu.memory_space<vmem>>, %arg28: memref<128x64xf32, #tpu.memory_space<vmem>>, %arg29: memref<1x64xf32, #tpu.memory_space<vmem>>, %arg30: memref<64x64xf32, #tpu.memory_space<vmem>>, %arg31: memref<1x64xf32, #tpu.memory_space<vmem>>, %arg32: memref<64x128xf32, #tpu.memory_space<vmem>>, %arg33: memref<1x128xf32, #tpu.memory_space<vmem>>, %arg34: memref<256x128xf32, #tpu.memory_space<vmem>>, %arg35: memref<256x16xf32, #tpu.memory_space<vmem>>) attributes {dimension_semantics = [#tpu.dimension_semantics<arbitrary>], iteration_bounds = array<i64: 32>, scalar_prefetch = 0 : i64, scratch_operands = 0 : i64, tpu.core_type = #tpu.core_type<tc>, window_params = [{transform_indices = @transform_0, window_bounds = array<i64: 4096, 64>}, {pipeline_mode = #tpu.pipeline_mode<synchronous>, transform_indices = @transform_1, window_bounds = array<i64: 1, 8, 128>}, {pipeline_mode = #tpu.pipeline_mode<synchronous>, transform_indices = @transform_2, window_bounds = array<i64: 64, 64>}, {pipeline_mode = #tpu.pipeline_mode<synchronous>, transform_indices = @transform_3, window_bounds = array<i64: 1, 64>}, {pipeline_mode = #tpu.pipeline_mode<synchronous>, transform_indices = @transform_4, window_bounds = array<i64: 64, 64>}, {pipeline_mode = #tpu.pipeline_mode<synchronous>, transform_indices = @transform_5, window_bounds = array<i64: 1, 64>}, {pipeline_mode = #tpu.pipeline_mode<synchronous>, transform_indices = @transform_6, window_bounds = array<i64: 64, 32>}, {pipeline_mode = #tpu.pipeline_mode<synchronous>, transform_indices = @transform_7, window_bounds = array<i64: 1, 32>}, {transform_indices = @transform_8, window_bounds = array<i64: 256, 64>}, {transform_indices = @transform_9, window_bounds = array<i64: 4096, 128>}, {pipeline_mode = #tpu.pipeline_mode<synchronous>, transform_indices = @transform_10, window_bounds = array<i64: 64, 64>}, {pipeline_mode = #tpu.pipeline_mode<synchronous>, transform_indices = @transform_11, window_bounds = array<i64: 64, 64>}, {pipeline_mode = #tpu.pipeline_mode<synchronous>, transform_indices = @transform_12, window_bounds = array<i64: 1, 64>}, {pipeline_mode = #tpu.pipeline_mode<synchronous>, transform_indices = @transform_13, window_bounds = array<i64: 64, 64>}, {pipeline_mode = #tpu.pipeline_mode<synchronous>, transform_indices = @transform_14, window_bounds = array<i64: 1, 64>}, {pipeline_mode = #tpu.pipeline_mode<synchronous>, transform_indices = @transform_15, window_bounds = array<i64: 64, 128>}, {pipeline_mode = #tpu.pipeline_mode<synchronous>, transform_indices = @transform_16, window_bounds = array<i64: 1, 128>}, {transform_indices = @transform_17, window_bounds = array<i64: 4096, 16>}, {transform_indices = @transform_18, window_bounds = array<i64: 4096, 128>}, {pipeline_mode = #tpu.pipeline_mode<synchronous>, transform_indices = @transform_19, window_bounds = array<i64: 128, 64>}, {pipeline_mode = #tpu.pipeline_mode<synchronous>, transform_indices = @transform_20, window_bounds = array<i64: 16, 64>}, {pipeline_mode = #tpu.pipeline_mode<synchronous>, transform_indices = @transform_21, window_bounds = array<i64: 1, 64>}, {pipeline_mode = #tpu.pipeline_mode<synchronous>, transform_indices = @transform_22, window_bounds = array<i64: 64, 64>}, {pipeline_mode = #tpu.pipeline_mode<synchronous>, transform_indices = @transform_23, window_bounds = array<i64: 1, 64>}, {pipeline_mode = #tpu.pipeline_mode<synchronous>, transform_indices = @transform_24, window_bounds = array<i64: 64, 128>}, {pipeline_mode = #tpu.pipeline_mode<synchronous>, transform_indices = @transform_25, window_bounds = array<i64: 1, 128>}, {pipeline_mode = #tpu.pipeline_mode<synchronous>, transform_indices = @transform_26, window_bounds = array<i64: 128, 64>}, {pipeline_mode = #tpu.pipeline_mode<synchronous>, transform_indices = @transform_27, window_bounds = array<i64: 128, 64>}, {pipeline_mode = #tpu.pipeline_mode<synchronous>, transform_indices = @transform_28, window_bounds = array<i64: 1, 64>}, {pipeline_mode = #tpu.pipeline_mode<synchronous>, transform_indices = @transform_29, window_bounds = array<i64: 64, 64>}, {pipeline_mode = #tpu.pipeline_mode<synchronous>, transform_indices = @transform_30, window_bounds = array<i64: 1, 64>}, {pipeline_mode = #tpu.pipeline_mode<synchronous>, transform_indices = @transform_31, window_bounds = array<i64: 64, 128>}, {pipeline_mode = #tpu.pipeline_mode<synchronous>, transform_indices = @transform_32, window_bounds = array<i64: 1, 128>}, {transform_indices = @transform_33, window_bounds = array<i64: 256, 128>}, {transform_indices = @transform_34, window_bounds = array<i64: 256, 16>}]} {
    %get3A = arith.constant 0 : index
    %get3A_0 = arith.constant 0 : index
    %get3A_1 = vector.load %arg1[%get3A, %get3A_0] : memref<4096x64xf32, #tpu.memory_space<vmem>>, vector<4096x64xf32>
    %get3A_2 = arith.constant 0 : index
    %get3A_3 = arith.constant 0 : index
    %get3A_4 = vector.load %arg3[%get3A_2, %get3A_3] : memref<64x64xf32, #tpu.memory_space<vmem>>, vector<64x64xf32>
    %dot_general3A = arith.constant dense<0.000000e+00> : vector<4096x64xf32>
    %dot_general3A_5 = tpu.matmul %get3A_1, %get3A_4, %dot_general3A {dimension_numbers = #tpu.dot_dimension_numbers<[1], [0], [0], [1], [0, 0, 1, 1], [], []>, transpose_lhs_hint = false} : vector<4096x64xf32>, vector<64x64xf32>, vector<4096x64xf32> -> vector<4096x64xf32>
    %get3A_6 = arith.constant 0 : index
    %get3A_7 = arith.constant 0 : index
    %get3A_8 = vector.load %arg4[%get3A_6, %get3A_7] : memref<1x64xf32, #tpu.memory_space<vmem>>, vector<1x64xf32>
    %add3A = vector.broadcast %get3A_8 : vector<1x64xf32> to vector<4096x64xf32>
    %add3A_9 = arith.addf %dot_general3A_5, %add3A : vector<4096x64xf32>
    %get3A_10 = arith.constant 0 : index
    %get3A_11 = arith.constant 0 : index
    %get3A_12 = arith.constant 0 : index
    %get3A_13 = vector.load %arg2[%get3A_10, %get3A_11, %get3A_12] : memref<1x8x128xf32, #tpu.memory_space<vmem>>, vector<1x1x64xf32>
    %get3A_14 = vector.shape_cast %get3A_13 : vector<1x1x64xf32> to vector<1x64xf32>
    %get3A_15 = arith.constant 0 : index
    %get3A_16 = arith.constant 1 : index
    %get3A_17 = arith.constant 0 : index
    %get3A_18 = vector.load %arg2[%get3A_15, %get3A_16, %get3A_17] : memref<1x8x128xf32, #tpu.memory_space<vmem>>, vector<1x1x64xf32>
    %get3A_19 = vector.shape_cast %get3A_18 : vector<1x1x64xf32> to vector<1x64xf32>
    %mul3A = vector.broadcast %get3A_14 : vector<1x64xf32> to vector<4096x64xf32>
    %mul3A_20 = arith.mulf %add3A_9, %mul3A : vector<4096x64xf32>
    %add3A_21 = vector.broadcast %get3A_19 : vector<1x64xf32> to vector<4096x64xf32>
    %add3A_22 = arith.addf %mul3A_20, %add3A_21 : vector<4096x64xf32>
    %max3A = arith.constant 0.000000e+00 : f32
    %max3A_23 = vector.broadcast %max3A : f32 to vector<4096x64xf32>
    %max3A_24 = arith.maximumf %add3A_22, %max3A_23 : vector<4096x64xf32>
    %get3A_25 = arith.constant 0 : index
    %get3A_26 = arith.constant 0 : index
    %get3A_27 = vector.load %arg5[%get3A_25, %get3A_26] : memref<64x64xf32, #tpu.memory_space<vmem>>, vector<64x64xf32>
    %dot_general3A_28 = arith.constant dense<0.000000e+00> : vector<4096x64xf32>
    %dot_general3A_29 = tpu.matmul %max3A_24, %get3A_27, %dot_general3A_28 {dimension_numbers = #tpu.dot_dimension_numbers<[1], [0], [0], [1], [0, 0, 1, 1], [], []>, transpose_lhs_hint = false} : vector<4096x64xf32>, vector<64x64xf32>, vector<4096x64xf32> -> vector<4096x64xf32>
    %get3A_30 = arith.constant 0 : index
    %get3A_31 = arith.constant 0 : index
    %get3A_32 = vector.load %arg6[%get3A_30, %get3A_31] : memref<1x64xf32, #tpu.memory_space<vmem>>, vector<1x64xf32>
    %add3A_33 = vector.broadcast %get3A_32 : vector<1x64xf32> to vector<4096x64xf32>
    %add3A_34 = arith.addf %dot_general3A_29, %add3A_33 : vector<4096x64xf32>
    %get3A_35 = arith.constant 0 : index
    %get3A_36 = arith.constant 2 : index
    %get3A_37 = arith.constant 0 : index
    %get3A_38 = vector.load %arg2[%get3A_35, %get3A_36, %get3A_37] : memref<1x8x128xf32, #tpu.memory_space<vmem>>, vector<1x1x64xf32>
    %get3A_39 = vector.shape_cast %get3A_38 : vector<1x1x64xf32> to vector<1x64xf32>
    %get3A_40 = arith.constant 0 : index
    %get3A_41 = arith.constant 3 : index
    %get3A_42 = arith.constant 0 : index
    %get3A_43 = vector.load %arg2[%get3A_40, %get3A_41, %get3A_42] : memref<1x8x128xf32, #tpu.memory_space<vmem>>, vector<1x1x64xf32>
    %get3A_44 = vector.shape_cast %get3A_43 : vector<1x1x64xf32> to vector<1x64xf32>
    %mul3A_45 = vector.broadcast %get3A_39 : vector<1x64xf32> to vector<4096x64xf32>
    %mul3A_46 = arith.mulf %add3A_34, %mul3A_45 : vector<4096x64xf32>
    %add3A_47 = vector.broadcast %get3A_44 : vector<1x64xf32> to vector<4096x64xf32>
    %add3A_48 = arith.addf %mul3A_46, %add3A_47 : vector<4096x64xf32>
    %max3A_49 = arith.constant 0.000000e+00 : f32
    %max3A_50 = vector.broadcast %max3A_49 : f32 to vector<4096x64xf32>
    %max3A_51 = arith.maximumf %add3A_48, %max3A_50 : vector<4096x64xf32>
    %get3A_52 = arith.constant 0 : index
    %get3A_53 = arith.constant 0 : index
    %get3A_54 = vector.load %arg7[%get3A_52, %get3A_53] : memref<64x32xf32, #tpu.memory_space<vmem>>, vector<64x32xf32>
    %dot_general3A_55 = arith.constant dense<0.000000e+00> : vector<4096x32xf32>
    %dot_general3A_56 = tpu.matmul %max3A_51, %get3A_54, %dot_general3A_55 {dimension_numbers = #tpu.dot_dimension_numbers<[1], [0], [0], [1], [0, 0, 1, 1], [], []>, transpose_lhs_hint = false} : vector<4096x64xf32>, vector<64x32xf32>, vector<4096x32xf32> -> vector<4096x32xf32>
    %get3A_57 = arith.constant 0 : index
    %get3A_58 = arith.constant 0 : index
    %get3A_59 = vector.load %arg8[%get3A_57, %get3A_58] : memref<1x32xf32, #tpu.memory_space<vmem>>, vector<1x32xf32>
    %add3A_60 = vector.broadcast %get3A_59 : vector<1x32xf32> to vector<4096x32xf32>
    %add3A_61 = arith.addf %dot_general3A_56, %add3A_60 : vector<4096x32xf32>
    %get3A_62 = arith.constant 0 : index
    %get3A_63 = arith.constant 4 : index
    %get3A_64 = arith.constant 0 : index
    %get3A_65 = vector.load %arg2[%get3A_62, %get3A_63, %get3A_64] : memref<1x8x128xf32, #tpu.memory_space<vmem>>, vector<1x1x32xf32>
    %get3A_66 = vector.shape_cast %get3A_65 : vector<1x1x32xf32> to vector<1x32xf32>
    %get3A_67 = arith.constant 0 : index
    %get3A_68 = arith.constant 5 : index
    %get3A_69 = arith.constant 0 : index
    %get3A_70 = vector.load %arg2[%get3A_67, %get3A_68, %get3A_69] : memref<1x8x128xf32, #tpu.memory_space<vmem>>, vector<1x1x32xf32>
    %get3A_71 = vector.shape_cast %get3A_70 : vector<1x1x32xf32> to vector<1x32xf32>
    %mul3A_72 = vector.broadcast %get3A_66 : vector<1x32xf32> to vector<4096x32xf32>
    %mul3A_73 = arith.mulf %add3A_61, %mul3A_72 : vector<4096x32xf32>
    %add3A_74 = vector.broadcast %get3A_71 : vector<1x32xf32> to vector<4096x32xf32>
    %add3A_75 = arith.addf %mul3A_73, %add3A_74 : vector<4096x32xf32>
    %get3A_76 = arith.constant 0 : index
    %get3A_77 = arith.constant 6 : index
    %get3A_78 = arith.constant 0 : index
    %get3A_79 = vector.load %arg2[%get3A_76, %get3A_77, %get3A_78] : memref<1x8x128xf32, #tpu.memory_space<vmem>>, vector<1x1x32xf32>
    %get3A_80 = vector.shape_cast %get3A_79 : vector<1x1x32xf32> to vector<1x32xf32>
    %get3A_81 = arith.constant 0 : index
    %get3A_82 = arith.constant 7 : index
    %get3A_83 = arith.constant 0 : index
    %get3A_84 = vector.load %arg2[%get3A_81, %get3A_82, %get3A_83] : memref<1x8x128xf32, #tpu.memory_space<vmem>>, vector<1x1x1xf32>
    %get3A_85 = vector.shape_cast %get3A_84 : vector<1x1x1xf32> to vector<1x1xf32>
    %get3A_86 = arith.constant 0 : index
    %get3A_87 = arith.constant 7 : index
    %get3A_88 = arith.constant 1 : index
    %get3A_89 = vector.load %arg2[%get3A_86, %get3A_87, %get3A_88] : memref<1x8x128xf32, #tpu.memory_space<vmem>>, vector<1x1x1xf32>
    %get3A_90 = vector.shape_cast %get3A_89 : vector<1x1x1xf32> to vector<1x1xf32>
    %get3A_91 = arith.constant 0 : index
    %get3A_92 = arith.constant 7 : index
    %get3A_93 = arith.constant 2 : index
    %get3A_94 = vector.load %arg2[%get3A_91, %get3A_92, %get3A_93] : memref<1x8x128xf32, #tpu.memory_space<vmem>>, vector<1x1x1xf32>
    %get3A_95 = vector.shape_cast %get3A_94 : vector<1x1x1xf32> to vector<1x1xf32>
    %mul3A_96 = vector.broadcast %get3A_80 : vector<1x32xf32> to vector<4096x32xf32>
    %mul3A_97 = arith.mulf %add3A_75, %mul3A_96 : vector<4096x32xf32>
    %reduce_sum3A = arith.constant dense<0.000000e+00> : vector<4096xf32>
    %reduce_sum3A_98 = vector.multi_reduction <add>, %mul3A_97, %reduce_sum3A [1] : vector<4096x32xf32> to vector<4096xf32>
    %broadcast_in_dim3A = vector.shape_cast %reduce_sum3A_98 : vector<4096xf32> to vector<4096x1xf32>
    %add3A_99 = vector.broadcast %get3A_85 : vector<1x1xf32> to vector<4096x1xf32>
    %add3A_100 = arith.addf %broadcast_in_dim3A, %add3A_99 : vector<4096x1xf32>
    %mul3A_101 = vector.broadcast %get3A_90 : vector<1x1xf32> to vector<4096x1xf32>
    %mul3A_102 = arith.mulf %add3A_100, %mul3A_101 : vector<4096x1xf32>
    %add3A_103 = vector.broadcast %get3A_95 : vector<1x1xf32> to vector<4096x1xf32>
    %add3A_104 = arith.addf %mul3A_102, %add3A_103 : vector<4096x1xf32>
    %reshape3A = vector.shape_cast %add3A_104 : vector<4096x1xf32> to vector<256x16xf32>
    %reduce_max3A = arith.constant dense<0xFF800000> : vector<256xf32>
    %reduce_max3A_105 = vector.multi_reduction <maximumf>, %reshape3A, %reduce_max3A [1] : vector<256x16xf32> to vector<256xf32>
    %broadcast_in_dim3A_106 = vector.shape_cast %reduce_max3A_105 : vector<256xf32> to vector<256x1xf32>
    %sub3A = vector.broadcast %broadcast_in_dim3A_106 : vector<256x1xf32> to vector<256x16xf32>
    %sub3A_107 = arith.subf %reshape3A, %sub3A : vector<256x16xf32>
    %exp3A = math.exp %sub3A_107 : vector<256x16xf32>
    %reduce_sum3A_108 = arith.constant dense<0.000000e+00> : vector<256xf32>
    %reduce_sum3A_109 = vector.multi_reduction <add>, %exp3A, %reduce_sum3A_108 [1] : vector<256x16xf32> to vector<256xf32>
    %broadcast_in_dim3A_110 = vector.shape_cast %reduce_sum3A_109 : vector<256xf32> to vector<256x1xf32>
    %div3A = vector.broadcast %broadcast_in_dim3A_110 : vector<256x1xf32> to vector<256x16xf32>
    %div3A_111 = arith.divf %exp3A, %div3A : vector<256x16xf32>
    %get3A_112 = arith.constant 0 : index
    %get3A_113 = arith.constant 0 : index
    %get3A_114 = vector.load %arg9[%get3A_112, %get3A_113] : memref<256x64xf32, #tpu.memory_space<vmem>>, vector<256x64xf32>
    %get3A_115 = arith.constant 0 : index
    %get3A_116 = arith.constant 0 : index
    %get3A_117 = vector.load %arg10[%get3A_115, %get3A_116] : memref<4096x128xf32, #tpu.memory_space<vmem>>, vector<4096x128xf32>
    %get3A_118 = arith.constant 0 : index
    %get3A_119 = arith.constant 0 : index
    %get3A_120 = vector.load %arg11[%get3A_118, %get3A_119] : memref<64x64xf32, #tpu.memory_space<vmem>>, vector<64x64xf32>
    %dot_general3A_121 = arith.constant dense<0.000000e+00> : vector<256x64xf32>
    %dot_general3A_122 = tpu.matmul %get3A_114, %get3A_120, %dot_general3A_121 {dimension_numbers = #tpu.dot_dimension_numbers<[1], [0], [0], [1], [0, 0, 1, 1], [], []>, transpose_lhs_hint = false} : vector<256x64xf32>, vector<64x64xf32>, vector<256x64xf32> -> vector<256x64xf32>
    %broadcast_in_dim3A_123 = vector.shape_cast %dot_general3A_122 : vector<256x64xf32> to vector<256x1x64xf32>
    %broadcast_in_dim3A_124 = vector.shape_cast %broadcast_in_dim3A_123 : vector<256x1x64xf32> to vector<256x1x64xf32>
    %broadcast_in_dim3A_125 = vector.broadcast %broadcast_in_dim3A_124 : vector<256x1x64xf32> to vector<256x16x64xf32>
    %reshape3A_126 = vector.shape_cast %broadcast_in_dim3A_125 : vector<256x16x64xf32> to vector<4096x64xf32>
    %slice3A = vector.extract_strided_slice %get3A_117 {offsets = [0, 64], sizes = [4096, 64], strides = [1, 1]} : vector<4096x128xf32> to vector<4096x64xf32>
    %get3A_127 = arith.constant 0 : index
    %get3A_128 = arith.constant 0 : index
    %get3A_129 = vector.load %arg12[%get3A_127, %get3A_128] : memref<64x64xf32, #tpu.memory_space<vmem>>, vector<64x64xf32>
    %dot_general3A_130 = arith.constant dense<0.000000e+00> : vector<4096x64xf32>
    %dot_general3A_131 = tpu.matmul %slice3A, %get3A_129, %dot_general3A_130 {dimension_numbers = #tpu.dot_dimension_numbers<[1], [0], [0], [1], [0, 0, 1, 1], [], []>, transpose_lhs_hint = false} : vector<4096x64xf32>, vector<64x64xf32>, vector<4096x64xf32> -> vector<4096x64xf32>
    %add3A_132 = arith.addf %reshape3A_126, %dot_general3A_131 : vector<4096x64xf32>
    %get3A_133 = arith.constant 0 : index
    %get3A_134 = arith.constant 0 : index
    %get3A_135 = vector.load %arg13[%get3A_133, %get3A_134] : memref<1x64xf32, #tpu.memory_space<vmem>>, vector<1x64xf32>
    %add3A_136 = vector.broadcast %get3A_135 : vector<1x64xf32> to vector<4096x64xf32>
    %add3A_137 = arith.addf %add3A_132, %add3A_136 : vector<4096x64xf32>
    %gt3A = arith.constant 0.000000e+00 : f32
    %gt3A_138 = vector.broadcast %gt3A : f32 to vector<4096x64xf32>
    %gt3A_139 = arith.cmpf ogt, %add3A_137, %gt3A_138 : vector<4096x64xf32>
    %mul3A_140 = arith.constant 1.000000e-01 : f32
    %mul3A_141 = vector.broadcast %mul3A_140 : f32 to vector<4096x64xf32>
    %mul3A_142 = arith.mulf %mul3A_141, %add3A_137 : vector<4096x64xf32>
    %select_n3A = arith.select %gt3A_139, %add3A_137, %mul3A_142 : vector<4096x64xi1>, vector<4096x64xf32>
    %get3A_143 = arith.constant 0 : index
    %get3A_144 = arith.constant 0 : index
    %get3A_145 = vector.load %arg14[%get3A_143, %get3A_144] : memref<64x64xf32, #tpu.memory_space<vmem>>, vector<64x64xf32>
    %dot_general3A_146 = arith.constant dense<0.000000e+00> : vector<4096x64xf32>
    %dot_general3A_147 = tpu.matmul %select_n3A, %get3A_145, %dot_general3A_146 {dimension_numbers = #tpu.dot_dimension_numbers<[1], [0], [0], [1], [0, 0, 1, 1], [], []>, transpose_lhs_hint = false} : vector<4096x64xf32>, vector<64x64xf32>, vector<4096x64xf32> -> vector<4096x64xf32>
    %get3A_148 = arith.constant 0 : index
    %get3A_149 = arith.constant 0 : index
    %get3A_150 = vector.load %arg15[%get3A_148, %get3A_149] : memref<1x64xf32, #tpu.memory_space<vmem>>, vector<1x64xf32>
    %add3A_151 = vector.broadcast %get3A_150 : vector<1x64xf32> to vector<4096x64xf32>
    %add3A_152 = arith.addf %dot_general3A_147, %add3A_151 : vector<4096x64xf32>
    %gt3A_153 = arith.constant 0.000000e+00 : f32
    %gt3A_154 = vector.broadcast %gt3A_153 : f32 to vector<4096x64xf32>
    %gt3A_155 = arith.cmpf ogt, %add3A_152, %gt3A_154 : vector<4096x64xf32>
    %mul3A_156 = arith.constant 1.000000e-01 : f32
    %mul3A_157 = vector.broadcast %mul3A_156 : f32 to vector<4096x64xf32>
    %mul3A_158 = arith.mulf %mul3A_157, %add3A_152 : vector<4096x64xf32>
    %select_n3A_159 = arith.select %gt3A_155, %add3A_152, %mul3A_158 : vector<4096x64xi1>, vector<4096x64xf32>
    %get3A_160 = arith.constant 0 : index
    %get3A_161 = arith.constant 0 : index
    %get3A_162 = vector.load %arg16[%get3A_160, %get3A_161] : memref<64x128xf32, #tpu.memory_space<vmem>>, vector<64x128xf32>
    %dot_general3A_163 = arith.constant dense<0.000000e+00> : vector<4096x128xf32>
    %dot_general3A_164 = tpu.matmul %select_n3A_159, %get3A_162, %dot_general3A_163 {dimension_numbers = #tpu.dot_dimension_numbers<[1], [0], [0], [1], [0, 0, 1, 1], [], []>, transpose_lhs_hint = false} : vector<4096x64xf32>, vector<64x128xf32>, vector<4096x128xf32> -> vector<4096x128xf32>
    %get3A_165 = arith.constant 0 : index
    %get3A_166 = arith.constant 0 : index
    %get3A_167 = vector.load %arg17[%get3A_165, %get3A_166] : memref<1x128xf32, #tpu.memory_space<vmem>>, vector<1x128xf32>
    %add3A_168 = vector.broadcast %get3A_167 : vector<1x128xf32> to vector<4096x128xf32>
    %add3A_169 = arith.addf %dot_general3A_164, %add3A_168 : vector<4096x128xf32>
    %gt3A_170 = arith.constant 0.000000e+00 : f32
    %gt3A_171 = vector.broadcast %gt3A_170 : f32 to vector<4096x128xf32>
    %gt3A_172 = arith.cmpf ogt, %add3A_169, %gt3A_171 : vector<4096x128xf32>
    %mul3A_173 = arith.constant 1.000000e-01 : f32
    %mul3A_174 = vector.broadcast %mul3A_173 : f32 to vector<4096x128xf32>
    %mul3A_175 = arith.mulf %mul3A_174, %add3A_169 : vector<4096x128xf32>
    %select_n3A_176 = arith.select %gt3A_172, %add3A_169, %mul3A_175 : vector<4096x128xi1>, vector<4096x128xf32>
    %broadcast_in_dim3A_177 = vector.shape_cast %div3A_111 : vector<256x16xf32> to vector<256x16x1xf32>
    %reshape3A_178 = vector.shape_cast %select_n3A_176 : vector<4096x128xf32> to vector<256x16x128xf32>
    %mul3A_179 = vector.broadcast %broadcast_in_dim3A_177 : vector<256x16x1xf32> to vector<256x16x128xf32>
    %mul3A_180 = arith.mulf %mul3A_179, %reshape3A_178 : vector<256x16x128xf32>
    %reduce_sum3A_181 = arith.constant dense<0.000000e+00> : vector<256x128xf32>
    %reduce_sum3A_182 = vector.multi_reduction <add>, %mul3A_180, %reduce_sum3A_181 [1] : vector<256x16x128xf32> to vector<256x128xf32>
    %get3A_183 = arith.constant 0 : index
    %get3A_184 = arith.constant 0 : index
    %get3A_185 = vector.load %arg18[%get3A_183, %get3A_184] : memref<4096x16xf32, #tpu.memory_space<vmem>>, vector<4096x16xf32>
    %get3A_186 = arith.constant 0 : index
    %get3A_187 = arith.constant 0 : index
    %get3A_188 = vector.load %arg19[%get3A_186, %get3A_187] : memref<4096x128xf32, #tpu.memory_space<vmem>>, vector<4096x128xf32>
    %get3A_189 = arith.constant 0 : index
    %get3A_190 = arith.constant 0 : index
    %get3A_191 = vector.load %arg20[%get3A_189, %get3A_190] : memref<128x64xf32, #tpu.memory_space<vmem>>, vector<128x64xf32>
    %dot_general3A_192 = arith.constant dense<0.000000e+00> : vector<4096x64xf32>
    %dot_general3A_193 = tpu.matmul %get3A_188, %get3A_191, %dot_general3A_192 {dimension_numbers = #tpu.dot_dimension_numbers<[1], [0], [0], [1], [0, 0, 1, 1], [], []>, transpose_lhs_hint = false} : vector<4096x128xf32>, vector<128x64xf32>, vector<4096x64xf32> -> vector<4096x64xf32>
    %get3A_194 = arith.constant 0 : index
    %get3A_195 = arith.constant 0 : index
    %get3A_196 = vector.load %arg21[%get3A_194, %get3A_195] : memref<16x64xf32, #tpu.memory_space<vmem>>, vector<16x64xf32>
    %dot_general3A_197 = arith.constant dense<0.000000e+00> : vector<4096x64xf32>
    %dot_general3A_198 = tpu.matmul %get3A_185, %get3A_196, %dot_general3A_197 {dimension_numbers = #tpu.dot_dimension_numbers<[1], [0], [0], [1], [0, 0, 1, 1], [], []>, transpose_lhs_hint = false} : vector<4096x16xf32>, vector<16x64xf32>, vector<4096x64xf32> -> vector<4096x64xf32>
    %add3A_199 = arith.addf %dot_general3A_193, %dot_general3A_198 : vector<4096x64xf32>
    %get3A_200 = arith.constant 0 : index
    %get3A_201 = arith.constant 0 : index
    %get3A_202 = vector.load %arg22[%get3A_200, %get3A_201] : memref<1x64xf32, #tpu.memory_space<vmem>>, vector<1x64xf32>
    %add3A_203 = vector.broadcast %get3A_202 : vector<1x64xf32> to vector<4096x64xf32>
    %add3A_204 = arith.addf %add3A_199, %add3A_203 : vector<4096x64xf32>
    %gt3A_205 = arith.constant 0.000000e+00 : f32
    %gt3A_206 = vector.broadcast %gt3A_205 : f32 to vector<4096x64xf32>
    %gt3A_207 = arith.cmpf ogt, %add3A_204, %gt3A_206 : vector<4096x64xf32>
    %mul3A_208 = arith.constant 1.000000e-01 : f32
    %mul3A_209 = vector.broadcast %mul3A_208 : f32 to vector<4096x64xf32>
    %mul3A_210 = arith.mulf %mul3A_209, %add3A_204 : vector<4096x64xf32>
    %select_n3A_211 = arith.select %gt3A_207, %add3A_204, %mul3A_210 : vector<4096x64xi1>, vector<4096x64xf32>
    %get3A_212 = arith.constant 0 : index
    %get3A_213 = arith.constant 0 : index
    %get3A_214 = vector.load %arg23[%get3A_212, %get3A_213] : memref<64x64xf32, #tpu.memory_space<vmem>>, vector<64x64xf32>
    %dot_general3A_215 = arith.constant dense<0.000000e+00> : vector<4096x64xf32>
    %dot_general3A_216 = tpu.matmul %select_n3A_211, %get3A_214, %dot_general3A_215 {dimension_numbers = #tpu.dot_dimension_numbers<[1], [0], [0], [1], [0, 0, 1, 1], [], []>, transpose_lhs_hint = false} : vector<4096x64xf32>, vector<64x64xf32>, vector<4096x64xf32> -> vector<4096x64xf32>
    %get3A_217 = arith.constant 0 : index
    %get3A_218 = arith.constant 0 : index
    %get3A_219 = vector.load %arg24[%get3A_217, %get3A_218] : memref<1x64xf32, #tpu.memory_space<vmem>>, vector<1x64xf32>
    %add3A_220 = vector.broadcast %get3A_219 : vector<1x64xf32> to vector<4096x64xf32>
    %add3A_221 = arith.addf %dot_general3A_216, %add3A_220 : vector<4096x64xf32>
    %gt3A_222 = arith.constant 0.000000e+00 : f32
    %gt3A_223 = vector.broadcast %gt3A_222 : f32 to vector<4096x64xf32>
    %gt3A_224 = arith.cmpf ogt, %add3A_221, %gt3A_223 : vector<4096x64xf32>
    %mul3A_225 = arith.constant 1.000000e-01 : f32
    %mul3A_226 = vector.broadcast %mul3A_225 : f32 to vector<4096x64xf32>
    %mul3A_227 = arith.mulf %mul3A_226, %add3A_221 : vector<4096x64xf32>
    %select_n3A_228 = arith.select %gt3A_224, %add3A_221, %mul3A_227 : vector<4096x64xi1>, vector<4096x64xf32>
    %get3A_229 = arith.constant 0 : index
    %get3A_230 = arith.constant 0 : index
    %get3A_231 = vector.load %arg25[%get3A_229, %get3A_230] : memref<64x128xf32, #tpu.memory_space<vmem>>, vector<64x128xf32>
    %dot_general3A_232 = arith.constant dense<0.000000e+00> : vector<4096x128xf32>
    %dot_general3A_233 = tpu.matmul %select_n3A_228, %get3A_231, %dot_general3A_232 {dimension_numbers = #tpu.dot_dimension_numbers<[1], [0], [0], [1], [0, 0, 1, 1], [], []>, transpose_lhs_hint = false} : vector<4096x64xf32>, vector<64x128xf32>, vector<4096x128xf32> -> vector<4096x128xf32>
    %get3A_234 = arith.constant 0 : index
    %get3A_235 = arith.constant 0 : index
    %get3A_236 = vector.load %arg26[%get3A_234, %get3A_235] : memref<1x128xf32, #tpu.memory_space<vmem>>, vector<1x128xf32>
    %add3A_237 = vector.broadcast %get3A_236 : vector<1x128xf32> to vector<4096x128xf32>
    %add3A_238 = arith.addf %dot_general3A_233, %add3A_237 : vector<4096x128xf32>
    %gt3A_239 = arith.constant 0.000000e+00 : f32
    %gt3A_240 = vector.broadcast %gt3A_239 : f32 to vector<4096x128xf32>
    %gt3A_241 = arith.cmpf ogt, %add3A_238, %gt3A_240 : vector<4096x128xf32>
    %mul3A_242 = arith.constant 1.000000e-01 : f32
    %mul3A_243 = vector.broadcast %mul3A_242 : f32 to vector<4096x128xf32>
    %mul3A_244 = arith.mulf %mul3A_243, %add3A_238 : vector<4096x128xf32>
    %select_n3A_245 = arith.select %gt3A_241, %add3A_238, %mul3A_244 : vector<4096x128xi1>, vector<4096x128xf32>
    %broadcast_in_dim3A_246 = vector.shape_cast %div3A_111 : vector<256x16xf32> to vector<256x16x1xf32>
    %reshape3A_247 = vector.shape_cast %select_n3A_245 : vector<4096x128xf32> to vector<256x16x128xf32>
    %mul3A_248 = vector.broadcast %broadcast_in_dim3A_246 : vector<256x16x1xf32> to vector<256x16x128xf32>
    %mul3A_249 = arith.mulf %mul3A_248, %reshape3A_247 : vector<256x16x128xf32>
    %reduce_sum3A_250 = arith.constant dense<0.000000e+00> : vector<256x128xf32>
    %reduce_sum3A_251 = vector.multi_reduction <add>, %mul3A_249, %reduce_sum3A_250 [1] : vector<256x16x128xf32> to vector<256x128xf32>
    %broadcast_in_dim3A_252 = vector.shape_cast %div3A_111 : vector<256x16xf32> to vector<256x16x1xf32>
    %reshape3A_253 = vector.shape_cast %get3A_185 : vector<4096x16xf32> to vector<256x16x16xf32>
    %mul3A_254 = vector.broadcast %broadcast_in_dim3A_252 : vector<256x16x1xf32> to vector<256x16x16xf32>
    %mul3A_255 = arith.mulf %mul3A_254, %reshape3A_253 : vector<256x16x16xf32>
    %reduce_sum3A_256 = arith.constant dense<0.000000e+00> : vector<256x16xf32>
    %reduce_sum3A_257 = vector.multi_reduction <add>, %mul3A_255, %reduce_sum3A_256 [1] : vector<256x16x16xf32> to vector<256x16xf32>
    %swap3A = arith.constant 0 : index
    %swap3A_258 = arith.constant 0 : index
    %swap3A_259 = vector.load %arg35[%swap3A, %swap3A_258] : memref<256x16xf32, #tpu.memory_space<vmem>>, vector<256x16xf32>
    tpu.vector_store %arg35[%swap3A, %swap3A_258], %reduce_sum3A_257 {strides = array<i32>} : memref<256x16xf32, #tpu.memory_space<vmem>>, vector<256x16xf32>,
    %get3A_260 = arith.constant 0 : index
    %get3A_261 = arith.constant 0 : index
    %get3A_262 = vector.load %arg27[%get3A_260, %get3A_261] : memref<128x64xf32, #tpu.memory_space<vmem>>, vector<128x64xf32>
    %dot_general3A_263 = arith.constant dense<0.000000e+00> : vector<256x64xf32>
    %dot_general3A_264 = tpu.matmul %reduce_sum3A_182, %get3A_262, %dot_general3A_263 {dimension_numbers = #tpu.dot_dimension_numbers<[1], [0], [0], [1], [0, 0, 1, 1], [], []>, transpose_lhs_hint = false} : vector<256x128xf32>, vector<128x64xf32>, vector<256x64xf32> -> vector<256x64xf32>
    %get3A_265 = arith.constant 0 : index
    %get3A_266 = arith.constant 0 : index
    %get3A_267 = vector.load %arg28[%get3A_265, %get3A_266] : memref<128x64xf32, #tpu.memory_space<vmem>>, vector<128x64xf32>
    %dot_general3A_268 = arith.constant dense<0.000000e+00> : vector<256x64xf32>
    %dot_general3A_269 = tpu.matmul %reduce_sum3A_251, %get3A_267, %dot_general3A_268 {dimension_numbers = #tpu.dot_dimension_numbers<[1], [0], [0], [1], [0, 0, 1, 1], [], []>, transpose_lhs_hint = false} : vector<256x128xf32>, vector<128x64xf32>, vector<256x64xf32> -> vector<256x64xf32>
    %add3A_270 = arith.addf %dot_general3A_264, %dot_general3A_269 : vector<256x64xf32>
    %get3A_271 = arith.constant 0 : index
    %get3A_272 = arith.constant 0 : index
    %get3A_273 = vector.load %arg29[%get3A_271, %get3A_272] : memref<1x64xf32, #tpu.memory_space<vmem>>, vector<1x64xf32>
    %add3A_274 = vector.broadcast %get3A_273 : vector<1x64xf32> to vector<256x64xf32>
    %add3A_275 = arith.addf %add3A_270, %add3A_274 : vector<256x64xf32>
    %gt3A_276 = arith.constant 0.000000e+00 : f32
    %gt3A_277 = vector.broadcast %gt3A_276 : f32 to vector<256x64xf32>
    %gt3A_278 = arith.cmpf ogt, %add3A_275, %gt3A_277 : vector<256x64xf32>
    %mul3A_279 = arith.constant 1.000000e-01 : f32
    %mul3A_280 = vector.broadcast %mul3A_279 : f32 to vector<256x64xf32>
    %mul3A_281 = arith.mulf %mul3A_280, %add3A_275 : vector<256x64xf32>
    %select_n3A_282 = arith.select %gt3A_278, %add3A_275, %mul3A_281 : vector<256x64xi1>, vector<256x64xf32>
    %get3A_283 = arith.constant 0 : index
    %get3A_284 = arith.constant 0 : index
    %get3A_285 = vector.load %arg30[%get3A_283, %get3A_284] : memref<64x64xf32, #tpu.memory_space<vmem>>, vector<64x64xf32>
    %dot_general3A_286 = arith.constant dense<0.000000e+00> : vector<256x64xf32>
    %dot_general3A_287 = tpu.matmul %select_n3A_282, %get3A_285, %dot_general3A_286 {dimension_numbers = #tpu.dot_dimension_numbers<[1], [0], [0], [1], [0, 0, 1, 1], [], []>, transpose_lhs_hint = false} : vector<256x64xf32>, vector<64x64xf32>, vector<256x64xf32> -> vector<256x64xf32>
    %get3A_288 = arith.constant 0 : index
    %get3A_289 = arith.constant 0 : index
    %get3A_290 = vector.load %arg31[%get3A_288, %get3A_289] : memref<1x64xf32, #tpu.memory_space<vmem>>, vector<1x64xf32>
    %add3A_291 = vector.broadcast %get3A_290 : vector<1x64xf32> to vector<256x64xf32>
    %add3A_292 = arith.addf %dot_general3A_287, %add3A_291 : vector<256x64xf32>
    %gt3A_293 = arith.constant 0.000000e+00 : f32
    %gt3A_294 = vector.broadcast %gt3A_293 : f32 to vector<256x64xf32>
    %gt3A_295 = arith.cmpf ogt, %add3A_292, %gt3A_294 : vector<256x64xf32>
    %mul3A_296 = arith.constant 1.000000e-01 : f32
    %mul3A_297 = vector.broadcast %mul3A_296 : f32 to vector<256x64xf32>
    %mul3A_298 = arith.mulf %mul3A_297, %add3A_292 : vector<256x64xf32>
    %select_n3A_299 = arith.select %gt3A_295, %add3A_292, %mul3A_298 : vector<256x64xi1>, vector<256x64xf32>
    %get3A_300 = arith.constant 0 : index
    %get3A_301 = arith.constant 0 : index
    %get3A_302 = vector.load %arg32[%get3A_300, %get3A_301] : memref<64x128xf32, #tpu.memory_space<vmem>>, vector<64x128xf32>
    %dot_general3A_303 = arith.constant dense<0.000000e+00> : vector<256x128xf32>
    %dot_general3A_304 = tpu.matmul %select_n3A_299, %get3A_302, %dot_general3A_303 {dimension_numbers = #tpu.dot_dimension_numbers<[1], [0], [0], [1], [0, 0, 1, 1], [], []>, transpose_lhs_hint = false} : vector<256x64xf32>, vector<64x128xf32>, vector<256x128xf32> -> vector<256x128xf32>
    %get3A_305 = arith.constant 0 : index
    %get3A_306 = arith.constant 0 : index
    %get3A_307 = vector.load %arg33[%get3A_305, %get3A_306] : memref<1x128xf32, #tpu.memory_space<vmem>>, vector<1x128xf32>
    %add3A_308 = vector.broadcast %get3A_307 : vector<1x128xf32> to vector<256x128xf32>
    %add3A_309 = arith.addf %dot_general3A_304, %add3A_308 : vector<256x128xf32>
    %gt3A_310 = arith.constant 0.000000e+00 : f32
    %gt3A_311 = vector.broadcast %gt3A_310 : f32 to vector<256x128xf32>
    %gt3A_312 = arith.cmpf ogt, %add3A_309, %gt3A_311 : vector<256x128xf32>
    %mul3A_313 = arith.constant 1.000000e-01 : f32
    %mul3A_314 = vector.broadcast %mul3A_313 : f32 to vector<256x128xf32>
    %mul3A_315 = arith.mulf %mul3A_314, %add3A_309 : vector<256x128xf32>
    %select_n3A_316 = arith.select %gt3A_312, %add3A_309, %mul3A_315 : vector<256x128xi1>, vector<256x128xf32>
    %swap3A_317 = arith.constant 0 : index
    %swap3A_318 = arith.constant 0 : index
    %swap3A_319 = vector.load %arg34[%swap3A_317, %swap3A_318] : memref<256x128xf32, #tpu.memory_space<vmem>>, vector<256x128xf32>
    tpu.vector_store %arg34[%swap3A_317, %swap3A_318], %select_n3A_316 {strides = array<i32>} : memref<256x128xf32, #tpu.memory_space<vmem>>, vector<256x128xf32>,
    return
  }
  func.func @transform_0(%arg0: i32) -> (i32, i32) {
    %add3A = arith.constant 0 : i32
    %add3A_0 = arith.addi %add3A, %arg0 : i32
    %c0_i32 = arith.constant 0 : i32
    %c0_i32_1 = arith.constant 0 : i32
    return %add3A_0, %c0_i32 : i32, i32
  }
  func.func @transform_1(%arg0: i32) -> (i32, i32, i32) {
    %c0_i32 = arith.constant 0 : i32
    %c0_i32_0 = arith.constant 0 : i32
    %c0_i32_1 = arith.constant 0 : i32
    %c0_i32_2 = arith.constant 0 : i32
    return %c0_i32, %c0_i32_0, %c0_i32_1 : i32, i32, i32
  }
  func.func @transform_2(%arg0: i32) -> (i32, i32) {
    %c0_i32 = arith.constant 0 : i32
    %c0_i32_0 = arith.constant 0 : i32
    %c0_i32_1 = arith.constant 0 : i32
    return %c0_i32, %c0_i32_0 : i32, i32
  }
  func.func @transform_3(%arg0: i32) -> (i32, i32) {
    %c0_i32 = arith.constant 0 : i32
    %c0_i32_0 = arith.constant 0 : i32
    %c0_i32_1 = arith.constant 0 : i32
    return %c0_i32, %c0_i32_0 : i32, i32
  }
  func.func @transform_4(%arg0: i32) -> (i32, i32) {
    %c0_i32 = arith.constant 0 : i32
    %c0_i32_0 = arith.constant 0 : i32
    %c0_i32_1 = arith.constant 0 : i32
    return %c0_i32, %c0_i32_0 : i32, i32
  }
  func.func @transform_5(%arg0: i32) -> (i32, i32) {
    %c0_i32 = arith.constant 0 : i32
    %c0_i32_0 = arith.constant 0 : i32
    %c0_i32_1 = arith.constant 0 : i32
    return %c0_i32, %c0_i32_0 : i32, i32
  }
  func.func @transform_6(%arg0: i32) -> (i32, i32) {
    %c0_i32 = arith.constant 0 : i32
    %c0_i32_0 = arith.constant 0 : i32
    %c0_i32_1 = arith.constant 0 : i32
    return %c0_i32, %c0_i32_0 : i32, i32
  }
  func.func @transform_7(%arg0: i32) -> (i32, i32) {
    %c0_i32 = arith.constant 0 : i32
    %c0_i32_0 = arith.constant 0 : i32
    %c0_i32_1 = arith.constant 0 : i32
    return %c0_i32, %c0_i32_0 : i32, i32
  }
  func.func @transform_8(%arg0: i32) -> (i32, i32) {
    %add3A = arith.constant 0 : i32
    %add3A_0 = arith.addi %add3A, %arg0 : i32
    %c0_i32 = arith.constant 0 : i32
    %c0_i32_1 = arith.constant 0 : i32
    return %add3A_0, %c0_i32 : i32, i32
  }
  func.func @transform_9(%arg0: i32) -> (i32, i32) {
    %add3A = arith.constant 0 : i32
    %add3A_0 = arith.addi %add3A, %arg0 : i32
    %c0_i32 = arith.constant 0 : i32
    %c0_i32_1 = arith.constant 0 : i32
    return %add3A_0, %c0_i32 : i32, i32
  }
  func.func @transform_10(%arg0: i32) -> (i32, i32) {
    %c0_i32 = arith.constant 0 : i32
    %c0_i32_0 = arith.constant 0 : i32
    %c0_i32_1 = arith.constant 0 : i32
    return %c0_i32, %c0_i32_0 : i32, i32
  }
  func.func @transform_11(%arg0: i32) -> (i32, i32) {
    %c0_i32 = arith.constant 0 : i32
    %c0_i32_0 = arith.constant 0 : i32
    %c0_i32_1 = arith.constant 0 : i32
    return %c0_i32, %c0_i32_0 : i32, i32
  }
  func.func @transform_12(%arg0: i32) -> (i32, i32) {
    %c0_i32 = arith.constant 0 : i32
    %c0_i32_0 = arith.constant 0 : i32
    %c0_i32_1 = arith.constant 0 : i32
    return %c0_i32, %c0_i32_0 : i32, i32
  }
  func.func @transform_13(%arg0: i32) -> (i32, i32) {
    %c0_i32 = arith.constant 0 : i32
    %c0_i32_0 = arith.constant 0 : i32
    %c0_i32_1 = arith.constant 0 : i32
    return %c0_i32, %c0_i32_0 : i32, i32
  }
  func.func @transform_14(%arg0: i32) -> (i32, i32) {
    %c0_i32 = arith.constant 0 : i32
    %c0_i32_0 = arith.constant 0 : i32
    %c0_i32_1 = arith.constant 0 : i32
    return %c0_i32, %c0_i32_0 : i32, i32
  }
  func.func @transform_15(%arg0: i32) -> (i32, i32) {
    %c0_i32 = arith.constant 0 : i32
    %c0_i32_0 = arith.constant 0 : i32
    %c0_i32_1 = arith.constant 0 : i32
    return %c0_i32, %c0_i32_0 : i32, i32
  }
  func.func @transform_16(%arg0: i32) -> (i32, i32) {
    %c0_i32 = arith.constant 0 : i32
    %c0_i32_0 = arith.constant 0 : i32
    %c0_i32_1 = arith.constant 0 : i32
    return %c0_i32, %c0_i32_0 : i32, i32
  }
  func.func @transform_17(%arg0: i32) -> (i32, i32) {
    %c0_i32 = arith.constant 0 : i32
    %c0_i32_0 = arith.constant 0 : i32
    return %arg0, %c0_i32 : i32, i32
  }
  func.func @transform_18(%arg0: i32) -> (i32, i32) {
    %c0_i32 = arith.constant 0 : i32
    %c0_i32_0 = arith.constant 0 : i32
    return %arg0, %c0_i32 : i32, i32
  }
  func.func @transform_19(%arg0: i32) -> (i32, i32) {
    %c0_i32 = arith.constant 0 : i32
    %c0_i32_0 = arith.constant 0 : i32
    %c0_i32_1 = arith.constant 0 : i32
    return %c0_i32, %c0_i32_0 : i32, i32
  }
  func.func @transform_20(%arg0: i32) -> (i32, i32) {
    %c0_i32 = arith.constant 0 : i32
    %c0_i32_0 = arith.constant 0 : i32
    %c0_i32_1 = arith.constant 0 : i32
    return %c0_i32, %c0_i32_0 : i32, i32
  }
  func.func @transform_21(%arg0: i32) -> (i32, i32) {
    %c0_i32 = arith.constant 0 : i32
    %c0_i32_0 = arith.constant 0 : i32
    %c0_i32_1 = arith.constant 0 : i32
    return %c0_i32, %c0_i32_0 : i32, i32
  }
  func.func @transform_22(%arg0: i32) -> (i32, i32) {
    %c0_i32 = arith.constant 0 : i32
    %c0_i32_0 = arith.constant 0 : i32
    %c0_i32_1 = arith.constant 0 : i32
    return %c0_i32, %c0_i32_0 : i32, i32
  }
  func.func @transform_23(%arg0: i32) -> (i32, i32) {
    %c0_i32 = arith.constant 0 : i32
    %c0_i32_0 = arith.constant 0 : i32
    %c0_i32_1 = arith.constant 0 : i32
    return %c0_i32, %c0_i32_0 : i32, i32
  }
  func.func @transform_24(%arg0: i32) -> (i32, i32) {
    %c0_i32 = arith.constant 0 : i32
    %c0_i32_0 = arith.constant 0 : i32
    %c0_i32_1 = arith.constant 0 : i32
    return %c0_i32, %c0_i32_0 : i32, i32
  }
  func.func @transform_25(%arg0: i32) -> (i32, i32) {
    %c0_i32 = arith.constant 0 : i32
    %c0_i32_0 = arith.constant 0 : i32
    %c0_i32_1 = arith.constant 0 : i32
    return %c0_i32, %c0_i32_0 : i32, i32
  }
  func.func @transform_26(%arg0: i32) -> (i32, i32) {
    %c0_i32 = arith.constant 0 : i32
    %c0_i32_0 = arith.constant 0 : i32
    %c0_i32_1 = arith.constant 0 : i32
    return %c0_i32, %c0_i32_0 : i32, i32
  }
  func.func @transform_27(%arg0: i32) -> (i32, i32) {
    %c0_i32 = arith.constant 0 : i32
    %c0_i32_0 = arith.constant 0 : i32
    %c0_i32_1 = arith.constant 0 : i32
    return %c0_i32, %c0_i32_0 : i32, i32
  }
  func.func @transform_28(%arg0: i32) -> (i32, i32) {
    %c0_i32 = arith.constant 0 : i32
    %c0_i32_0 = arith.constant 0 : i32
    %c0_i32_1 = arith.constant 0 : i32
    return %c0_i32, %c0_i32_0 : i32, i32
  }
  func.func @transform_29(%arg0: i32) -> (i32, i32) {
    %c0_i32 = arith.constant 0 : i32
    %c0_i32_0 = arith.constant 0 : i32
    %c0_i32_1 = arith.constant 0 : i32
    return %c0_i32, %c0_i32_0 : i32, i32
  }
  func.func @transform_30(%arg0: i32) -> (i32, i32) {
    %c0_i32 = arith.constant 0 : i32
    %c0_i32_0 = arith.constant 0 : i32
    %c0_i32_1 = arith.constant 0 : i32
    return %c0_i32, %c0_i32_0 : i32, i32
  }
  func.func @transform_31(%arg0: i32) -> (i32, i32) {
    %c0_i32 = arith.constant 0 : i32
    %c0_i32_0 = arith.constant 0 : i32
    %c0_i32_1 = arith.constant 0 : i32
    return %c0_i32, %c0_i32_0 : i32, i32
  }
  func.func @transform_32(%arg0: i32) -> (i32, i32) {
    %c0_i32 = arith.constant 0 : i32
    %c0_i32_0 = arith.constant 0 : i32
    %c0_i32_1 = arith.constant 0 : i32
    return %c0_i32, %c0_i32_0 : i32, i32
  }
  func.func @transform_33(%arg0: i32) -> (i32, i32) {
    %c0_i32 = arith.constant 0 : i32
    %c0_i32_0 = arith.constant 0 : i32
    return %arg0, %c0_i32 : i32, i32
  }
  func.func @transform_34(%arg0: i32) -> (i32, i32) {
    %c0_i32 = arith.constant 0 : i32
    %c0_i32_0 = arith.constant 0 : i32
    return %arg0, %c0_i32 : i32, i32
  }
}

</mosaic_0001>

<sc_bundles>
// kernel: kernel.11.cloned.1.call-start
scs
__scs_entry_jumppad:
0x0: {  	(pc) =	sbr.rel $0x88, $3  }
0x1: {  	(tag) =	ssettag $0x0;
	lr =	simm.s32 $0x1  }
0x2: {  	[smem:$0x3F6D] =	sst lr;
	_ =	strace $0xD0000000  }
0x3: {  	_ = 	snop  }
0x4: {  	_ = 	snop  }
0x5: {  	_ = 	snop  }
0x6: {  	_ = 	snop  }
0x7: {  	_ = 	snop  }
__scs_overlays_trampoline_lowered:
0x8: {  	[smem:$0x3F7C] =	sst s0  }
0x9: {  	[smem:$0x3F7D] =	sst s1  }
0xa: {  	[smem:$0x3F7E] =	sst s2  }
0xb: {  	[smem:$0x3F7F] =	sst s3  }
0xc: {  	[smem:$0x3F80] =	sst s4  }
0xd: {  	[smem:$0x3F81] =	sst s5  }
0xe: {  	[smem:$0x3F82] =	sst s6  }
0xf: {  	[smem:$0x3F83] =	sst s7  }
0x10: {  	[smem:$0x3F84] =	sst s8  }
0x11: {  	[smem:$0x3F85] =	sst s9;
	s0 =	simm.s32 @!p0 $0x0  }
0x12: {  	s1 =	sld [smem:$0x3F6B];
	s0 =	simm.s32 @p0 $0x1  }
0x13: {  	[smem:$0x3F86] =	sst s0;
	s0 =	simm.s32 @!p1 $0x0  }
0x14: {  	s2 =	sld [smem:$0x3F6A];
	s0 =	simm.s32 @p1 $0x1  }
0x15: {  	[smem:$0x3F87] =	sst s0;
	s0 =	simm.s32 @!p2 $0x0  }
0x16: {  	s3 =	sld [smem:$0x3FDB];
	s0 =	simm.s32 @p2 $0x1  }
0x17: {  	s4 =	simm.s32 $0x1BF5;
	[smem:$0x3F89] =	sst s0  }
0x18: {  	s0 =	sld [smem:$0x3F6C];
	_ =	swait.ge [sflag:s4], $0x0  }
0x19: {  	s7 =	sld [smem:$0x3F6D]  }
0x1a: {  	s8 =	sadd.s32 $0xFFFFE003, lr  }
0x1b: {  	s9 =	sadd.s32 $0xFFFFFEF7, lr;
	s5 =	simm.s32 $0xFFFFFFFF;
	p2 =	slt.u32 s8, $0xFFFFF086  }
0x1c: {  	p1 =	slt.u32 s9, $0xF7A;
	s5 =	simm.s32 @!p2 $0x0  }
0x1d: {  	s5 =	simm.s32 @p1 $0x1;
	p0 =	seq.s32 s7, s2  }
0x1e: {  	s7 =	smul.u32 @!p0 $0xF7A, s2;
	p2 =	seq.s32 @!p0 s5, $0x0  }
0x1f: {  	s9 =	smul.u32 $0xF7A, s1;
	s8 =	simm.s32 @!p0 $0x1BF5;
	p2 =	por !p2, p0  }
0x20: {  	[sflag:s8] =	ssyncset.s32 @!p0 $0xFFFFF086;
	s6 =	sadd.s32 @!p0 s3, s7;
	s7 =	simm.s32 @!p0 $0x108  }
0x21: {  	s3 =	sadd.s32 s3, s9;
	s6 =	sadd.s32 @!p0 $0x88, s6;
	s7 =	simm.s32 @p2 $0x1082  }
0x22: {  	[simem:s7], [sflag:s8] =	dma.local @!p0 [hbm:s6], $0xF7A  }
0x23: {  	s9 =	sor.u32 $0xD0000000, s2;
	s6 =	simm.s32 $0x108;
	_ =	swait.ge @!p0 [sflag:s8], $0x0  }
0x24: {  	s3 =	sadd.s32 $0x88, s3;
	s6 =	simm.s32 @!p1 $0x1082;
	[sflag:s4] =	ssyncset.s32 $0xFFFFF086  }
0x25: {  	[simem:s6], [sflag:s4] =	dma.local [hbm:s3], $0xF7A  }
0x26: {  	[smem:$0x3F6D] =	sst s1;
	(tag) =	ssettag s2;
	_ =	strace s9  }
0x27: {  	s1 =	sld [smem:$0x3F7D]  }
0x28: {  	s2 =	sld [smem:$0x3F7E]  }
0x29: {  	s4 =	sld [smem:$0x3F80]  }
0x2a: {  	p0 =	seq.s32 s5, $0x0;
	s5 =	sld [smem:$0x3F81]  }
0x2b: {  	s6 =	sld [smem:$0x3F82]  }
0x2c: {  	s7 =	sld [smem:$0x3F83]  }
0x2d: {  	s3 =	simm.s32 $0x108;
	s8 =	sld [smem:$0x3F84]  }
0x2e: {  	s3 =	simm.s32 @!p0 $0x1082;
	s9 =	sld [smem:$0x3F85]  }
0x2f: {  	lr =	sadd.s32 s0, s3;
	s0 =	sld [smem:$0x3F7C]  }
0x30: {  	s3 =	sld [smem:$0x3F7F]  }
0x31: {  	[smem:$0x3F88] =	sst s10  }
0x32: {  	s10 =	sld [smem:$0x3F86];
	_ =	sdelay $0x3  }
0x33: {  	p0 =	seq.s32 s10, $0x1;
	s10 =	sld [smem:$0x3F88];
	_ =	sdelay $0x3  }
0x34: {  	[smem:$0x3F88] =	sst s10  }
0x35: {  	s10 =	sld [smem:$0x3F87];
	_ =	sdelay $0x3  }
0x36: {  	p1 =	seq.s32 s10, $0x1;
	s10 =	sld [smem:$0x3F88];
	_ =	sdelay $0x3  }
0x37: {  	[smem:$0x3F88] =	sst s10  }
0x38: {  	s10 =	sld [smem:$0x3F89]  }
0x39: {  	_ = 	snop;
	(pc) =	sbr.ind lr, $3  }
0x3a: {  	_ = 	snop  }
0x3b: {  	_ = 	snop  }
0x3c: {  	p2 =	seq.s32 s10, $0x1;
	s10 =	sld [smem:$0x3F88]  }
0x3d: {  	_ =	shalt  }
0x3e: {  	_ =	shalt  }
0x3f: {  	_ =	shalt  }
0x40: {  	_ =	shalt  }
0x41: {  	_ =	shalt  }
0x42: {  	_ =	shalt  }
0x43: {  	_ =	shalt  }
0x44: {  	_ =	shalt  }
0x45: {  	_ =	shalt  }
0x46: {  	_ =	shalt  }
0x47: {  	_ =	shalt  }
0x48: {  	_ =	shalt  }
0x49: {  	_ =	shalt  }
0x4a: {  	_ =	shalt  }
0x4b: {  	_ =	shalt  }
0x4c: {  	_ =	shalt  }
0x4d: {  	_ =	shalt  }
0x4e: {  	_ =	shalt  }
0x4f: {  	_ =	shalt  }
0x50: {  	_ =	shalt  }
0x51: {  	_ =	shalt  }
0x52: {  	_ =	shalt  }
0x53: {  	_ =	shalt  }
0x54: {  	_ =	shalt  }
0x55: {  	_ =	shalt  }
0x56: {  	_ =	shalt  }
0x57: {  	_ =	shalt  }
0x58: {  	_ =	shalt  }
0x59: {  	_ =	shalt  }
0x5a: {  	_ =	shalt  }
0x5b: {  	_ =	shalt  }
0x5c: {  	_ =	shalt  }
0x5d: {  	_ =	shalt  }
0x5e: {  	_ =	shalt  }
0x5f: {  	_ =	shalt  }
0x60: {  	_ =	shalt  }
0x61: {  	_ =	shalt  }
0x62: {  	_ =	shalt  }
0x63: {  	_ =	shalt  }
0x64: {  	_ =	shalt  }
0x65: {  	_ =	shalt  }
0x66: {  	_ =	shalt  }
0x67: {  	_ =	shalt  }
0x68: {  	_ =	shalt  }
0x69: {  	_ =	shalt  }
0x6a: {  	_ =	shalt  }
0x6b: {  	_ =	shalt  }
0x6c: {  	_ =	shalt  }
0x6d: {  	_ =	shalt  }
0x6e: {  	_ =	shalt  }
0x6f: {  	_ =	shalt  }
0x70: {  	_ =	shalt  }
0x71: {  	_ =	shalt  }
0x72: {  	_ =	shalt  }
0x73: {  	_ =	shalt  }
0x74: {  	_ =	shalt  }
0x75: {  	_ =	shalt  }
0x76: {  	_ =	shalt  }
0x77: {  	_ =	shalt  }
0x78: {  	_ =	shalt  }
0x79: {  	_ =	shalt  }
0x7a: {  	_ =	shalt  }
0x7b: {  	_ =	shalt  }
0x7c: {  	_ =	shalt  }
0x7d: {  	_ =	shalt  }
0x7e: {  	_ =	shalt  }
0x7f: {  	_ =	shalt  }
0x80: {  	_ =	shalt  }
0x81: {  	_ =	shalt  }
0x82: {  	_ =	shalt  }
0x83: {  	_ =	shalt  }
0x84: {  	_ =	shalt  }
0x85: {  	_ =	shalt  }
0x86: {  	_ =	shalt  }
0x87: {  	_ =	shalt  }
.Lfunc_end0:
.L_simem_size_0:
called_computation_lowered:
.L_overlay_start_0:
0x88: {  	s2 =	sld [smem:$0x3FD9]  }
0x89: {  	s3 =	sld [smem:$0x3FFE];
	_ =	sdelay $0x1  }
0x8a: {  	s1 =	srdreg.scid  }
0x8b: {  	s0 =	sand.u32 $0x1, s1  }
0x8c: {  	s16 =	sshll.u32 s0, $0xA;
	s2 =	sadd.s32 s3, s2  }
0x8d: {  	s2 =	sadd.s32 s2, s16  }
0x8e: {  	[smem:$0x3F94] =	sst s2  }
0x8f: {  	_ = 	snop  }
0x90: {  	(tm) =	ssettm $0x1  }
0x91: {  	s17 =	sld [smem:$0x3FFB];
	_ =	sdelay $0x3  }
0x92: {  	_ =	strace s17  }
0x93: {  	s2 =	sld [smem:$0x3FFC];
	_ =	sdelay $0x3  }
0x94: {  	_ =	strace s2  }
0x95: {  	s2 =	sld [smem:$0x3FFD];
	_ =	sdelay $0x3  }
0x96: {  	_ =	strace s2  }
0x97: {  	_ =	strace $0x8FFFFFFF  }
0x98: {  	s18 =	sld [smem:$0x3FDB];
	_ =	sdelay $0x1  }
0x99: {  	s19 =	simm.s32 $_scs_section_size  }
0x9a: {  	s4 =	simm.s32 $_size__tile_overlayer_lowered;
	s5 =	simm.s32 $_tile_overlayer_lowered  }
0x9b: {  	s22 =	simm.s32 $0x1BFF;
	s21 =	sshll.u32 s5, $0x1;
	s2 =	sadd.s32 s19, s18  }
0x9c: {  	s6 =	simm.s32 $0x0;
	s20 =	sshll.u32 s4, $0x1;
	s4 =	sadd.s32 s21, s2  }
0x9d: {  	[timem:s6], [sflag:s22] =	dma.local [hbm:s4], s20  }
0x9e: {  	_ =	swait.ge [sflag:s22], s20  }
0x9f: {  	s3 =	ssub.s32 $0x0, s20;
	[sflag:s22] =	ssyncset.done $0x0  }
0xa0: {  	[sflag:s22] =	ssyncadd.s32 s3;
	_ =	sdelay $0x1  }
0xa1: {  	s23 =	simm.s32 $0x1B8B  }
0xa2: {  	_ =	swait.ge [sflag:s23], $0x1  }
0xa3: {  	[sflag:s23] =	ssyncset.done $0x0  }
0xa4: {  	s25 =	simm.s32 $0x1B8E;
	s24 =	sld [smem:$0x3FFE];
	[sflag:s23] =	ssyncadd.s32 $0xFFFFFFFF  }
0xa5: {  	s26 =	simm.s32 $execute0_lowered;
	[smem:$0x3FD2] =	sst s25  }
0xa6: {  	s4 =	sshll.u32 s26, $0x1;
	_ =	strace $0x80000046;
	[dreg:$0x1] =	wrdreg $0xFFFFFFFF  }
0xa7: {  	s28 =	simm.s32 $_size_execute0_lowered;
	s2 =	sadd.s32 s2, s4;
	[dreg:$0x0] =	wrdreg $0x0  }
0xa8: {  	s4 =	sshll.u32 s28, $0x1;
	[dreg:$0x2] =	wrdreg s2  }
0xa9: {  	[dreg:$0x3] =	wrdreg s4  }
0xaa: {  	[dreg:$0x4] =	wrdreg $0xC0  }
0xab: {  	_ =	task [dreg:s6], $0x5FFFF  }
0xac: {  	[dreg:$0x1] =	wrdreg $0xFFFFFFFF  }
0xad: {  	[dreg:$0x0] =	wrdreg $0x60  }
0xae: {  	[dreg:$0x2] =	wrdreg s24  }
0xaf: {  	[dreg:$0x3] =	wrdreg $0x9  }
0xb0: {  	_ =	task.clear_ibuf [dreg:s6], $0x4FFFF;
	_ =	strace $0x90000046  }
0xb1: {  	s29 =	simm.s32 $0x9;
	_ =	strace $0x80000048  }
0xb2: {  	_ =	swait.ge [sflag:s29], $0x1  }
0xb3: {  	[sflag:s29] =	ssyncadd.s32 $0xFFFFFFFF  }
0xb4: {  	_ =	strace $0x90000048  }
0xb5: {  	_ =	sfence  }
0xb6: {  	s30 =	sld [smem:$0x0];
	_ =	sdelay $0x2  }
0xb7: {  	s31 =	sshll.u32 s1, $0xD;
	s1 =	sshrl.u32 s1, $0x2  }
0xb8: {  	s3 =	sand.u32 $0x4000, s31;
	s1 =	sadd.s32 s1, s30  }
0xb9: {  	s0 =	sor.u32 s3, s0;
	s1 =	sshll.u32 s1, $0x11  }
0xba: {  	s0 =	sor.u32 s1, s0  }
0xbb: {  	s0 =	sadd.s32 $0x8F2B, s0  }
0xbc: {  	[sflag:s0] =	ssyncadd.remote.s32 $0x1  }
0xbd: {  	_ =	sfence.sel $0xFFFF  }
0xbe: {  	[dreg:$0x0] =	wrdreg $0xFFFFFFFF;
	(pc) =	sbr.abs _section_cstart, $3  }
0xbf: {  	[dreg:$0x1] =	wrdreg $0xFFFFFFFF  }
0xc0: {  	_ =	task.clear_ibuf [dreg:s6], $0x2FFFF;
	_ =	strace $0x9FFFFFFF  }
0xc1: {  	(tm) =	ssettm $0x7FFFFFFF  }
tec
execute0_lowered:
.L_overlay_start_1:
0x0: {  	(tag) =	ssettag $0x1  }
0x1: {  	s4 =	rddreg [dreg:$0x0]  }
0x2: {  	s0 =	rddreg [dreg:$0x1];
	s2 =	simm.s32 $0x0;
	s3 =	srdreg.scid  }
0x3: {  	s1 =	stileid.u32;
	s10 =	simm.s32 $0x0;
	[smem:$0x7FF] =	sst s2  }
0x4: {  	s5 =	sand.u32 $0x1, s3;
	s6 =	sshll.u32 s1, $0xE;
	s3 =	sadd.s32 $0x70800, s4  }
0x5: {  	s8 =	sshll.u32 s1, $0x12;
	_ =	strace $0x80000047;
	s7 =	sshll.u32 s5, $0xD  }
0x6: {  	s31 =	ssub.s32 $0x2, s5;
	s8 =	sadd.s32 s8, s4;
	s5 =	sshll.u32 s5, $0x11  }
0x7: {  	s6 =	sor.u32 s7, s6;
	s9 =	sshrl.u32 s31, $0x1;
	s5 =	sadd.s32 s5, s8  }
0x8: {  	s8 =	simm.s32 $0x200;
	s6 =	sshrl.u32 s6, $0x3;
	s7 =	ssub.s32 s31, s9  }
0x9: {  	s5 =	sadd.s32 $0xB0800, s5;
	s9 =	simm.s32 $0x1;
	s6 =	sadd.s32 s6, s4  }
0xa: {  	s4 =	smax.u32 s7, $0x1;
	s7 =	simm.s32 $0x2;
	s6 =	sadd.s32 $0x66800, s6  }
.LBB2_1:
0xb: {  	s11 =	sadd.s32 $0x0, s6  }
0xc: {  	[tilespmem:s2], [sflag:$0x2] =	stream.linear.gather [hbm4b:s11+s2], $0x200, $0x38;
	[tilespmem:$0x10200] =	vst v63  }
0xd: {  	_ =	swait.ge [sflag:s7], $0x200  }
0xe: {  	[sflag:s7] =	ssyncset.done $0x0  }
0xf: {  	[sflag:s7] =	ssyncadd.s32 $0xFFFFFE00  }
0x10: {  	[tilespmem:s8], [sflag:$0x1] =	stream.indirect.gather [hbm4b:s3+s8], $0x80, s2, s8, $0xb8;
	[tilespmem:$0x10200] =	vst v63  }
0x11: {  	_ =	swait.ge [sflag:s9], $0x10000  }
0x12: {  	[sflag:s9] =	ssyncset.done $0x0  }
0x13: {  	[sflag:s9] =	ssyncadd.s32 $0xFFFF0000  }
0x14: {  	[hbm4b:s5+s2] =	stream.linear.scatter [tilespmem:s8], [sflag:$0x2], $0x10000, $0x38;
	[tilespmem:$0x10200] =	vst v63  }
0x15: {  	s12 =	simm.s32 $0x40;
	_ =	swait.ge [sflag:s7], $0x10000  }
0x16: {  	s13 =	simm.s32 $0x80;
	s11 =	sadd.s32 $0x2000, s5;
	[sflag:s7] =	ssyncset.done $0x0  }
.LBB2_2:
0x17: {  	s14 =	sadd.s32 s12, s6  }
0x18: {  	[sflag:s7] =	ssyncadd.s32 $0xFFFF0000;
	s12 =	smov.u32 s13;
	s15 =	sadd.s32 $0x40, s13  }
0x19: {  	[tilespmem:s2], [sflag:$0x2] =	stream.linear.gather [hbm4b:s14+s2], $0x200, $0x38;
	[tilespmem:$0x10200] =	vst v63  }
0x1a: {  	p0 =	sne.s32 s13, $0x3C0;
	_ =	swait.ge [sflag:s7], $0x200  }
0x1b: {  	[sflag:s7] =	ssyncset.done $0x0  }
0x1c: {  	[sflag:s7] =	ssyncadd.s32 $0xFFFFFE00  }
0x1d: {  	[tilespmem:s8], [sflag:$0x1] =	stream.indirect.gather [hbm4b:s3+s8], $0x80, s2, s8, $0xb8;
	[tilespmem:$0x10200] =	vst v63  }
0x1e: {  	_ =	swait.ge [sflag:s9], $0x10000  }
.Ltmp0:
0x1f: {  	[sflag:s9] =	ssyncset.done $0x0;
	(pc) =	sbr.rel @p0 .LBB2_2-.Ltmp0, $4  }
0x20: {  	[sflag:s9] =	ssyncadd.s32 $0xFFFF0000  }
0x21: {  	[hbm4b:s11+s2] =	stream.linear.scatter [tilespmem:s8], [sflag:$0x2], $0x10000, $0x38;
	[tilespmem:$0x10200] =	vst v63  }
0x22: {  	_ =	swait.ge [sflag:s7], $0x10000  }
0x23: {  	s13 =	smov.u32 s15;
	s11 =	sadd.s32 $0x2000, s11;
	[sflag:s7] =	ssyncset.done $0x0  }
0x24: {  	s12 =	sadd.s32 s12, s6;
	[sflag:s7] =	ssyncadd.s32 $0xFFFF0000  }
0x25: {  	[tilespmem:s2], [sflag:$0x2] =	stream.linear.gather [hbm4b:s12+s2], $0x200, $0x38;
	[tilespmem:$0x10200] =	vst v63  }
0x26: {  	_ =	swait.ge [sflag:s7], $0x200  }
0x27: {  	[sflag:s7] =	ssyncset.done $0x0  }
0x28: {  	[sflag:s7] =	ssyncadd.s32 $0xFFFFFE00  }
0x29: {  	[tilespmem:s8], [sflag:$0x1] =	stream.indirect.gather [hbm4b:s3+s8], $0x80, s2, s8, $0xb8;
	[tilespmem:$0x10200] =	vst v63  }
0x2a: {  	s10 =	sadd.s32 $0x1, s10;
	_ =	swait.ge [sflag:s9], $0x10000  }
0x2b: {  	p0 =	sne.s32 s10, s4;
	[sflag:s9] =	ssyncset.done $0x0  }
.Ltmp1:
0x2c: {  	[sflag:s9] =	ssyncadd.s32 $0xFFFF0000;
	(pc) =	sbr.rel @p0 .LBB2_1-.Ltmp1, $4  }
0x2d: {  	[hbm4b:s11+s2] =	stream.linear.scatter [tilespmem:s8], [sflag:$0x2], $0x10000, $0x38;
	[tilespmem:$0x10200] =	vst v63  }
0x2e: {  	_ =	swait.ge [sflag:s7], $0x10000  }
0x2f: {  	[sflag:s7] =	ssyncset.done $0x0  }
0x30: {  	[sflag:s7] =	ssyncadd.s32 $0xFFFF0000  }
0x31: {  	_ =	sfence.sel $0x180000  }
0x32: {  	[bflag:$0x0] =	sbarrier.arrive $0xFFFF  }
0x33: {  	p0 =	sne.s32 s1, $0x0;
	_ =	strace $0x90000047  }
0x34: {  	s0 =	sadd.s32 @!p0 $0x100000, s0;
	[bflag:$0x2] =	sbarrier.arrive $0xFFFF  }
0x35: {  	[sflag:s0] =	ssyncadd.tile.s32 @!p0 $0x1;
	_ =	shalt  }
.Lfunc_end2:
_tile_overlayer_lowered:
.L_overlay_start_2:
0x36: {  	(tag) =	ssettag $0x2  }
0x37: {  	s0 =	rddreg [dreg:$0x0];
	s2 =	stileid.u32  }
0x38: {  	s1 =	rddreg [dreg:$0x1];
	p0 =	sne.s32 s2, $0x0  }
0x39: {  	s3 =	rddreg [dreg:$0x2];
	[bflag:$0x3] =	sbarrier.arrive $0xFFFF;
	s2 =	simm.s32 @!p0 $0x1C02  }
0x3a: {  	[timem:s3], [sflag:s2] =	dma.local @!p0 [hbm:s0], s1  }
0x3b: {  	s0 =	simm.s32 @!p0 $0x2  }
0x3c: {  	_ =	swait.ge @!p0 [sflag:s0], s1  }
0x3d: {  	s1 =	ssub.s32 @!p0 $0x0, s1;
	[sflag:s0] =	ssyncset.done @!p0 $0x0  }
0x3e: {  	[sflag:s0] =	ssyncadd.s32 @!p0 s1  }
0x3f: {  	[bflag:$0x3] =	sbarrier.arrive $0xFFFF  }
0x40: {  	_ =	shalt  }

// kernel: kernel.14.cloned.1.call-start
scs
__scs_entry_jumppad:
0x0: {  	(pc) =	sbr.rel $0x88, $3  }
0x1: {  	(tag) =	ssettag $0x0;
	lr =	simm.s32 $0x1  }
0x2: {  	[smem:$0x3F6D] =	sst lr;
	_ =	strace $0xD0000000  }
0x3: {  	_ = 	snop  }
0x4: {  	_ = 	snop  }
0x5: {  	_ = 	snop  }
0x6: {  	_ = 	snop  }
0x7: {  	_ = 	snop  }
__scs_overlays_trampoline_lowered:
0x8: {  	[smem:$0x3F7C] =	sst s0  }
0x9: {  	[smem:$0x3F7D] =	sst s1  }
0xa: {  	[smem:$0x3F7E] =	sst s2  }
0xb: {  	[smem:$0x3F7F] =	sst s3  }
0xc: {  	[smem:$0x3F80] =	sst s4  }
0xd: {  	[smem:$0x3F81] =	sst s5  }
0xe: {  	[smem:$0x3F82] =	sst s6  }
0xf: {  	[smem:$0x3F83] =	sst s7  }
0x10: {  	[smem:$0x3F84] =	sst s8  }
0x11: {  	[smem:$0x3F85] =	sst s9;
	s0 =	simm.s32 @!p0 $0x0  }
0x12: {  	s1 =	sld [smem:$0x3F6B];
	s0 =	simm.s32 @p0 $0x1  }
0x13: {  	[smem:$0x3F86] =	sst s0;
	s0 =	simm.s32 @!p1 $0x0  }
0x14: {  	s2 =	sld [smem:$0x3F6A];
	s0 =	simm.s32 @p1 $0x1  }
0x15: {  	[smem:$0x3F87] =	sst s0;
	s0 =	simm.s32 @!p2 $0x0  }
0x16: {  	s3 =	sld [smem:$0x3FDB];
	s0 =	simm.s32 @p2 $0x1  }
0x17: {  	s4 =	simm.s32 $0x1BF5;
	[smem:$0x3F89] =	sst s0  }
0x18: {  	s0 =	sld [smem:$0x3F6C];
	_ =	swait.ge [sflag:s4], $0x0  }
0x19: {  	s7 =	sld [smem:$0x3F6D]  }
0x1a: {  	s8 =	sadd.s32 $0xFFFFE003, lr  }
0x1b: {  	s9 =	sadd.s32 $0xFFFFFEF7, lr;
	s5 =	simm.s32 $0xFFFFFFFF;
	p2 =	slt.u32 s8, $0xFFFFF086  }
0x1c: {  	p1 =	slt.u32 s9, $0xF7A;
	s5 =	simm.s32 @!p2 $0x0  }
0x1d: {  	s5 =	simm.s32 @p1 $0x1;
	p0 =	seq.s32 s7, s2  }
0x1e: {  	s7 =	smul.u32 @!p0 $0xF7A, s2;
	p2 =	seq.s32 @!p0 s5, $0x0  }
0x1f: {  	s9 =	smul.u32 $0xF7A, s1;
	s8 =	simm.s32 @!p0 $0x1BF5;
	p2 =	por !p2, p0  }
0x20: {  	[sflag:s8] =	ssyncset.s32 @!p0 $0xFFFFF086;
	s6 =	sadd.s32 @!p0 s3, s7;
	s7 =	simm.s32 @!p0 $0x108  }
0x21: {  	s3 =	sadd.s32 s3, s9;
	s6 =	sadd.s32 @!p0 $0x88, s6;
	s7 =	simm.s32 @p2 $0x1082  }
0x22: {  	[simem:s7], [sflag:s8] =	dma.local @!p0 [hbm:s6], $0xF7A  }
0x23: {  	s9 =	sor.u32 $0xD0000000, s2;
	s6 =	simm.s32 $0x108;
	_ =	swait.ge @!p0 [sflag:s8], $0x0  }
0x24: {  	s3 =	sadd.s32 $0x88, s3;
	s6 =	simm.s32 @!p1 $0x1082;
	[sflag:s4] =	ssyncset.s32 $0xFFFFF086  }
0x25: {  	[simem:s6], [sflag:s4] =	dma.local [hbm:s3], $0xF7A  }
0x26: {  	[smem:$0x3F6D] =	sst s1;
	(tag) =	ssettag s2;
	_ =	strace s9  }
0x27: {  	s1 =	sld [smem:$0x3F7D]  }
0x28: {  	s2 =	sld [smem:$0x3F7E]  }
0x29: {  	s4 =	sld [smem:$0x3F80]  }
0x2a: {  	p0 =	seq.s32 s5, $0x0;
	s5 =	sld [smem:$0x3F81]  }
0x2b: {  	s6 =	sld [smem:$0x3F82]  }
0x2c: {  	s7 =	sld [smem:$0x3F83]  }
0x2d: {  	s3 =	simm.s32 $0x108;
	s8 =	sld [smem:$0x3F84]  }
0x2e: {  	s3 =	simm.s32 @!p0 $0x1082;
	s9 =	sld [smem:$0x3F85]  }
0x2f: {  	lr =	sadd.s32 s0, s3;
	s0 =	sld [smem:$0x3F7C]  }
0x30: {  	s3 =	sld [smem:$0x3F7F]  }
0x31: {  	[smem:$0x3F88] =	sst s10  }
0x32: {  	s10 =	sld [smem:$0x3F86];
	_ =	sdelay $0x3  }
0x33: {  	p0 =	seq.s32 s10, $0x1;
	s10 =	sld [smem:$0x3F88];
	_ =	sdelay $0x3  }
0x34: {  	[smem:$0x3F88] =	sst s10  }
0x35: {  	s10 =	sld [smem:$0x3F87];
	_ =	sdelay $0x3  }
0x36: {  	p1 =	seq.s32 s10, $0x1;
	s10 =	sld [smem:$0x3F88];
	_ =	sdelay $0x3  }
0x37: {  	[smem:$0x3F88] =	sst s10  }
0x38: {  	s10 =	sld [smem:$0x3F89]  }
0x39: {  	_ = 	snop;
	(pc) =	sbr.ind lr, $3  }
0x3a: {  	_ = 	snop  }
0x3b: {  	_ = 	snop  }
0x3c: {  	p2 =	seq.s32 s10, $0x1;
	s10 =	sld [smem:$0x3F88]  }
0x3d: {  	_ =	shalt  }
0x3e: {  	_ =	shalt  }
0x3f: {  	_ =	shalt  }
0x40: {  	_ =	shalt  }
0x41: {  	_ =	shalt  }
0x42: {  	_ =	shalt  }
0x43: {  	_ =	shalt  }
0x44: {  	_ =	shalt  }
0x45: {  	_ =	shalt  }
0x46: {  	_ =	shalt  }
0x47: {  	_ =	shalt  }
0x48: {  	_ =	shalt  }
0x49: {  	_ =	shalt  }
0x4a: {  	_ =	shalt  }
0x4b: {  	_ =	shalt  }
0x4c: {  	_ =	shalt  }
0x4d: {  	_ =	shalt  }
0x4e: {  	_ =	shalt  }
0x4f: {  	_ =	shalt  }
0x50: {  	_ =	shalt  }
0x51: {  	_ =	shalt  }
0x52: {  	_ =	shalt  }
0x53: {  	_ =	shalt  }
0x54: {  	_ =	shalt  }
0x55: {  	_ =	shalt  }
0x56: {  	_ =	shalt  }
0x57: {  	_ =	shalt  }
0x58: {  	_ =	shalt  }
0x59: {  	_ =	shalt  }
0x5a: {  	_ =	shalt  }
0x5b: {  	_ =	shalt  }
0x5c: {  	_ =	shalt  }
0x5d: {  	_ =	shalt  }
0x5e: {  	_ =	shalt  }
0x5f: {  	_ =	shalt  }
0x60: {  	_ =	shalt  }
0x61: {  	_ =	shalt  }
0x62: {  	_ =	shalt  }
0x63: {  	_ =	shalt  }
0x64: {  	_ =	shalt  }
0x65: {  	_ =	shalt  }
0x66: {  	_ =	shalt  }
0x67: {  	_ =	shalt  }
0x68: {  	_ =	shalt  }
0x69: {  	_ =	shalt  }
0x6a: {  	_ =	shalt  }
0x6b: {  	_ =	shalt  }
0x6c: {  	_ =	shalt  }
0x6d: {  	_ =	shalt  }
0x6e: {  	_ =	shalt  }
0x6f: {  	_ =	shalt  }
0x70: {  	_ =	shalt  }
0x71: {  	_ =	shalt  }
0x72: {  	_ =	shalt  }
0x73: {  	_ =	shalt  }
0x74: {  	_ =	shalt  }
0x75: {  	_ =	shalt  }
0x76: {  	_ =	shalt  }
0x77: {  	_ =	shalt  }
0x78: {  	_ =	shalt  }
0x79: {  	_ =	shalt  }
0x7a: {  	_ =	shalt  }
0x7b: {  	_ =	shalt  }
0x7c: {  	_ =	shalt  }
0x7d: {  	_ =	shalt  }
0x7e: {  	_ =	shalt  }
0x7f: {  	_ =	shalt  }
0x80: {  	_ =	shalt  }
0x81: {  	_ =	shalt  }
0x82: {  	_ =	shalt  }
0x83: {  	_ =	shalt  }
0x84: {  	_ =	shalt  }
0x85: {  	_ =	shalt  }
0x86: {  	_ =	shalt  }
0x87: {  	_ =	shalt  }
.Lfunc_end0:
.L_simem_size_0:
called_computation.1_lowered:
.L_overlay_start_0:
0x88: {  	s2 =	sld [smem:$0x3FD9]  }
0x89: {  	s3 =	sld [smem:$0x3FFE];
	_ =	sdelay $0x1  }
0x8a: {  	s1 =	srdreg.scid  }
0x8b: {  	s0 =	sand.u32 $0x1, s1  }
0x8c: {  	s14 =	sshll.u32 s0, $0xA;
	s2 =	sadd.s32 s3, s2  }
0x8d: {  	s2 =	sadd.s32 s2, s14  }
0x8e: {  	[smem:$0x3F94] =	sst s2  }
0x8f: {  	_ = 	snop  }
0x90: {  	s2 =	sld [smem:$0x3FD0];
	_ =	sdelay $0x2  }
0x91: {  	s15 =	simm.s32 $0xA;
	s4 =	simm.s32 $0x10  }
0x92: {  	[smem:s4], [sflag:s15] =	dma.local [hbm:s2], $0x1  }
0x93: {  	_ =	swait.eq [sflag:s15], $0x1  }
0x94: {  	[sflag:s15] =	ssyncset.done $0x0  }
0x95: {  	[sflag:s15] =	ssyncadd.s32 $0xFFFFFFFF  }
0x96: {  	s16 =	sld [smem:$0x10];
	(tm) =	ssettm $0x1  }
0x97: {  	s17 =	sld [smem:$0x3FFB];
	_ =	sdelay $0x3  }
0x98: {  	_ =	strace s17  }
0x99: {  	s3 =	sld [smem:$0x3FFC];
	_ =	sdelay $0x3  }
0x9a: {  	_ =	strace s3  }
0x9b: {  	s3 =	sld [smem:$0x3FFD];
	_ =	sdelay $0x3  }
0x9c: {  	_ =	strace s3  }
0x9d: {  	_ =	strace $0x8FFFFFFF  }
0x9e: {  	s18 =	sld [smem:$0x3FDB];
	_ =	sdelay $0x1  }
0x9f: {  	s19 =	simm.s32 $_scs_section_size  }
0xa0: {  	s5 =	simm.s32 $_size__tile_overlayer_lowered;
	s6 =	simm.s32 $_tile_overlayer_lowered  }
0xa1: {  	s22 =	simm.s32 $0x1BFF;
	s21 =	sshll.u32 s6, $0x1;
	s3 =	sadd.s32 s19, s18  }
0xa2: {  	s7 =	simm.s32 $0x0;
	s20 =	sshll.u32 s5, $0x1;
	s5 =	sadd.s32 s21, s3  }
0xa3: {  	[timem:s7], [sflag:s22] =	dma.local [hbm:s5], s20  }
0xa4: {  	_ =	swait.ge [sflag:s22], s20  }
0xa5: {  	s4 =	ssub.s32 $0x0, s20;
	[sflag:s22] =	ssyncset.done $0x0  }
0xa6: {  	[sflag:s22] =	ssyncadd.s32 s4;
	_ =	sdelay $0x1  }
0xa7: {  	s23 =	simm.s32 $0x1B8B  }
0xa8: {  	_ =	swait.ge [sflag:s23], $0x1  }
0xa9: {  	[sflag:s23] =	ssyncset.done $0x0  }
0xaa: {  	s25 =	simm.s32 $0x1B8E;
	s24 =	sld [smem:$0x3FFE];
	[sflag:s23] =	ssyncadd.s32 $0xFFFFFFFF  }
0xab: {  	s26 =	simm.s32 $execute0_lowered;
	[smem:$0x3FD2] =	sst s25  }
0xac: {  	s5 =	sshll.u32 s26, $0x1;
	_ =	strace $0x80000049;
	[dreg:$0x1] =	wrdreg $0xFFFFFFFF  }
0xad: {  	s28 =	simm.s32 $_size_execute0_lowered;
	s3 =	sadd.s32 s3, s5;
	[dreg:$0x0] =	wrdreg $0x0  }
0xae: {  	s5 =	sshll.u32 s28, $0x1;
	[dreg:$0x2] =	wrdreg s3  }
0xaf: {  	[dreg:$0x3] =	wrdreg s5  }
0xb0: {  	[dreg:$0x4] =	wrdreg $0xC0  }
0xb1: {  	_ =	task [dreg:s7], $0x5FFFF  }
0xb2: {  	[dreg:$0x1] =	wrdreg $0xFFFFFFFF  }
0xb3: {  	[dreg:$0x0] =	wrdreg $0x60  }
0xb4: {  	[dreg:$0x2] =	wrdreg s16  }
0xb5: {  	[dreg:$0x3] =	wrdreg s24  }
0xb6: {  	[dreg:$0x4] =	wrdreg $0x9  }
0xb7: {  	_ =	task.clear_ibuf [dreg:s7], $0x5FFFF;
	_ =	strace $0x90000049  }
0xb8: {  	s29 =	simm.s32 $0x9;
	_ =	strace $0x8000004B  }
0xb9: {  	_ =	swait.ge [sflag:s29], $0x1  }
0xba: {  	[sflag:s29] =	ssyncadd.s32 $0xFFFFFFFF  }
0xbb: {  	_ =	strace $0x9000004B  }
0xbc: {  	_ =	sfence  }
0xbd: {  	s30 =	sld [smem:$0x0];
	_ =	sdelay $0x2  }
0xbe: {  	s31 =	sshll.u32 s1, $0xD;
	s1 =	sshrl.u32 s1, $0x2  }
0xbf: {  	s3 =	sand.u32 $0x4000, s31;
	s1 =	sadd.s32 s1, s30  }
0xc0: {  	s0 =	sor.u32 s3, s0;
	s1 =	sshll.u32 s1, $0x11  }
0xc1: {  	s0 =	sor.u32 s1, s0  }
0xc2: {  	s0 =	sadd.s32 $0x8F2B, s0  }
0xc3: {  	[sflag:s0] =	ssyncadd.remote.s32 $0x1  }
0xc4: {  	_ =	sfence.sel $0xFFFF  }
0xc5: {  	[dreg:$0x0] =	wrdreg $0xFFFFFFFF;
	(pc) =	sbr.abs _section_cstart, $3  }
0xc6: {  	[dreg:$0x1] =	wrdreg $0xFFFFFFFF  }
0xc7: {  	_ =	task.clear_ibuf [dreg:s7], $0x2FFFF;
	_ =	strace $0x9FFFFFFF  }
0xc8: {  	(tm) =	ssettm $0x7FFFFFFF  }
0xc9: {  	_ =	shalt  }
tec
execute0_lowered:
.L_overlay_start_1:
0x0: {  	(tag) =	ssettag $0x1  }
0x1: {  	s1 =	rddreg [dreg:$0x0]  }
0x2: {  	s4 =	rddreg [dreg:$0x1]  }
0x3: {  	s0 =	rddreg [dreg:$0x2];
	s5 =	srdreg.scid  }
0x4: {  	s3 =	simm.s32 $0x0;
	s2 =	stileid.u32;
	s10 =	simm.s32 $0x0  }
0x5: {  	s5 =	sand.u32 $0x1, s5;
	[smem:$0x7FF] =	sst s3;
	s6 =	sshll.u32 s2, $0xD  }
0x6: {  	s8 =	sshll.u32 s2, $0x11;
	s7 =	sshll.u32 s5, $0xC;
	_ =	strace $0x8000004A  }
0x7: {  	s31 =	ssub.s32 $0x2, s5;
	s8 =	sadd.s32 s8, s4;
	s5 =	sshll.u32 s5, $0x10  }
0x8: {  	s6 =	sor.u32 s7, s6;
	s9 =	sshrl.u32 s31, $0x1;
	s5 =	sadd.s32 s5, s8  }
0x9: {  	s8 =	simm.s32 $0x200;
	s6 =	sshrl.u32 s6, $0x3;
	s7 =	ssub.s32 s31, s9  }
0xa: {  	s5 =	sadd.s32 $0xCF1C00, s5;
	s9 =	simm.s32 $0x1;
	s6 =	sadd.s32 s6, s4  }
0xb: {  	s4 =	smax.u32 s7, $0x1;
	s7 =	simm.s32 $0x2;
	s6 =	sadd.s32 $0x26800, s6  }
.LBB2_1:
0xc: {  	s11 =	sadd.s32 $0x0, s6  }
0xd: {  	[tilespmem:s3], [sflag:$0x2] =	stream.linear.gather [hbm4b:s11+s3], $0x200, $0x38;
	[tilespmem:$0x10200] =	vst v63  }
0xe: {  	_ =	swait.ge [sflag:s7], $0x200  }
0xf: {  	[sflag:s7] =	ssyncset.done $0x0  }
0x10: {  	[sflag:s7] =	ssyncadd.s32 $0xFFFFFE00  }
0x11: {  	[tilespmem:s8], [sflag:$0x1] =	stream.indirect.gather [hbm4b:s1+s8], $0x80, s3, s8, $0xb8;
	[tilespmem:$0x10200] =	vst v63  }
0x12: {  	_ =	swait.ge [sflag:s9], $0x10000  }
0x13: {  	[sflag:s9] =	ssyncset.done $0x0  }
0x14: {  	[sflag:s9] =	ssyncadd.s32 $0xFFFF0000  }
0x15: {  	[hbm4b:s5+s3] =	stream.linear.scatter [tilespmem:s8], [sflag:$0x2], $0x10000, $0x38;
	[tilespmem:$0x10200] =	vst v63  }
0x16: {  	s12 =	simm.s32 $0x40;
	_ =	swait.ge [sflag:s7], $0x10000  }
0x17: {  	s13 =	simm.s32 $0x80;
	s11 =	sadd.s32 $0x2000, s5;
	[sflag:s7] =	ssyncset.done $0x0  }
.LBB2_2:
0x18: {  	s14 =	sadd.s32 s12, s6  }
0x19: {  	[sflag:s7] =	ssyncadd.s32 $0xFFFF0000;
	s12 =	smov.u32 s13;
	s15 =	sadd.s32 $0x40, s13  }
0x1a: {  	[tilespmem:s3], [sflag:$0x2] =	stream.linear.gather [hbm4b:s14+s3], $0x200, $0x38;
	[tilespmem:$0x10200] =	vst v63  }
0x1b: {  	p0 =	sne.s32 s13, $0x1C0;
	_ =	swait.ge [sflag:s7], $0x200  }
0x1c: {  	[sflag:s7] =	ssyncset.done $0x0  }
0x1d: {  	[sflag:s7] =	ssyncadd.s32 $0xFFFFFE00  }
0x1e: {  	[tilespmem:s8], [sflag:$0x1] =	stream.indirect.gather [hbm4b:s1+s8], $0x80, s3, s8, $0xb8;
	[tilespmem:$0x10200] =	vst v63  }
0x1f: {  	_ =	swait.ge [sflag:s9], $0x10000  }
.Ltmp0:
0x20: {  	[sflag:s9] =	ssyncset.done $0x0;
	(pc) =	sbr.rel @p0 .LBB2_2-.Ltmp0, $4  }
0x21: {  	[sflag:s9] =	ssyncadd.s32 $0xFFFF0000  }
0x22: {  	[hbm4b:s11+s3] =	stream.linear.scatter [tilespmem:s8], [sflag:$0x2], $0x10000, $0x38;
	[tilespmem:$0x10200] =	vst v63  }
0x23: {  	_ =	swait.ge [sflag:s7], $0x10000  }
0x24: {  	s13 =	smov.u32 s15;
	s11 =	sadd.s32 $0x2000, s11;
	[sflag:s7] =	ssyncset.done $0x0  }
0x25: {  	s12 =	sadd.s32 s12, s6;
	[sflag:s7] =	ssyncadd.s32 $0xFFFF0000  }
0x26: {  	[tilespmem:s3], [sflag:$0x2] =	stream.linear.gather [hbm4b:s12+s3], $0x200, $0x38;
	[tilespmem:$0x10200] =	vst v63  }
0x27: {  	_ =	swait.ge [sflag:s7], $0x200  }
0x28: {  	[sflag:s7] =	ssyncset.done $0x0  }
0x29: {  	[sflag:s7] =	ssyncadd.s32 $0xFFFFFE00  }
0x2a: {  	[tilespmem:s8], [sflag:$0x1] =	stream.indirect.gather [hbm4b:s1+s8], $0x80, s3, s8, $0xb8;
	[tilespmem:$0x10200] =	vst v63  }
0x2b: {  	s10 =	sadd.s32 $0x1, s10;
	_ =	swait.ge [sflag:s9], $0x10000  }
0x2c: {  	p0 =	sne.s32 s10, s4;
	[sflag:s9] =	ssyncset.done $0x0  }
.Ltmp1:
0x2d: {  	[sflag:s9] =	ssyncadd.s32 $0xFFFF0000;
	(pc) =	sbr.rel @p0 .LBB2_1-.Ltmp1, $4  }
0x2e: {  	[hbm4b:s11+s3] =	stream.linear.scatter [tilespmem:s8], [sflag:$0x2], $0x10000, $0x38;
	[tilespmem:$0x10200] =	vst v63  }
0x2f: {  	_ =	swait.ge [sflag:s7], $0x10000  }
0x30: {  	[sflag:s7] =	ssyncset.done $0x0  }
0x31: {  	[sflag:s7] =	ssyncadd.s32 $0xFFFF0000  }
0x32: {  	_ =	sfence.sel $0x180000  }
0x33: {  	[bflag:$0x0] =	sbarrier.arrive $0xFFFF  }
0x34: {  	p0 =	sne.s32 s2, $0x0;
	_ =	strace $0x9000004A  }
0x35: {  	s0 =	sadd.s32 @!p0 $0x100000, s0;
	[bflag:$0x2] =	sbarrier.arrive $0xFFFF  }
0x36: {  	[sflag:s0] =	ssyncadd.tile.s32 @!p0 $0x1;
	_ =	shalt  }
.Lfunc_end2:
_tile_overlayer_lowered:
.L_overlay_start_2:
0x37: {  	(tag) =	ssettag $0x2  }
0x38: {  	s0 =	rddreg [dreg:$0x0];
	s2 =	stileid.u32  }
0x39: {  	s1 =	rddreg [dreg:$0x1];
	p0 =	sne.s32 s2, $0x0  }
0x3a: {  	s3 =	rddreg [dreg:$0x2];
	[bflag:$0x3] =	sbarrier.arrive $0xFFFF;
	s2 =	simm.s32 @!p0 $0x1C02  }
0x3b: {  	[timem:s3], [sflag:s2] =	dma.local @!p0 [hbm:s0], s1  }
0x3c: {  	s0 =	simm.s32 @!p0 $0x2  }
0x3d: {  	_ =	swait.ge @!p0 [sflag:s0], s1  }
0x3e: {  	s1 =	ssub.s32 @!p0 $0x0, s1;
	[sflag:s0] =	ssyncset.done @!p0 $0x0  }
0x3f: {  	[sflag:s0] =	ssyncadd.s32 @!p0 s1  }
0x40: {  	[bflag:$0x3] =	sbarrier.arrive $0xFFFF  }
0x41: {  	_ =	shalt  }

</sc_bundles>
